<compile_context>
chip_gen: v7x
topology: tpu7x:2x2x1
jax: 0.10.2.dev20260603
libtpu: 0.0.44.dev20260713+nightly
codegen_flags: <defaults>
</compile_context>

<pallas_src>
import functools

import jax
import jax.numpy as jnp
from jax import lax
from jax.experimental import pallas as pl
from jax.experimental.pallas import tpu as pltpu
from jax.experimental.pallas import tpu_sc as plsc

F = 26
V = 100000
D = 16
B = 16384
ADAPT = 64
TEMP = 5.0
FD = F * D
BS = B // 128

_NC = 2
_NS = 16
_NW = _NC * _NS
_BC = 1024
_NCH = B // _BC
_UPW = F * _NCH // _NW
_RPW = FD // _NW

_SC_PARAMS = pltpu.CompilerParams(needs_layout_passes=False)
_GC = 512


@functools.cache
def _perm3():
    u = jax.random.uniform(jax.random.key(1), (FD, B))
    p = jnp.argsort(u, axis=1).astype(jnp.int32)
    return p.reshape(FD, BS, 128)


def _sc_gather_t(inputs_flat, tables8):
    mesh = plsc.VectorSubcoreMesh(core_axis_name="c", subcore_axis_name="s")

    @functools.partial(
        pl.kernel,
        out_type=jax.ShapeDtypeStruct((FD, BS, 128), jnp.float32),
        mesh=mesh,
        scratch_types=[
            pltpu.VMEM((_GC,), jnp.int32),
            pltpu.VMEM((_GC,), jnp.int32),
            pltpu.VMEM((_GC,), jnp.int32),
            pltpu.VMEM((_GC, 128), jnp.float32),
            pltpu.VMEM((D * 8, 128), jnp.float32),
            pltpu.SemaphoreType.DMA,
        ],
        compiler_params=_SC_PARAMS,
    )
    def k(inp_hbm, tab_hbm, xt_hbm, raw_v, hi_v, lo_v, rows_v, xt_v, sem):
        wid = lax.axis_index("s") * _NC + lax.axis_index("c")
        iota16 = lax.iota(jnp.int32, 16)

        def unit_body(t, _):
            u = wid * _UPW + t
            f = u // _NCH
            c = u % _NCH
            for sub in range(_BC // _GC):
                base = f * B + c * _BC + sub * _GC
                pltpu.sync_copy(inp_hbm.at[pl.ds(base, _GC)], raw_v)
                off = jnp.full((16,), 0, jnp.int32) + f * (V // 8)

                def idx_body(i, _):
                    raw = raw_v[pl.ds(i * 16, 16)]
                    hi_v[pl.ds(i * 16, 16)] = (
                        lax.shift_right_logical(raw, 3) + off
                    )
                    lo_v[pl.ds(i * 16, 16)] = lax.shift_left(
                        lax.bitwise_and(raw, 7), 4
                    )
                    return ()

                lax.fori_loop(0, _GC // 16, idx_body, (), unroll=4)
                pltpu.async_copy(tab_hbm.at[hi_v], rows_v, sem).wait()

                def tr_body(g, _):
                    ridx = g * 16 + iota16
                    lov = lo_v[pl.ds(g * 16, 16)]
                    srow = sub * 4 + lax.div(g, 8)
                    l0 = lax.rem(g, 8) * 16
                    for d in range(D):
                        src = plsc.load_gather(rows_v, [ridx, lov + d])
                        xt_v[8 * d + srow, pl.ds(l0, 16)] = src
                    return ()

                lax.fori_loop(0, _GC // 16, tr_body, ())
            for d in range(D):
                pltpu.sync_copy(
                    xt_v.at[pl.ds(8 * d, 8), :],
                    xt_hbm.at[D * f + d, pl.ds(c * 8, 8), :],
                )
            return ()

        lax.fori_loop(0, _UPW, unit_body, ())

    return k(inputs_flat, tables8)


def _sc_shuffle_gate(xt3, perm3, theta_flat):
    mesh = plsc.VectorSubcoreMesh(core_axis_name="c", subcore_axis_name="s")

    @functools.partial(
        pl.kernel,
        out_type=jax.ShapeDtypeStruct((FD, BS, 128), jnp.float32),
        mesh=mesh,
        scratch_types=[
            pltpu.VMEM((BS, 128), jnp.float32),
            pltpu.VMEM((BS, 128), jnp.int32),
            pltpu.VMEM((BS, 128), jnp.float32),
            pltpu.VMEM((FD,), jnp.float32),
            pltpu.SemaphoreType.DMA,
            pltpu.SemaphoreType.DMA,
        ],
        compiler_params=_SC_PARAMS,
    )
    def k(xt_hbm, perm_hbm, th_hbm, comb_hbm, col_v, pidx_v, out_v, th_v,
          sem1, sem2):
        wid = lax.axis_index("s") * _NC + lax.axis_index("c")
        pltpu.sync_copy(th_hbm, th_v)

        def row_body(t, _):
            j = wid * _RPW + t
            cp1 = pltpu.async_copy(xt_hbm.at[j], col_v, sem1)
            cp2 = pltpu.async_copy(perm_hbm.at[j], pidx_v, sem2)
            cp1.wait()
            cp2.wait()
            thj = plsc.load_gather(th_v, [jnp.full((16,), 0, jnp.int32) + j])
            gj = 1.0 / (1.0 + jnp.exp(thj * (-TEMP)))

            def s_body(s, _):
                for l in range(8):
                    pv = pidx_v[s, pl.ds(l * 16, 16)]
                    sidx = lax.shift_right_logical(pv, 7)
                    lidx = lax.bitwise_and(pv, 127)
                    gath = plsc.load_gather(col_v, [sidx, lidx])
                    straight = col_v[s, pl.ds(l * 16, 16)]
                    out_v[s, pl.ds(l * 16, 16)] = gath + gj * (straight - gath)
                return ()

            lax.fori_loop(0, BS, s_body, ())
            pltpu.sync_copy(out_v, comb_hbm.at[j])
            return ()

        lax.fori_loop(0, _RPW, row_body, ())

    return k(xt3, perm3, theta_flat)


def _tc_matmul(comb3, theta_row, weight):
    BM = 1024

    def body(c_ref, th_ref, w_ref, out_ref, loss_ref):
        ct = c_ref[...].reshape(FD, BM)
        out_ref[...] = lax.dot_general(
            ct,
            w_ref[...],
            (((0,), (0,)), ((), ())),
            preferred_element_type=jnp.float32,
        )

        @pl.when(pl.program_id(0) == 0)
        def _():
            loss_ref[0, 0] = jnp.mean(jax.nn.sigmoid(th_ref[...] * TEMP))

    out, loss = pl.pallas_call(
        body,
        grid=(B // BM,),
        in_specs=[
            pl.BlockSpec((FD, BM // 128, 128), lambda i: (0, i, 0)),
            pl.BlockSpec((1, FD), lambda i: (0, 0)),
            pl.BlockSpec((FD, ADAPT), lambda i: (0, 0)),
        ],
        out_specs=[
            pl.BlockSpec((BM, ADAPT), lambda i: (i, 0)),
            pl.BlockSpec(memory_space=pltpu.SMEM),
        ],
        out_shape=[
            jax.ShapeDtypeStruct((B, ADAPT), jnp.float32),
            jax.ShapeDtypeStruct((1, 1), jnp.float32),
        ],
    )(comb3, theta_row, weight)
    return out, loss[0, 0]


def kernel(inputs, tables, theta, weight):
    inputs_flat = inputs.T.reshape(F * B)
    tables8 = tables.reshape(F * V // 8, 8 * D)
    xt3 = _sc_gather_t(inputs_flat, tables8)
    comb3 = _sc_shuffle_gate(xt3, _perm3(), theta.reshape(FD))
    out, loss = _tc_matmul(comb3, theta.reshape(1, FD), weight)
    return out, loss

# --- scband reference (transcript-rebuilt; emitter-appended) ---
"""Pipeline reference for scband-prune-shuffle-dim-49340584297182 (READ-ONLY COPY).

The authoritative reference and input builder live on the scoring server;
editing this copy changes nothing except your own understanding.
"""

import jax, jax.numpy as jnp
import numpy as np

F = 26        # number of sparse features
V = 100000    # unique values per feature (vocab)
D = 16        # max_emb_dim
B = 16384     # batch size
ADAPT = 64    # adapt_dim
TEMP = 5.0
FS_WEIGHT = 1.0


def shuffle_batch(x, key):
    # Per-feature-dimension independent shuffle over the batch axis.
    b, d = x.shape
    perm = jnp.argsort(jax.random.uniform(key, (d, b)), axis=1)  # [d, b]
    return jnp.take_along_axis(x.T, perm, axis=1).T  # [b, d]


def setup_inputs(seed: int = 0) -> dict:
    key = jax.random.key(seed)
    k1, k2, k3 = jax.random.split(key, 3)
    inputs = jax.random.randint(k1, (B, F), 0, V, dtype=jnp.int32)
    # Stacked per-feature embedding tables (DynamicEmbedding ~ [V, D] table per feature)
    tables = jax.random.normal(k2, (F, V, D), dtype=jnp.float32) * 0.01
    # theta initialized to 0.0 per the module
    theta = jnp.zeros((F, D), dtype=jnp.float32)
    # per-feature weight [D, ADAPT] concatenated along dim 0 -> [F*D, ADAPT], init N(0, 0.01)
    weight = jax.random.normal(k3, (F * D, ADAPT), dtype=jnp.float32) * 0.01
    return {"inputs": inputs, "tables": tables, "theta": theta, "weight": weight}


def reference(inputs, tables, theta, weight):
    # Per-feature embedding lookup, then concat along feature dim
    emb = tables[jnp.arange(F)[None, :], inputs]  # [B, F, D]
    x = emb.reshape(B, F * D)
    # theta_ / weight_ are concatenations over features (already stacked/concat here)
    theta_ = theta.reshape(-1)  # [F*D]
    shuffle_x = shuffle_batch(x, jax.random.key(1))
    g = jax.nn.sigmoid(theta_ * TEMP)
    x_ = x * g + (1.0 - g) * jax.lax.stop_gradient(shuffle_x)
    output = x_ @ weight  # [B, ADAPT]
    # fs_loss
    g_all = jax.nn.sigmoid(theta * TEMP).reshape(-1) * FS_WEIGHT
    fs_loss = jnp.mean(g_all)
    return (output, fs_loss)

if __name__ == "__main__":
    import jax
    _d = setup_inputs()
    print(jax.jit(kernel)(*tuple(_d.values())))

</pallas_src>

<mosaic_0001>
#map = affine_map<(d0, d1) -> (0, 0, 0)>
#map1 = affine_map<(d0, d1) -> (0)>
module attributes {stable_mosaic.version = 14 : i64} {
  func.func @k(%arg0: i32, %arg1: i32, %arg2: memref<416x128x128xf32, #tpu.memory_space<hbm>>, %arg3: memref<416x128x128xi32, #tpu.memory_space<hbm>>, %arg4: memref<416xf32, #tpu.memory_space<hbm>>, %arg5: memref<416x128x128xf32, #tpu.memory_space<hbm>>, %arg6: memref<128x128xf32, #tpu.memory_space<vmem>>, %arg7: memref<128x128xi32, #tpu.memory_space<vmem>>, %arg8: memref<128x128xf32, #tpu.memory_space<vmem>>, %arg9: memref<416xf32, #tpu.memory_space<vmem>>, %arg10: memref<!tpu.dma_semaphore, #tpu.memory_space<semaphore_mem>>, %arg11: memref<!tpu.dma_semaphore, #tpu.memory_space<semaphore_mem>>) attributes {dimension_semantics = [#tpu.dimension_semantics<core_parallel>, #tpu.dimension_semantics<subcore_parallel>], iteration_bounds = array<i64: 2, 16>, scalar_prefetch = 0 : i64, scratch_operands = 6 : i64, tpu.core_type = #tpu.core_type<sc_vector_subcore>, window_params = [{transform_indices = #map}, {transform_indices = #map}, {transform_indices = #map1}, {transform_indices = #map}]} {
    %mul3A = arith.constant 2 : i32
    %mul3A_0 = arith.muli %arg1, %mul3A : i32
    %add3A = arith.addi %mul3A_0, %arg0 : i32
    "tpu.region"() ({
      %run_scoped3A = tpu.sem_alloc : memref<!tpu.dma_semaphore, #tpu.memory_space<semaphore_mem>>
      tpu.enqueue_dma source(%arg4 : memref<416xf32, #tpu.memory_space<hbm>>) target(%arg9 : memref<416xf32, #tpu.memory_space<vmem>>) target_semaphore(%run_scoped3A : memref<!tpu.dma_semaphore, #tpu.memory_space<semaphore_mem>>)
      tpu.wait_dma2 semaphore(%run_scoped3A : memref<!tpu.dma_semaphore, #tpu.memory_space<semaphore_mem>>) src(%arg4 : memref<416xf32, #tpu.memory_space<hbm>>) dst(%arg9 : memref<416xf32, #tpu.memory_space<vmem>>)
      tpu.yield
    }) : () -> ()
    %scan3A = arith.constant 0 : i32
    %scan3A_1 = arith.constant 13 : i32
    %scan3A_2 = arith.addi %scan3A, %scan3A_1 : i32
    %scan3A_3 = arith.constant 1 : i32
    scf.for %scan3A_5 = %scan3A to %scan3A_2 step %scan3A_3  : i32 {
      %mul3A_6 = arith.constant 13 : i32
      %mul3A_7 = arith.muli %add3A, %mul3A_6 : i32
      %add3A_8 = arith.addi %mul3A_7, %scan3A_5 : i32
      %dma_start3A = arith.constant 0 : i32
      %dma_start3A_9 = arith.constant 0 : i32
      %dma_start3A_10 = tpu.memref_slice %arg2[%add3A_8, %dma_start3A, %dma_start3A_9] : memref<416x128x128xf32, #tpu.memory_space<hbm>> -> memref<1x128x128xf32, #tpu.memory_space<hbm>>
      %dma_start3A_11 = tpu.memref_squeeze %dma_start3A_10 : memref<1x128x128xf32, #tpu.memory_space<hbm>> -> memref<128x128xf32, #tpu.memory_space<hbm>>
      %dma_start3A_12 = arith.constant 0 : i32
      %dma_start3A_13 = arith.constant 0 : i32
      %dma_start3A_14 = tpu.memref_slice %arg2[%add3A_8, %dma_start3A_12, %dma_start3A_13] : memref<416x128x128xf32, #tpu.memory_space<hbm>> -> memref<1x128x128xf32, #tpu.memory_space<hbm>>
      %dma_start3A_15 = tpu.memref_squeeze %dma_start3A_14 : memref<1x128x128xf32, #tpu.memory_space<hbm>> -> memref<128x128xf32, #tpu.memory_space<hbm>>
      tpu.enqueue_dma source(%dma_start3A_15 : memref<128x128xf32, #tpu.memory_space<hbm>>) target(%arg6 : memref<128x128xf32, #tpu.memory_space<vmem>>) target_semaphore(%arg10 : memref<!tpu.dma_semaphore, #tpu.memory_space<semaphore_mem>>)
      %dma_start3A_16 = arith.constant 0 : i32
      %dma_start3A_17 = arith.constant 0 : i32
      %dma_start3A_18 = tpu.memref_slice %arg3[%add3A_8, %dma_start3A_16, %dma_start3A_17] : memref<416x128x128xi32, #tpu.memory_space<hbm>> -> memref<1x128x128xi32, #tpu.memory_space<hbm>>
      %dma_start3A_19 = tpu.memref_squeeze %dma_start3A_18 : memref<1x128x128xi32, #tpu.memory_space<hbm>> -> memref<128x128xi32, #tpu.memory_space<hbm>>
      %dma_start3A_20 = arith.constant 0 : i32
      %dma_start3A_21 = arith.constant 0 : i32
      %dma_start3A_22 = tpu.memref_slice %arg3[%add3A_8, %dma_start3A_20, %dma_start3A_21] : memref<416x128x128xi32, #tpu.memory_space<hbm>> -> memref<1x128x128xi32, #tpu.memory_space<hbm>>
      %dma_start3A_23 = tpu.memref_squeeze %dma_start3A_22 : memref<1x128x128xi32, #tpu.memory_space<hbm>> -> memref<128x128xi32, #tpu.memory_space<hbm>>
      tpu.enqueue_dma source(%dma_start3A_23 : memref<128x128xi32, #tpu.memory_space<hbm>>) target(%arg7 : memref<128x128xi32, #tpu.memory_space<vmem>>) target_semaphore(%arg11 : memref<!tpu.dma_semaphore, #tpu.memory_space<semaphore_mem>>)
      %dma_wait3A = arith.constant 0 : i32
      %dma_wait3A_24 = arith.constant 0 : i32
      %dma_wait3A_25 = tpu.memref_slice %arg2[%add3A_8, %dma_wait3A, %dma_wait3A_24] : memref<416x128x128xf32, #tpu.memory_space<hbm>> -> memref<1x128x128xf32, #tpu.memory_space<hbm>>
      %dma_wait3A_26 = tpu.memref_squeeze %dma_wait3A_25 : memref<1x128x128xf32, #tpu.memory_space<hbm>> -> memref<128x128xf32, #tpu.memory_space<hbm>>
      %dma_wait3A_27 = arith.constant 0 : i32
      %dma_wait3A_28 = arith.constant 0 : i32
      %dma_wait3A_29 = tpu.memref_slice %arg2[%add3A_8, %dma_wait3A_27, %dma_wait3A_28] : memref<416x128x128xf32, #tpu.memory_space<hbm>> -> memref<1x128x128xf32, #tpu.memory_space<hbm>>
      %dma_wait3A_30 = tpu.memref_squeeze %dma_wait3A_29 : memref<1x128x128xf32, #tpu.memory_space<hbm>> -> memref<128x128xf32, #tpu.memory_space<hbm>>
      tpu.wait_dma2 semaphore(%arg10 : memref<!tpu.dma_semaphore, #tpu.memory_space<semaphore_mem>>) src(%dma_wait3A_30 : memref<128x128xf32, #tpu.memory_space<hbm>>) dst(%arg6 : memref<128x128xf32, #tpu.memory_space<vmem>>)
      %dma_wait3A_31 = arith.constant 0 : i32
      %dma_wait3A_32 = arith.constant 0 : i32
      %dma_wait3A_33 = tpu.memref_slice %arg3[%add3A_8, %dma_wait3A_31, %dma_wait3A_32] : memref<416x128x128xi32, #tpu.memory_space<hbm>> -> memref<1x128x128xi32, #tpu.memory_space<hbm>>
      %dma_wait3A_34 = tpu.memref_squeeze %dma_wait3A_33 : memref<1x128x128xi32, #tpu.memory_space<hbm>> -> memref<128x128xi32, #tpu.memory_space<hbm>>
      %dma_wait3A_35 = arith.constant 0 : i32
      %dma_wait3A_36 = arith.constant 0 : i32
      %dma_wait3A_37 = tpu.memref_slice %arg3[%add3A_8, %dma_wait3A_35, %dma_wait3A_36] : memref<416x128x128xi32, #tpu.memory_space<hbm>> -> memref<1x128x128xi32, #tpu.memory_space<hbm>>
      %dma_wait3A_38 = tpu.memref_squeeze %dma_wait3A_37 : memref<1x128x128xi32, #tpu.memory_space<hbm>> -> memref<128x128xi32, #tpu.memory_space<hbm>>
      tpu.wait_dma2 semaphore(%arg11 : memref<!tpu.dma_semaphore, #tpu.memory_space<semaphore_mem>>) src(%dma_wait3A_38 : memref<128x128xi32, #tpu.memory_space<hbm>>) dst(%arg7 : memref<128x128xi32, #tpu.memory_space<vmem>>)
      %broadcast_in_dim3A = arith.constant 0 : i32
      %broadcast_in_dim3A_39 = vector.broadcast %broadcast_in_dim3A : i32 to vector<16xi32>
      %add3A_40 = vector.broadcast %add3A_8 : i32 to vector<16xi32>
      %add3A_41 = arith.addi %broadcast_in_dim3A_39, %add3A_40 : vector<16xi32>
      %gather3A = tpu.vector_load_idx %arg9[%add3A_41] : memref<416xf32, #tpu.memory_space<vmem>>[vector<16xi32>], vector<16xf32>,
      %mul3A_42 = arith.constant -5.000000e+00 : f32
      %mul3A_43 = vector.broadcast %mul3A_42 : f32 to vector<16xf32>
      %mul3A_44 = arith.mulf %gather3A, %mul3A_43 : vector<16xf32>
      %exp3A = math.exp %mul3A_44 : vector<16xf32>
      %add3A_45 = arith.constant 1.000000e+00 : f32
      %add3A_46 = vector.broadcast %add3A_45 : f32 to vector<16xf32>
      %add3A_47 = arith.addf %add3A_46, %exp3A : vector<16xf32>
      %div3A = arith.constant 1.000000e+00 : f32
      %div3A_48 = vector.broadcast %div3A : f32 to vector<16xf32>
      %div3A_49 = arith.divf %div3A_48, %add3A_47 : vector<16xf32>
      %scan3A_50 = arith.constant 0 : i32
      %scan3A_51 = arith.constant 128 : i32
      %scan3A_52 = arith.addi %scan3A_50, %scan3A_51 : i32
      %scan3A_53 = arith.constant 1 : i32
      scf.for %scan3A_55 = %scan3A_50 to %scan3A_52 step %scan3A_53  : i32 {
        %get3A = arith.index_cast %scan3A_55 : i32 to index
        %get3A_56 = arith.constant 0 : index
        %get3A_57 = tpu.vector_load %arg7[%get3A, %get3A_56] {strides = array<i32>} : memref<128x128xi32, #tpu.memory_space<vmem>>, vector<16xi32>,
        %shift_right_logical3A = arith.constant 7 : i32
        %shift_right_logical3A_58 = vector.broadcast %shift_right_logical3A : i32 to vector<16xi32>
        %shift_right_logical3A_59 = arith.shrui %get3A_57, %shift_right_logical3A_58 : vector<16xi32>
        %and3A = arith.constant 127 : i32
        %and3A_60 = vector.broadcast %and3A : i32 to vector<16xi32>
        %and3A_61 = arith.andi %get3A_57, %and3A_60 : vector<16xi32>
        %gather3A_62 = tpu.vector_load_idx %arg6[%shift_right_logical3A_59, %and3A_61] : memref<128x128xf32, #tpu.memory_space<vmem>>[vector<16xi32>, vector<16xi32>], vector<16xf32>,
        %get3A_63 = arith.index_cast %scan3A_55 : i32 to index
        %get3A_64 = arith.constant 0 : index
        %get3A_65 = tpu.vector_load %arg6[%get3A_63, %get3A_64] {strides = array<i32>} : memref<128x128xf32, #tpu.memory_space<vmem>>, vector<16xf32>,
        %sub3A = arith.subf %get3A_65, %gather3A_62 : vector<16xf32>
        %mul3A_66 = arith.mulf %div3A_49, %sub3A : vector<16xf32>
        %add3A_67 = arith.addf %gather3A_62, %mul3A_66 : vector<16xf32>
        %swap3A = arith.index_cast %scan3A_55 : i32 to index
        %swap3A_68 = arith.constant 0 : index
        %swap3A_69 = tpu.vector_load %arg8[%swap3A, %swap3A_68] {strides = array<i32>} : memref<128x128xf32, #tpu.memory_space<vmem>>, vector<16xf32>,
        tpu.vector_store %arg8[%swap3A, %swap3A_68], %add3A_67 {strides = array<i32>} : memref<128x128xf32, #tpu.memory_space<vmem>>, vector<16xf32>,
        %get3A_70 = arith.index_cast %scan3A_55 : i32 to index
        %get3A_71 = arith.constant 16 : index
        %get3A_72 = tpu.vector_load %arg7[%get3A_70, %get3A_71] {strides = array<i32>} : memref<128x128xi32, #tpu.memory_space<vmem>>, vector<16xi32>,
        %shift_right_logical3A_73 = arith.constant 7 : i32
        %shift_right_logical3A_74 = vector.broadcast %shift_right_logical3A_73 : i32 to vector<16xi32>
        %shift_right_logical3A_75 = arith.shrui %get3A_72, %shift_right_logical3A_74 : vector<16xi32>
        %and3A_76 = arith.constant 127 : i32
        %and3A_77 = vector.broadcast %and3A_76 : i32 to vector<16xi32>
        %and3A_78 = arith.andi %get3A_72, %and3A_77 : vector<16xi32>
        %gather3A_79 = tpu.vector_load_idx %arg6[%shift_right_logical3A_75, %and3A_78] : memref<128x128xf32, #tpu.memory_space<vmem>>[vector<16xi32>, vector<16xi32>], vector<16xf32>,
        %get3A_80 = arith.index_cast %scan3A_55 : i32 to index
        %get3A_81 = arith.constant 16 : index
        %get3A_82 = tpu.vector_load %arg6[%get3A_80, %get3A_81] {strides = array<i32>} : memref<128x128xf32, #tpu.memory_space<vmem>>, vector<16xf32>,
        %sub3A_83 = arith.subf %get3A_82, %gather3A_79 : vector<16xf32>
        %mul3A_84 = arith.mulf %div3A_49, %sub3A_83 : vector<16xf32>
        %add3A_85 = arith.addf %gather3A_79, %mul3A_84 : vector<16xf32>
        %swap3A_86 = arith.index_cast %scan3A_55 : i32 to index
        %swap3A_87 = arith.constant 16 : index
        %swap3A_88 = tpu.vector_load %arg8[%swap3A_86, %swap3A_87] {strides = array<i32>} : memref<128x128xf32, #tpu.memory_space<vmem>>, vector<16xf32>,
        tpu.vector_store %arg8[%swap3A_86, %swap3A_87], %add3A_85 {strides = array<i32>} : memref<128x128xf32, #tpu.memory_space<vmem>>, vector<16xf32>,
        %get3A_89 = arith.index_cast %scan3A_55 : i32 to index
        %get3A_90 = arith.constant 32 : index
        %get3A_91 = tpu.vector_load %arg7[%get3A_89, %get3A_90] {strides = array<i32>} : memref<128x128xi32, #tpu.memory_space<vmem>>, vector<16xi32>,
        %shift_right_logical3A_92 = arith.constant 7 : i32
        %shift_right_logical3A_93 = vector.broadcast %shift_right_logical3A_92 : i32 to vector<16xi32>
        %shift_right_logical3A_94 = arith.shrui %get3A_91, %shift_right_logical3A_93 : vector<16xi32>
        %and3A_95 = arith.constant 127 : i32
        %and3A_96 = vector.broadcast %and3A_95 : i32 to vector<16xi32>
        %and3A_97 = arith.andi %get3A_91, %and3A_96 : vector<16xi32>
        %gather3A_98 = tpu.vector_load_idx %arg6[%shift_right_logical3A_94, %and3A_97] : memref<128x128xf32, #tpu.memory_space<vmem>>[vector<16xi32>, vector<16xi32>], vector<16xf32>,
        %get3A_99 = arith.index_cast %scan3A_55 : i32 to index
        %get3A_100 = arith.constant 32 : index
        %get3A_101 = tpu.vector_load %arg6[%get3A_99, %get3A_100] {strides = array<i32>} : memref<128x128xf32, #tpu.memory_space<vmem>>, vector<16xf32>,
        %sub3A_102 = arith.subf %get3A_101, %gather3A_98 : vector<16xf32>
        %mul3A_103 = arith.mulf %div3A_49, %sub3A_102 : vector<16xf32>
        %add3A_104 = arith.addf %gather3A_98, %mul3A_103 : vector<16xf32>
        %swap3A_105 = arith.index_cast %scan3A_55 : i32 to index
        %swap3A_106 = arith.constant 32 : index
        %swap3A_107 = tpu.vector_load %arg8[%swap3A_105, %swap3A_106] {strides = array<i32>} : memref<128x128xf32, #tpu.memory_space<vmem>>, vector<16xf32>,
        tpu.vector_store %arg8[%swap3A_105, %swap3A_106], %add3A_104 {strides = array<i32>} : memref<128x128xf32, #tpu.memory_space<vmem>>, vector<16xf32>,
        %get3A_108 = arith.index_cast %scan3A_55 : i32 to index
        %get3A_109 = arith.constant 48 : index
        %get3A_110 = tpu.vector_load %arg7[%get3A_108, %get3A_109] {strides = array<i32>} : memref<128x128xi32, #tpu.memory_space<vmem>>, vector<16xi32>,
        %shift_right_logical3A_111 = arith.constant 7 : i32
        %shift_right_logical3A_112 = vector.broadcast %shift_right_logical3A_111 : i32 to vector<16xi32>
        %shift_right_logical3A_113 = arith.shrui %get3A_110, %shift_right_logical3A_112 : vector<16xi32>
        %and3A_114 = arith.constant 127 : i32
        %and3A_115 = vector.broadcast %and3A_114 : i32 to vector<16xi32>
        %and3A_116 = arith.andi %get3A_110, %and3A_115 : vector<16xi32>
        %gather3A_117 = tpu.vector_load_idx %arg6[%shift_right_logical3A_113, %and3A_116] : memref<128x128xf32, #tpu.memory_space<vmem>>[vector<16xi32>, vector<16xi32>], vector<16xf32>,
        %get3A_118 = arith.index_cast %scan3A_55 : i32 to index
        %get3A_119 = arith.constant 48 : index
        %get3A_120 = tpu.vector_load %arg6[%get3A_118, %get3A_119] {strides = array<i32>} : memref<128x128xf32, #tpu.memory_space<vmem>>, vector<16xf32>,
        %sub3A_121 = arith.subf %get3A_120, %gather3A_117 : vector<16xf32>
        %mul3A_122 = arith.mulf %div3A_49, %sub3A_121 : vector<16xf32>
        %add3A_123 = arith.addf %gather3A_117, %mul3A_122 : vector<16xf32>
        %swap3A_124 = arith.index_cast %scan3A_55 : i32 to index
        %swap3A_125 = arith.constant 48 : index
        %swap3A_126 = tpu.vector_load %arg8[%swap3A_124, %swap3A_125] {strides = array<i32>} : memref<128x128xf32, #tpu.memory_space<vmem>>, vector<16xf32>,
        tpu.vector_store %arg8[%swap3A_124, %swap3A_125], %add3A_123 {strides = array<i32>} : memref<128x128xf32, #tpu.memory_space<vmem>>, vector<16xf32>,
        %get3A_127 = arith.index_cast %scan3A_55 : i32 to index
        %get3A_128 = arith.constant 64 : index
        %get3A_129 = tpu.vector_load %arg7[%get3A_127, %get3A_128] {strides = array<i32>} : memref<128x128xi32, #tpu.memory_space<vmem>>, vector<16xi32>,
        %shift_right_logical3A_130 = arith.constant 7 : i32
        %shift_right_logical3A_131 = vector.broadcast %shift_right_logical3A_130 : i32 to vector<16xi32>
        %shift_right_logical3A_132 = arith.shrui %get3A_129, %shift_right_logical3A_131 : vector<16xi32>
        %and3A_133 = arith.constant 127 : i32
        %and3A_134 = vector.broadcast %and3A_133 : i32 to vector<16xi32>
        %and3A_135 = arith.andi %get3A_129, %and3A_134 : vector<16xi32>
        %gather3A_136 = tpu.vector_load_idx %arg6[%shift_right_logical3A_132, %and3A_135] : memref<128x128xf32, #tpu.memory_space<vmem>>[vector<16xi32>, vector<16xi32>], vector<16xf32>,
        %get3A_137 = arith.index_cast %scan3A_55 : i32 to index
        %get3A_138 = arith.constant 64 : index
        %get3A_139 = tpu.vector_load %arg6[%get3A_137, %get3A_138] {strides = array<i32>} : memref<128x128xf32, #tpu.memory_space<vmem>>, vector<16xf32>,
        %sub3A_140 = arith.subf %get3A_139, %gather3A_136 : vector<16xf32>
        %mul3A_141 = arith.mulf %div3A_49, %sub3A_140 : vector<16xf32>
        %add3A_142 = arith.addf %gather3A_136, %mul3A_141 : vector<16xf32>
        %swap3A_143 = arith.index_cast %scan3A_55 : i32 to index
        %swap3A_144 = arith.constant 64 : index
        %swap3A_145 = tpu.vector_load %arg8[%swap3A_143, %swap3A_144] {strides = array<i32>} : memref<128x128xf32, #tpu.memory_space<vmem>>, vector<16xf32>,
        tpu.vector_store %arg8[%swap3A_143, %swap3A_144], %add3A_142 {strides = array<i32>} : memref<128x128xf32, #tpu.memory_space<vmem>>, vector<16xf32>,
        %get3A_146 = arith.index_cast %scan3A_55 : i32 to index
        %get3A_147 = arith.constant 80 : index
        %get3A_148 = tpu.vector_load %arg7[%get3A_146, %get3A_147] {strides = array<i32>} : memref<128x128xi32, #tpu.memory_space<vmem>>, vector<16xi32>,
        %shift_right_logical3A_149 = arith.constant 7 : i32
        %shift_right_logical3A_150 = vector.broadcast %shift_right_logical3A_149 : i32 to vector<16xi32>
        %shift_right_logical3A_151 = arith.shrui %get3A_148, %shift_right_logical3A_150 : vector<16xi32>
        %and3A_152 = arith.constant 127 : i32
        %and3A_153 = vector.broadcast %and3A_152 : i32 to vector<16xi32>
        %and3A_154 = arith.andi %get3A_148, %and3A_153 : vector<16xi32>
        %gather3A_155 = tpu.vector_load_idx %arg6[%shift_right_logical3A_151, %and3A_154] : memref<128x128xf32, #tpu.memory_space<vmem>>[vector<16xi32>, vector<16xi32>], vector<16xf32>,
        %get3A_156 = arith.index_cast %scan3A_55 : i32 to index
        %get3A_157 = arith.constant 80 : index
        %get3A_158 = tpu.vector_load %arg6[%get3A_156, %get3A_157] {strides = array<i32>} : memref<128x128xf32, #tpu.memory_space<vmem>>, vector<16xf32>,
        %sub3A_159 = arith.subf %get3A_158, %gather3A_155 : vector<16xf32>
        %mul3A_160 = arith.mulf %div3A_49, %sub3A_159 : vector<16xf32>
        %add3A_161 = arith.addf %gather3A_155, %mul3A_160 : vector<16xf32>
        %swap3A_162 = arith.index_cast %scan3A_55 : i32 to index
        %swap3A_163 = arith.constant 80 : index
        %swap3A_164 = tpu.vector_load %arg8[%swap3A_162, %swap3A_163] {strides = array<i32>} : memref<128x128xf32, #tpu.memory_space<vmem>>, vector<16xf32>,
        tpu.vector_store %arg8[%swap3A_162, %swap3A_163], %add3A_161 {strides = array<i32>} : memref<128x128xf32, #tpu.memory_space<vmem>>, vector<16xf32>,
        %get3A_165 = arith.index_cast %scan3A_55 : i32 to index
        %get3A_166 = arith.constant 96 : index
        %get3A_167 = tpu.vector_load %arg7[%get3A_165, %get3A_166] {strides = array<i32>} : memref<128x128xi32, #tpu.memory_space<vmem>>, vector<16xi32>,
        %shift_right_logical3A_168 = arith.constant 7 : i32
        %shift_right_logical3A_169 = vector.broadcast %shift_right_logical3A_168 : i32 to vector<16xi32>
        %shift_right_logical3A_170 = arith.shrui %get3A_167, %shift_right_logical3A_169 : vector<16xi32>
        %and3A_171 = arith.constant 127 : i32
        %and3A_172 = vector.broadcast %and3A_171 : i32 to vector<16xi32>
        %and3A_173 = arith.andi %get3A_167, %and3A_172 : vector<16xi32>
        %gather3A_174 = tpu.vector_load_idx %arg6[%shift_right_logical3A_170, %and3A_173] : memref<128x128xf32, #tpu.memory_space<vmem>>[vector<16xi32>, vector<16xi32>], vector<16xf32>,
        %get3A_175 = arith.index_cast %scan3A_55 : i32 to index
        %get3A_176 = arith.constant 96 : index
        %get3A_177 = tpu.vector_load %arg6[%get3A_175, %get3A_176] {strides = array<i32>} : memref<128x128xf32, #tpu.memory_space<vmem>>, vector<16xf32>,
        %sub3A_178 = arith.subf %get3A_177, %gather3A_174 : vector<16xf32>
        %mul3A_179 = arith.mulf %div3A_49, %sub3A_178 : vector<16xf32>
        %add3A_180 = arith.addf %gather3A_174, %mul3A_179 : vector<16xf32>
        %swap3A_181 = arith.index_cast %scan3A_55 : i32 to index
        %swap3A_182 = arith.constant 96 : index
        %swap3A_183 = tpu.vector_load %arg8[%swap3A_181, %swap3A_182] {strides = array<i32>} : memref<128x128xf32, #tpu.memory_space<vmem>>, vector<16xf32>,
        tpu.vector_store %arg8[%swap3A_181, %swap3A_182], %add3A_180 {strides = array<i32>} : memref<128x128xf32, #tpu.memory_space<vmem>>, vector<16xf32>,
        %get3A_184 = arith.index_cast %scan3A_55 : i32 to index
        %get3A_185 = arith.constant 112 : index
        %get3A_186 = tpu.vector_load %arg7[%get3A_184, %get3A_185] {strides = array<i32>} : memref<128x128xi32, #tpu.memory_space<vmem>>, vector<16xi32>,
        %shift_right_logical3A_187 = arith.constant 7 : i32
        %shift_right_logical3A_188 = vector.broadcast %shift_right_logical3A_187 : i32 to vector<16xi32>
        %shift_right_logical3A_189 = arith.shrui %get3A_186, %shift_right_logical3A_188 : vector<16xi32>
        %and3A_190 = arith.constant 127 : i32
        %and3A_191 = vector.broadcast %and3A_190 : i32 to vector<16xi32>
        %and3A_192 = arith.andi %get3A_186, %and3A_191 : vector<16xi32>
        %gather3A_193 = tpu.vector_load_idx %arg6[%shift_right_logical3A_189, %and3A_192] : memref<128x128xf32, #tpu.memory_space<vmem>>[vector<16xi32>, vector<16xi32>], vector<16xf32>,
        %get3A_194 = arith.index_cast %scan3A_55 : i32 to index
        %get3A_195 = arith.constant 112 : index
        %get3A_196 = tpu.vector_load %arg6[%get3A_194, %get3A_195] {strides = array<i32>} : memref<128x128xf32, #tpu.memory_space<vmem>>, vector<16xf32>,
        %sub3A_197 = arith.subf %get3A_196, %gather3A_193 : vector<16xf32>
        %mul3A_198 = arith.mulf %div3A_49, %sub3A_197 : vector<16xf32>
        %add3A_199 = arith.addf %gather3A_193, %mul3A_198 : vector<16xf32>
        %swap3A_200 = arith.index_cast %scan3A_55 : i32 to index
        %swap3A_201 = arith.constant 112 : index
        %swap3A_202 = tpu.vector_load %arg8[%swap3A_200, %swap3A_201] {strides = array<i32>} : memref<128x128xf32, #tpu.memory_space<vmem>>, vector<16xf32>,
        tpu.vector_store %arg8[%swap3A_200, %swap3A_201], %add3A_199 {strides = array<i32>} : memref<128x128xf32, #tpu.memory_space<vmem>>, vector<16xf32>,
      }
      %scan3A_54 = arith.constant 128 : i32
      "tpu.region"() ({
        %run_scoped3A = tpu.sem_alloc : memref<!tpu.dma_semaphore, #tpu.memory_space<semaphore_mem>>
        %dma_start3A_55 = arith.constant 0 : i32
        %dma_start3A_56 = arith.constant 0 : i32
        %dma_start3A_57 = tpu.memref_slice %arg5[%add3A_8, %dma_start3A_55, %dma_start3A_56] : memref<416x128x128xf32, #tpu.memory_space<hbm>> -> memref<1x128x128xf32, #tpu.memory_space<hbm>>
        %dma_start3A_58 = tpu.memref_squeeze %dma_start3A_57 : memref<1x128x128xf32, #tpu.memory_space<hbm>> -> memref<128x128xf32, #tpu.memory_space<hbm>>
        %dma_start3A_59 = arith.constant 0 : i32
        %dma_start3A_60 = arith.constant 0 : i32
        %dma_start3A_61 = tpu.memref_slice %arg5[%add3A_8, %dma_start3A_59, %dma_start3A_60] : memref<416x128x128xf32, #tpu.memory_space<hbm>> -> memref<1x128x128xf32, #tpu.memory_space<hbm>>
        %dma_start3A_62 = tpu.memref_squeeze %dma_start3A_61 : memref<1x128x128xf32, #tpu.memory_space<hbm>> -> memref<128x128xf32, #tpu.memory_space<hbm>>
        tpu.enqueue_dma source(%arg8 : memref<128x128xf32, #tpu.memory_space<vmem>>) target(%dma_start3A_62 : memref<128x128xf32, #tpu.memory_space<hbm>>) target_semaphore(%run_scoped3A : memref<!tpu.dma_semaphore, #tpu.memory_space<semaphore_mem>>)
        %dma_wait3A_63 = arith.constant 0 : i32
        %dma_wait3A_64 = arith.constant 0 : i32
        %dma_wait3A_65 = tpu.memref_slice %arg5[%add3A_8, %dma_wait3A_63, %dma_wait3A_64] : memref<416x128x128xf32, #tpu.memory_space<hbm>> -> memref<1x128x128xf32, #tpu.memory_space<hbm>>
        %dma_wait3A_66 = tpu.memref_squeeze %dma_wait3A_65 : memref<1x128x128xf32, #tpu.memory_space<hbm>> -> memref<128x128xf32, #tpu.memory_space<hbm>>
        %dma_wait3A_67 = arith.constant 0 : i32
        %dma_wait3A_68 = arith.constant 0 : i32
        %dma_wait3A_69 = tpu.memref_slice %arg5[%add3A_8, %dma_wait3A_67, %dma_wait3A_68] : memref<416x128x128xf32, #tpu.memory_space<hbm>> -> memref<1x128x128xf32, #tpu.memory_space<hbm>>
        %dma_wait3A_70 = tpu.memref_squeeze %dma_wait3A_69 : memref<1x128x128xf32, #tpu.memory_space<hbm>> -> memref<128x128xf32, #tpu.memory_space<hbm>>
        tpu.wait_dma2 semaphore(%run_scoped3A : memref<!tpu.dma_semaphore, #tpu.memory_space<semaphore_mem>>) src(%arg8 : memref<128x128xf32, #tpu.memory_space<vmem>>) dst(%dma_wait3A_70 : memref<128x128xf32, #tpu.memory_space<hbm>>)
        tpu.yield
      }) : () -> ()
    }
    %scan3A_4 = arith.constant 13 : i32
    return
  }
}

#map = affine_map<(d0, d1) -> (0)>
#map1 = affine_map<(d0, d1) -> (0, 0)>
#map2 = affine_map<(d0, d1) -> (0, 0, 0)>
module attributes {stable_mosaic.version = 14 : i64} {
  func.func @k(%arg0: i32, %arg1: i32, %arg2: memref<425984xi32, #tpu.memory_space<hbm>>, %arg3: memref<325000x128xf32, #tpu.memory_space<hbm>>, %arg4: memref<416x128x128xf32, #tpu.memory_space<hbm>>, %arg5: memref<512xi32, #tpu.memory_space<vmem>>, %arg6: memref<512xi32, #tpu.memory_space<vmem>>, %arg7: memref<512xi32, #tpu.memory_space<vmem>>, %arg8: memref<512x128xf32, #tpu.memory_space<vmem>>, %arg9: memref<128x128xf32, #tpu.memory_space<vmem>>, %arg10: memref<!tpu.dma_semaphore, #tpu.memory_space<semaphore_mem>>) attributes {dimension_semantics = [#tpu.dimension_semantics<core_parallel>, #tpu.dimension_semantics<subcore_parallel>], iteration_bounds = array<i64: 2, 16>, scalar_prefetch = 0 : i64, scratch_operands = 6 : i64, tpu.core_type = #tpu.core_type<sc_vector_subcore>, window_params = [{transform_indices = #map}, {transform_indices = #map1}, {transform_indices = #map2}]} {
    %mul3A = arith.constant 2 : i32
    %mul3A_0 = arith.muli %arg1, %mul3A : i32
    %add3A = arith.addi %mul3A_0, %arg0 : i32
    %iota3A = tpu.iota {dimensions = array<i32: 0>} : vector<16xi32>
    %scan3A = arith.constant 0 : i32
    %scan3A_1 = arith.constant 13 : i32
    %scan3A_2 = arith.addi %scan3A, %scan3A_1 : i32
    %scan3A_3 = arith.constant 1 : i32
    scf.for %scan3A_5 = %scan3A to %scan3A_2 step %scan3A_3  : i32 {
      %mul3A_6 = arith.constant 13 : i32
      %mul3A_7 = arith.muli %add3A, %mul3A_6 : i32
      %add3A_8 = arith.addi %mul3A_7, %scan3A_5 : i32
      %jit3A = arith.constant 16 : i32
      %div3A = arith.divsi %add3A_8, %jit3A : i32
      %sign3A = arith.constant 0 : i32
      %sign3A_9 = arith.cmpi sgt, %add3A_8, %sign3A : i32
      %sign3A_10 = arith.extui %sign3A_9 : i1 to i32
      %sign3A_11 = arith.constant 0 : i32
      %sign3A_12 = arith.cmpi slt, %add3A_8, %sign3A_11 : i32
      %sign3A_13 = arith.extui %sign3A_12 : i1 to i32
      %sign3A_14 = arith.subi %sign3A_10, %sign3A_13 : i32
      %sign3A_15 = arith.constant 0 : i32
      %sign3A_16 = arith.cmpi sgt, %jit3A, %sign3A_15 : i32
      %sign3A_17 = arith.extui %sign3A_16 : i1 to i32
      %sign3A_18 = arith.constant 0 : i32
      %sign3A_19 = arith.cmpi slt, %jit3A, %sign3A_18 : i32
      %sign3A_20 = arith.extui %sign3A_19 : i1 to i32
      %sign3A_21 = arith.subi %sign3A_17, %sign3A_20 : i32
      %ne3A = arith.cmpi ne, %sign3A_14, %sign3A_21 : i32
      %rem3A = arith.remsi %add3A_8, %jit3A : i32
      %ne3A_22 = arith.constant 0 : i32
      %ne3A_23 = arith.cmpi ne, %rem3A, %ne3A_22 : i32
      %and3A = arith.andi %ne3A, %ne3A_23 : i1
      %sub3A = arith.constant 1 : i32
      %sub3A_24 = arith.subi %div3A, %sub3A : i32
      %select_n3A = arith.select %and3A, %sub3A_24, %div3A : i32
      %jit3A_25 = arith.constant 16 : i32
      %eq3A = arith.constant 0 : i32
      %eq3A_26 = arith.cmpi eq, %jit3A_25, %eq3A : i32
      %jit3A_27 = arith.constant 1 : i32
      %select_n3A_28 = arith.select %eq3A_26, %jit3A_27, %jit3A_25 : i32
      %rem3A_29 = arith.remsi %add3A_8, %select_n3A_28 : i32
      %ne3A_30 = arith.constant 0 : i32
      %ne3A_31 = arith.cmpi ne, %rem3A_29, %ne3A_30 : i32
      %lt3A = arith.constant 0 : i32
      %lt3A_32 = arith.cmpi slt, %rem3A_29, %lt3A : i32
      %lt3A_33 = arith.constant 0 : i32
      %lt3A_34 = arith.cmpi slt, %select_n3A_28, %lt3A_33 : i32
      %ne3A_35 = arith.xori %lt3A_32, %lt3A_34 : i1
      %and3A_36 = arith.andi %ne3A_35, %ne3A_31 : i1
      %add3A_37 = arith.addi %rem3A_29, %select_n3A_28 : i32
      %select_n3A_38 = arith.select %and3A_36, %add3A_37, %rem3A_29 : i32
      %mul3A_39 = arith.constant 16384 : i32
      %mul3A_40 = arith.muli %select_n3A, %mul3A_39 : i32
      %mul3A_41 = arith.constant 1024 : i32
      %mul3A_42 = arith.muli %select_n3A_38, %mul3A_41 : i32
      %add3A_43 = arith.addi %mul3A_40, %mul3A_42 : i32
      %add3A_44 = arith.constant 0 : i32
      %add3A_45 = arith.addi %add3A_43, %add3A_44 : i32
      "tpu.region"() ({
        %run_scoped3A = tpu.sem_alloc : memref<!tpu.dma_semaphore, #tpu.memory_space<semaphore_mem>>
        %dma_start3A_190 = tpu.memref_slice %arg2[%add3A_45] : memref<425984xi32, #tpu.memory_space<hbm>> -> memref<512xi32, #tpu.memory_space<hbm>>
        %dma_start3A_191 = tpu.memref_slice %arg2[%add3A_45] : memref<425984xi32, #tpu.memory_space<hbm>> -> memref<512xi32, #tpu.memory_space<hbm>>
        tpu.enqueue_dma source(%dma_start3A_191 : memref<512xi32, #tpu.memory_space<hbm>>) target(%arg5 : memref<512xi32, #tpu.memory_space<vmem>>) target_semaphore(%run_scoped3A : memref<!tpu.dma_semaphore, #tpu.memory_space<semaphore_mem>>)
        %dma_wait3A_192 = tpu.memref_slice %arg2[%add3A_45] : memref<425984xi32, #tpu.memory_space<hbm>> -> memref<512xi32, #tpu.memory_space<hbm>>
        %dma_wait3A_193 = tpu.memref_slice %arg2[%add3A_45] : memref<425984xi32, #tpu.memory_space<hbm>> -> memref<512xi32, #tpu.memory_space<hbm>>
        tpu.wait_dma2 semaphore(%run_scoped3A : memref<!tpu.dma_semaphore, #tpu.memory_space<semaphore_mem>>) src(%dma_wait3A_193 : memref<512xi32, #tpu.memory_space<hbm>>) dst(%arg5 : memref<512xi32, #tpu.memory_space<vmem>>)
        tpu.yield
      }) : () -> ()
      %broadcast_in_dim3A = arith.constant 0 : i32
      %broadcast_in_dim3A_46 = vector.broadcast %broadcast_in_dim3A : i32 to vector<16xi32>
      %mul3A_47 = arith.constant 12500 : i32
      %mul3A_48 = arith.muli %select_n3A, %mul3A_47 : i32
      %add3A_49 = vector.broadcast %mul3A_48 : i32 to vector<16xi32>
      %add3A_50 = arith.addi %broadcast_in_dim3A_46, %add3A_49 : vector<16xi32>
      %scan3A_51 = arith.constant 0 : i32
      %scan3A_52 = arith.constant 32 : i32
      %scan3A_53 = arith.addi %scan3A_51, %scan3A_52 : i32
      %scan3A_54 = arith.constant 4 : i32
      scf.for %scan3A_190 = %scan3A_51 to %scan3A_53 step %scan3A_54  : i32 {
        %mul3A_191 = arith.constant 16 : i32
        %mul3A_192 = arith.muli %scan3A_190, %mul3A_191 : i32
        %get3A = arith.index_cast %mul3A_192 : i32 to index
        %get3A_193 = tpu.vector_load %arg5[%get3A] {strides = array<i32>} : memref<512xi32, #tpu.memory_space<vmem>>, vector<16xi32>,
        %shift_right_logical3A = arith.constant 3 : i32
        %shift_right_logical3A_194 = vector.broadcast %shift_right_logical3A : i32 to vector<16xi32>
        %shift_right_logical3A_195 = arith.shrui %get3A_193, %shift_right_logical3A_194 : vector<16xi32>
        %add3A_196 = arith.addi %shift_right_logical3A_195, %add3A_50 : vector<16xi32>
        %mul3A_197 = arith.constant 16 : i32
        %mul3A_198 = arith.muli %scan3A_190, %mul3A_197 : i32
        %swap3A = arith.index_cast %mul3A_198 : i32 to index
        %swap3A_199 = tpu.vector_load %arg6[%swap3A] {strides = array<i32>} : memref<512xi32, #tpu.memory_space<vmem>>, vector<16xi32>,
        tpu.vector_store %arg6[%swap3A], %add3A_196 {strides = array<i32>} : memref<512xi32, #tpu.memory_space<vmem>>, vector<16xi32>,
        %and3A_200 = arith.constant 7 : i32
        %and3A_201 = vector.broadcast %and3A_200 : i32 to vector<16xi32>
        %and3A_202 = arith.andi %get3A_193, %and3A_201 : vector<16xi32>
        %shift_left3A = arith.constant 4 : i32
        %shift_left3A_203 = vector.broadcast %shift_left3A : i32 to vector<16xi32>
        %shift_left3A_204 = arith.shli %and3A_202, %shift_left3A_203 : vector<16xi32>
        %mul3A_205 = arith.constant 16 : i32
        %mul3A_206 = arith.muli %scan3A_190, %mul3A_205 : i32
        %swap3A_207 = arith.index_cast %mul3A_206 : i32 to index
        %swap3A_208 = tpu.vector_load %arg7[%swap3A_207] {strides = array<i32>} : memref<512xi32, #tpu.memory_space<vmem>>, vector<16xi32>,
        tpu.vector_store %arg7[%swap3A_207], %shift_left3A_204 {strides = array<i32>} : memref<512xi32, #tpu.memory_space<vmem>>, vector<16xi32>,
        %scan3A_209 = arith.constant 1 : i32
        %scan3A_210 = arith.addi %scan3A_190, %scan3A_209 : i32
        %mul3A_211 = arith.constant 16 : i32
        %mul3A_212 = arith.muli %scan3A_210, %mul3A_211 : i32
        %get3A_213 = arith.index_cast %mul3A_212 : i32 to index
        %get3A_214 = tpu.vector_load %arg5[%get3A_213] {strides = array<i32>} : memref<512xi32, #tpu.memory_space<vmem>>, vector<16xi32>,
        %shift_right_logical3A_215 = arith.constant 3 : i32
        %shift_right_logical3A_216 = vector.broadcast %shift_right_logical3A_215 : i32 to vector<16xi32>
        %shift_right_logical3A_217 = arith.shrui %get3A_214, %shift_right_logical3A_216 : vector<16xi32>
        %add3A_218 = arith.addi %shift_right_logical3A_217, %add3A_50 : vector<16xi32>
        %mul3A_219 = arith.constant 16 : i32
        %mul3A_220 = arith.muli %scan3A_210, %mul3A_219 : i32
        %swap3A_221 = arith.index_cast %mul3A_220 : i32 to index
        %swap3A_222 = tpu.vector_load %arg6[%swap3A_221] {strides = array<i32>} : memref<512xi32, #tpu.memory_space<vmem>>, vector<16xi32>,
        tpu.vector_store %arg6[%swap3A_221], %add3A_218 {strides = array<i32>} : memref<512xi32, #tpu.memory_space<vmem>>, vector<16xi32>,
        %and3A_223 = arith.constant 7 : i32
        %and3A_224 = vector.broadcast %and3A_223 : i32 to vector<16xi32>
        %and3A_225 = arith.andi %get3A_214, %and3A_224 : vector<16xi32>
        %shift_left3A_226 = arith.constant 4 : i32
        %shift_left3A_227 = vector.broadcast %shift_left3A_226 : i32 to vector<16xi32>
        %shift_left3A_228 = arith.shli %and3A_225, %shift_left3A_227 : vector<16xi32>
        %mul3A_229 = arith.constant 16 : i32
        %mul3A_230 = arith.muli %scan3A_210, %mul3A_229 : i32
        %swap3A_231 = arith.index_cast %mul3A_230 : i32 to index
        %swap3A_232 = tpu.vector_load %arg7[%swap3A_231] {strides = array<i32>} : memref<512xi32, #tpu.memory_space<vmem>>, vector<16xi32>,
        tpu.vector_store %arg7[%swap3A_231], %shift_left3A_228 {strides = array<i32>} : memref<512xi32, #tpu.memory_space<vmem>>, vector<16xi32>,
        %scan3A_233 = arith.constant 2 : i32
        %scan3A_234 = arith.addi %scan3A_190, %scan3A_233 : i32
        %mul3A_235 = arith.constant 16 : i32
        %mul3A_236 = arith.muli %scan3A_234, %mul3A_235 : i32
        %get3A_237 = arith.index_cast %mul3A_236 : i32 to index
        %get3A_238 = tpu.vector_load %arg5[%get3A_237] {strides = array<i32>} : memref<512xi32, #tpu.memory_space<vmem>>, vector<16xi32>,
        %shift_right_logical3A_239 = arith.constant 3 : i32
        %shift_right_logical3A_240 = vector.broadcast %shift_right_logical3A_239 : i32 to vector<16xi32>
        %shift_right_logical3A_241 = arith.shrui %get3A_238, %shift_right_logical3A_240 : vector<16xi32>
        %add3A_242 = arith.addi %shift_right_logical3A_241, %add3A_50 : vector<16xi32>
        %mul3A_243 = arith.constant 16 : i32
        %mul3A_244 = arith.muli %scan3A_234, %mul3A_243 : i32
        %swap3A_245 = arith.index_cast %mul3A_244 : i32 to index
        %swap3A_246 = tpu.vector_load %arg6[%swap3A_245] {strides = array<i32>} : memref<512xi32, #tpu.memory_space<vmem>>, vector<16xi32>,
        tpu.vector_store %arg6[%swap3A_245], %add3A_242 {strides = array<i32>} : memref<512xi32, #tpu.memory_space<vmem>>, vector<16xi32>,
        %and3A_247 = arith.constant 7 : i32
        %and3A_248 = vector.broadcast %and3A_247 : i32 to vector<16xi32>
        %and3A_249 = arith.andi %get3A_238, %and3A_248 : vector<16xi32>
        %shift_left3A_250 = arith.constant 4 : i32
        %shift_left3A_251 = vector.broadcast %shift_left3A_250 : i32 to vector<16xi32>
        %shift_left3A_252 = arith.shli %and3A_249, %shift_left3A_251 : vector<16xi32>
        %mul3A_253 = arith.constant 16 : i32
        %mul3A_254 = arith.muli %scan3A_234, %mul3A_253 : i32
        %swap3A_255 = arith.index_cast %mul3A_254 : i32 to index
        %swap3A_256 = tpu.vector_load %arg7[%swap3A_255] {strides = array<i32>} : memref<512xi32, #tpu.memory_space<vmem>>, vector<16xi32>,
        tpu.vector_store %arg7[%swap3A_255], %shift_left3A_252 {strides = array<i32>} : memref<512xi32, #tpu.memory_space<vmem>>, vector<16xi32>,
        %scan3A_257 = arith.constant 3 : i32
        %scan3A_258 = arith.addi %scan3A_190, %scan3A_257 : i32
        %mul3A_259 = arith.constant 16 : i32
        %mul3A_260 = arith.muli %scan3A_258, %mul3A_259 : i32
        %get3A_261 = arith.index_cast %mul3A_260 : i32 to index
        %get3A_262 = tpu.vector_load %arg5[%get3A_261] {strides = array<i32>} : memref<512xi32, #tpu.memory_space<vmem>>, vector<16xi32>,
        %shift_right_logical3A_263 = arith.constant 3 : i32
        %shift_right_logical3A_264 = vector.broadcast %shift_right_logical3A_263 : i32 to vector<16xi32>
        %shift_right_logical3A_265 = arith.shrui %get3A_262, %shift_right_logical3A_264 : vector<16xi32>
        %add3A_266 = arith.addi %shift_right_logical3A_265, %add3A_50 : vector<16xi32>
        %mul3A_267 = arith.constant 16 : i32
        %mul3A_268 = arith.muli %scan3A_258, %mul3A_267 : i32
        %swap3A_269 = arith.index_cast %mul3A_268 : i32 to index
        %swap3A_270 = tpu.vector_load %arg6[%swap3A_269] {strides = array<i32>} : memref<512xi32, #tpu.memory_space<vmem>>, vector<16xi32>,
        tpu.vector_store %arg6[%swap3A_269], %add3A_266 {strides = array<i32>} : memref<512xi32, #tpu.memory_space<vmem>>, vector<16xi32>,
        %and3A_271 = arith.constant 7 : i32
        %and3A_272 = vector.broadcast %and3A_271 : i32 to vector<16xi32>
        %and3A_273 = arith.andi %get3A_262, %and3A_272 : vector<16xi32>
        %shift_left3A_274 = arith.constant 4 : i32
        %shift_left3A_275 = vector.broadcast %shift_left3A_274 : i32 to vector<16xi32>
        %shift_left3A_276 = arith.shli %and3A_273, %shift_left3A_275 : vector<16xi32>
        %mul3A_277 = arith.constant 16 : i32
        %mul3A_278 = arith.muli %scan3A_258, %mul3A_277 : i32
        %swap3A_279 = arith.index_cast %mul3A_278 : i32 to index
        %swap3A_280 = tpu.vector_load %arg7[%swap3A_279] {strides = array<i32>} : memref<512xi32, #tpu.memory_space<vmem>>, vector<16xi32>,
        tpu.vector_store %arg7[%swap3A_279], %shift_left3A_276 {strides = array<i32>} : memref<512xi32, #tpu.memory_space<vmem>>, vector<16xi32>,
      }
      %scan3A_55 = arith.constant 32 : i32
      %dma_start3A = arith.constant 0 : i32
      %dma_start3A_56 = arith.constant 0 : i32
      %dma_start3A_57 = tpu.memref_slice %arg3[%dma_start3A, %dma_start3A_56] : memref<325000x128xf32, #tpu.memory_space<hbm>> -> memref<325000x128xf32, #tpu.memory_space<hbm>>
      tpu.enqueue_indirect_dma source(%dma_start3A_57 : memref<325000x128xf32, #tpu.memory_space<hbm>>) target(%arg8 : memref<512x128xf32, #tpu.memory_space<vmem>>) offsets(%arg6 : memref<512xi32, #tpu.memory_space<vmem>>) semaphore(%arg10 : memref<!tpu.dma_semaphore, #tpu.memory_space<semaphore_mem>>)
      %dma_wait3A = arith.constant 0 : i32
      %dma_wait3A_58 = arith.constant 0 : i32
      %dma_wait3A_59 = tpu.memref_slice %arg3[%dma_wait3A, %dma_wait3A_58] : memref<325000x128xf32, #tpu.memory_space<hbm>> -> memref<325000x128xf32, #tpu.memory_space<hbm>>
      tpu.wait_indirect_dma semaphore(%arg10 : memref<!tpu.dma_semaphore, #tpu.memory_space<semaphore_mem>>) src(%dma_wait3A_59 : memref<325000x128xf32, #tpu.memory_space<hbm>>) dst(%arg8 : memref<512x128xf32, #tpu.memory_space<vmem>>)
      %scan3A_60 = arith.constant 0 : i32
      %scan3A_61 = arith.constant 32 : i32
      %scan3A_62 = arith.addi %scan3A_60, %scan3A_61 : i32
      %scan3A_63 = arith.constant 1 : i32
      scf.for %scan3A_190 = %scan3A_60 to %scan3A_62 step %scan3A_63  : i32 {
        %mul3A_191 = arith.constant 16 : i32
        %mul3A_192 = arith.muli %scan3A_190, %mul3A_191 : i32
        %add3A_193 = vector.broadcast %mul3A_192 : i32 to vector<16xi32>
        %add3A_194 = arith.addi %add3A_193, %iota3A : vector<16xi32>
        %mul3A_195 = arith.constant 16 : i32
        %mul3A_196 = arith.muli %scan3A_190, %mul3A_195 : i32
        %get3A = arith.index_cast %mul3A_196 : i32 to index
        %get3A_197 = tpu.vector_load %arg7[%get3A] {strides = array<i32>} : memref<512xi32, #tpu.memory_space<vmem>>, vector<16xi32>,
        %div3A_198 = arith.constant 8 : i32
        %div3A_199 = arith.divsi %scan3A_190, %div3A_198 : i32
        %add3A_200 = arith.constant 0 : i32
        %add3A_201 = arith.addi %add3A_200, %div3A_199 : i32
        %rem3A_202 = arith.constant 8 : i32
        %rem3A_203 = arith.remsi %scan3A_190, %rem3A_202 : i32
        %mul3A_204 = arith.constant 16 : i32
        %mul3A_205 = arith.muli %rem3A_203, %mul3A_204 : i32
        %add3A_206 = arith.constant 0 : i32
        %add3A_207 = vector.broadcast %add3A_206 : i32 to vector<16xi32>
        %add3A_208 = arith.addi %get3A_197, %add3A_207 : vector<16xi32>
        %gather3A = tpu.vector_load_idx %arg8[%add3A_194, %add3A_208] : memref<512x128xf32, #tpu.memory_space<vmem>>[vector<16xi32>, vector<16xi32>], vector<16xf32>,
        %add3A_209 = arith.constant 0 : i32
        %add3A_210 = arith.addi %add3A_209, %add3A_201 : i32
        %swap3A = arith.index_cast %add3A_210 : i32 to index
        %swap3A_211 = arith.index_cast %mul3A_205 : i32 to index
        %swap3A_212 = tpu.vector_load %arg9[%swap3A, %swap3A_211] {strides = array<i32>} : memref<128x128xf32, #tpu.memory_space<vmem>>, vector<16xf32>,
        tpu.vector_store %arg9[%swap3A, %swap3A_211], %gather3A {strides = array<i32>} : memref<128x128xf32, #tpu.memory_space<vmem>>, vector<16xf32>,
        %add3A_213 = arith.constant 1 : i32
        %add3A_214 = vector.broadcast %add3A_213 : i32 to vector<16xi32>
        %add3A_215 = arith.addi %get3A_197, %add3A_214 : vector<16xi32>
        %gather3A_216 = tpu.vector_load_idx %arg8[%add3A_194, %add3A_215] : memref<512x128xf32, #tpu.memory_space<vmem>>[vector<16xi32>, vector<16xi32>], vector<16xf32>,
        %add3A_217 = arith.constant 8 : i32
        %add3A_218 = arith.addi %add3A_217, %add3A_201 : i32
        %swap3A_219 = arith.index_cast %add3A_218 : i32 to index
        %swap3A_220 = arith.index_cast %mul3A_205 : i32 to index
        %swap3A_221 = tpu.vector_load %arg9[%swap3A_219, %swap3A_220] {strides = array<i32>} : memref<128x128xf32, #tpu.memory_space<vmem>>, vector<16xf32>,
        tpu.vector_store %arg9[%swap3A_219, %swap3A_220], %gather3A_216 {strides = array<i32>} : memref<128x128xf32, #tpu.memory_space<vmem>>, vector<16xf32>,
        %add3A_222 = arith.constant 2 : i32
        %add3A_223 = vector.broadcast %add3A_222 : i32 to vector<16xi32>
        %add3A_224 = arith.addi %get3A_197, %add3A_223 : vector<16xi32>
        %gather3A_225 = tpu.vector_load_idx %arg8[%add3A_194, %add3A_224] : memref<512x128xf32, #tpu.memory_space<vmem>>[vector<16xi32>, vector<16xi32>], vector<16xf32>,
        %add3A_226 = arith.constant 16 : i32
        %add3A_227 = arith.addi %add3A_226, %add3A_201 : i32
        %swap3A_228 = arith.index_cast %add3A_227 : i32 to index
        %swap3A_229 = arith.index_cast %mul3A_205 : i32 to index
        %swap3A_230 = tpu.vector_load %arg9[%swap3A_228, %swap3A_229] {strides = array<i32>} : memref<128x128xf32, #tpu.memory_space<vmem>>, vector<16xf32>,
        tpu.vector_store %arg9[%swap3A_228, %swap3A_229], %gather3A_225 {strides = array<i32>} : memref<128x128xf32, #tpu.memory_space<vmem>>, vector<16xf32>,
        %add3A_231 = arith.constant 3 : i32
        %add3A_232 = vector.broadcast %add3A_231 : i32 to vector<16xi32>
        %add3A_233 = arith.addi %get3A_197, %add3A_232 : vector<16xi32>
        %gather3A_234 = tpu.vector_load_idx %arg8[%add3A_194, %add3A_233] : memref<512x128xf32, #tpu.memory_space<vmem>>[vector<16xi32>, vector<16xi32>], vector<16xf32>,
        %add3A_235 = arith.constant 24 : i32
        %add3A_236 = arith.addi %add3A_235, %add3A_201 : i32
        %swap3A_237 = arith.index_cast %add3A_236 : i32 to index
        %swap3A_238 = arith.index_cast %mul3A_205 : i32 to index
        %swap3A_239 = tpu.vector_load %arg9[%swap3A_237, %swap3A_238] {strides = array<i32>} : memref<128x128xf32, #tpu.memory_space<vmem>>, vector<16xf32>,
        tpu.vector_store %arg9[%swap3A_237, %swap3A_238], %gather3A_234 {strides = array<i32>} : memref<128x128xf32, #tpu.memory_space<vmem>>, vector<16xf32>,
        %add3A_240 = arith.constant 4 : i32
        %add3A_241 = vector.broadcast %add3A_240 : i32 to vector<16xi32>
        %add3A_242 = arith.addi %get3A_197, %add3A_241 : vector<16xi32>
        %gather3A_243 = tpu.vector_load_idx %arg8[%add3A_194, %add3A_242] : memref<512x128xf32, #tpu.memory_space<vmem>>[vector<16xi32>, vector<16xi32>], vector<16xf32>,
        %add3A_244 = arith.constant 32 : i32
        %add3A_245 = arith.addi %add3A_244, %add3A_201 : i32
        %swap3A_246 = arith.index_cast %add3A_245 : i32 to index
        %swap3A_247 = arith.index_cast %mul3A_205 : i32 to index
        %swap3A_248 = tpu.vector_load %arg9[%swap3A_246, %swap3A_247] {strides = array<i32>} : memref<128x128xf32, #tpu.memory_space<vmem>>, vector<16xf32>,
        tpu.vector_store %arg9[%swap3A_246, %swap3A_247], %gather3A_243 {strides = array<i32>} : memref<128x128xf32, #tpu.memory_space<vmem>>, vector<16xf32>,
        %add3A_249 = arith.constant 5 : i32
        %add3A_250 = vector.broadcast %add3A_249 : i32 to vector<16xi32>
        %add3A_251 = arith.addi %get3A_197, %add3A_250 : vector<16xi32>
        %gather3A_252 = tpu.vector_load_idx %arg8[%add3A_194, %add3A_251] : memref<512x128xf32, #tpu.memory_space<vmem>>[vector<16xi32>, vector<16xi32>], vector<16xf32>,
        %add3A_253 = arith.constant 40 : i32
        %add3A_254 = arith.addi %add3A_253, %add3A_201 : i32
        %swap3A_255 = arith.index_cast %add3A_254 : i32 to index
        %swap3A_256 = arith.index_cast %mul3A_205 : i32 to index
        %swap3A_257 = tpu.vector_load %arg9[%swap3A_255, %swap3A_256] {strides = array<i32>} : memref<128x128xf32, #tpu.memory_space<vmem>>, vector<16xf32>,
        tpu.vector_store %arg9[%swap3A_255, %swap3A_256], %gather3A_252 {strides = array<i32>} : memref<128x128xf32, #tpu.memory_space<vmem>>, vector<16xf32>,
        %add3A_258 = arith.constant 6 : i32
        %add3A_259 = vector.broadcast %add3A_258 : i32 to vector<16xi32>
        %add3A_260 = arith.addi %get3A_197, %add3A_259 : vector<16xi32>
        %gather3A_261 = tpu.vector_load_idx %arg8[%add3A_194, %add3A_260] : memref<512x128xf32, #tpu.memory_space<vmem>>[vector<16xi32>, vector<16xi32>], vector<16xf32>,
        %add3A_262 = arith.constant 48 : i32
        %add3A_263 = arith.addi %add3A_262, %add3A_201 : i32
        %swap3A_264 = arith.index_cast %add3A_263 : i32 to index
        %swap3A_265 = arith.index_cast %mul3A_205 : i32 to index
        %swap3A_266 = tpu.vector_load %arg9[%swap3A_264, %swap3A_265] {strides = array<i32>} : memref<128x128xf32, #tpu.memory_space<vmem>>, vector<16xf32>,
        tpu.vector_store %arg9[%swap3A_264, %swap3A_265], %gather3A_261 {strides = array<i32>} : memref<128x128xf32, #tpu.memory_space<vmem>>, vector<16xf32>,
        %add3A_267 = arith.constant 7 : i32
        %add3A_268 = vector.broadcast %add3A_267 : i32 to vector<16xi32>
        %add3A_269 = arith.addi %get3A_197, %add3A_268 : vector<16xi32>
        %gather3A_270 = tpu.vector_load_idx %arg8[%add3A_194, %add3A_269] : memref<512x128xf32, #tpu.memory_space<vmem>>[vector<16xi32>, vector<16xi32>], vector<16xf32>,
        %add3A_271 = arith.constant 56 : i32
        %add3A_272 = arith.addi %add3A_271, %add3A_201 : i32
        %swap3A_273 = arith.index_cast %add3A_272 : i32 to index
        %swap3A_274 = arith.index_cast %mul3A_205 : i32 to index
        %swap3A_275 = tpu.vector_load %arg9[%swap3A_273, %swap3A_274] {strides = array<i32>} : memref<128x128xf32, #tpu.memory_space<vmem>>, vector<16xf32>,
        tpu.vector_store %arg9[%swap3A_273, %swap3A_274], %gather3A_270 {strides = array<i32>} : memref<128x128xf32, #tpu.memory_space<vmem>>, vector<16xf32>,
        %add3A_276 = arith.constant 8 : i32
        %add3A_277 = vector.broadcast %add3A_276 : i32 to vector<16xi32>
        %add3A_278 = arith.addi %get3A_197, %add3A_277 : vector<16xi32>
        %gather3A_279 = tpu.vector_load_idx %arg8[%add3A_194, %add3A_278] : memref<512x128xf32, #tpu.memory_space<vmem>>[vector<16xi32>, vector<16xi32>], vector<16xf32>,
        %add3A_280 = arith.constant 64 : i32
        %add3A_281 = arith.addi %add3A_280, %add3A_201 : i32
        %swap3A_282 = arith.index_cast %add3A_281 : i32 to index
        %swap3A_283 = arith.index_cast %mul3A_205 : i32 to index
        %swap3A_284 = tpu.vector_load %arg9[%swap3A_282, %swap3A_283] {strides = array<i32>} : memref<128x128xf32, #tpu.memory_space<vmem>>, vector<16xf32>,
        tpu.vector_store %arg9[%swap3A_282, %swap3A_283], %gather3A_279 {strides = array<i32>} : memref<128x128xf32, #tpu.memory_space<vmem>>, vector<16xf32>,
        %add3A_285 = arith.constant 9 : i32
        %add3A_286 = vector.broadcast %add3A_285 : i32 to vector<16xi32>
        %add3A_287 = arith.addi %get3A_197, %add3A_286 : vector<16xi32>
        %gather3A_288 = tpu.vector_load_idx %arg8[%add3A_194, %add3A_287] : memref<512x128xf32, #tpu.memory_space<vmem>>[vector<16xi32>, vector<16xi32>], vector<16xf32>,
        %add3A_289 = arith.constant 72 : i32
        %add3A_290 = arith.addi %add3A_289, %add3A_201 : i32
        %swap3A_291 = arith.index_cast %add3A_290 : i32 to index
        %swap3A_292 = arith.index_cast %mul3A_205 : i32 to index
        %swap3A_293 = tpu.vector_load %arg9[%swap3A_291, %swap3A_292] {strides = array<i32>} : memref<128x128xf32, #tpu.memory_space<vmem>>, vector<16xf32>,
        tpu.vector_store %arg9[%swap3A_291, %swap3A_292], %gather3A_288 {strides = array<i32>} : memref<128x128xf32, #tpu.memory_space<vmem>>, vector<16xf32>,
        %add3A_294 = arith.constant 10 : i32
        %add3A_295 = vector.broadcast %add3A_294 : i32 to vector<16xi32>
        %add3A_296 = arith.addi %get3A_197, %add3A_295 : vector<16xi32>
        %gather3A_297 = tpu.vector_load_idx %arg8[%add3A_194, %add3A_296] : memref<512x128xf32, #tpu.memory_space<vmem>>[vector<16xi32>, vector<16xi32>], vector<16xf32>,
        %add3A_298 = arith.constant 80 : i32
        %add3A_299 = arith.addi %add3A_298, %add3A_201 : i32
        %swap3A_300 = arith.index_cast %add3A_299 : i32 to index
        %swap3A_301 = arith.index_cast %mul3A_205 : i32 to index
        %swap3A_302 = tpu.vector_load %arg9[%swap3A_300, %swap3A_301] {strides = array<i32>} : memref<128x128xf32, #tpu.memory_space<vmem>>, vector<16xf32>,
        tpu.vector_store %arg9[%swap3A_300, %swap3A_301], %gather3A_297 {strides = array<i32>} : memref<128x128xf32, #tpu.memory_space<vmem>>, vector<16xf32>,
        %add3A_303 = arith.constant 11 : i32
        %add3A_304 = vector.broadcast %add3A_303 : i32 to vector<16xi32>
        %add3A_305 = arith.addi %get3A_197, %add3A_304 : vector<16xi32>
        %gather3A_306 = tpu.vector_load_idx %arg8[%add3A_194, %add3A_305] : memref<512x128xf32, #tpu.memory_space<vmem>>[vector<16xi32>, vector<16xi32>], vector<16xf32>,
        %add3A_307 = arith.constant 88 : i32
        %add3A_308 = arith.addi %add3A_307, %add3A_201 : i32
        %swap3A_309 = arith.index_cast %add3A_308 : i32 to index
        %swap3A_310 = arith.index_cast %mul3A_205 : i32 to index
        %swap3A_311 = tpu.vector_load %arg9[%swap3A_309, %swap3A_310] {strides = array<i32>} : memref<128x128xf32, #tpu.memory_space<vmem>>, vector<16xf32>,
        tpu.vector_store %arg9[%swap3A_309, %swap3A_310], %gather3A_306 {strides = array<i32>} : memref<128x128xf32, #tpu.memory_space<vmem>>, vector<16xf32>,
        %add3A_312 = arith.constant 12 : i32
        %add3A_313 = vector.broadcast %add3A_312 : i32 to vector<16xi32>
        %add3A_314 = arith.addi %get3A_197, %add3A_313 : vector<16xi32>
        %gather3A_315 = tpu.vector_load_idx %arg8[%add3A_194, %add3A_314] : memref<512x128xf32, #tpu.memory_space<vmem>>[vector<16xi32>, vector<16xi32>], vector<16xf32>,
        %add3A_316 = arith.constant 96 : i32
        %add3A_317 = arith.addi %add3A_316, %add3A_201 : i32
        %swap3A_318 = arith.index_cast %add3A_317 : i32 to index
        %swap3A_319 = arith.index_cast %mul3A_205 : i32 to index
        %swap3A_320 = tpu.vector_load %arg9[%swap3A_318, %swap3A_319] {strides = array<i32>} : memref<128x128xf32, #tpu.memory_space<vmem>>, vector<16xf32>,
        tpu.vector_store %arg9[%swap3A_318, %swap3A_319], %gather3A_315 {strides = array<i32>} : memref<128x128xf32, #tpu.memory_space<vmem>>, vector<16xf32>,
        %add3A_321 = arith.constant 13 : i32
        %add3A_322 = vector.broadcast %add3A_321 : i32 to vector<16xi32>
        %add3A_323 = arith.addi %get3A_197, %add3A_322 : vector<16xi32>
        %gather3A_324 = tpu.vector_load_idx %arg8[%add3A_194, %add3A_323] : memref<512x128xf32, #tpu.memory_space<vmem>>[vector<16xi32>, vector<16xi32>], vector<16xf32>,
        %add3A_325 = arith.constant 104 : i32
        %add3A_326 = arith.addi %add3A_325, %add3A_201 : i32
        %swap3A_327 = arith.index_cast %add3A_326 : i32 to index
        %swap3A_328 = arith.index_cast %mul3A_205 : i32 to index
        %swap3A_329 = tpu.vector_load %arg9[%swap3A_327, %swap3A_328] {strides = array<i32>} : memref<128x128xf32, #tpu.memory_space<vmem>>, vector<16xf32>,
        tpu.vector_store %arg9[%swap3A_327, %swap3A_328], %gather3A_324 {strides = array<i32>} : memref<128x128xf32, #tpu.memory_space<vmem>>, vector<16xf32>,
        %add3A_330 = arith.constant 14 : i32
        %add3A_331 = vector.broadcast %add3A_330 : i32 to vector<16xi32>
        %add3A_332 = arith.addi %get3A_197, %add3A_331 : vector<16xi32>
        %gather3A_333 = tpu.vector_load_idx %arg8[%add3A_194, %add3A_332] : memref<512x128xf32, #tpu.memory_space<vmem>>[vector<16xi32>, vector<16xi32>], vector<16xf32>,
        %add3A_334 = arith.constant 112 : i32
        %add3A_335 = arith.addi %add3A_334, %add3A_201 : i32
        %swap3A_336 = arith.index_cast %add3A_335 : i32 to index
        %swap3A_337 = arith.index_cast %mul3A_205 : i32 to index
        %swap3A_338 = tpu.vector_load %arg9[%swap3A_336, %swap3A_337] {strides = array<i32>} : memref<128x128xf32, #tpu.memory_space<vmem>>, vector<16xf32>,
        tpu.vector_store %arg9[%swap3A_336, %swap3A_337], %gather3A_333 {strides = array<i32>} : memref<128x128xf32, #tpu.memory_space<vmem>>, vector<16xf32>,
        %add3A_339 = arith.constant 15 : i32
        %add3A_340 = vector.broadcast %add3A_339 : i32 to vector<16xi32>
        %add3A_341 = arith.addi %get3A_197, %add3A_340 : vector<16xi32>
        %gather3A_342 = tpu.vector_load_idx %arg8[%add3A_194, %add3A_341] : memref<512x128xf32, #tpu.memory_space<vmem>>[vector<16xi32>, vector<16xi32>], vector<16xf32>,
        %add3A_343 = arith.constant 120 : i32
        %add3A_344 = arith.addi %add3A_343, %add3A_201 : i32
        %swap3A_345 = arith.index_cast %add3A_344 : i32 to index
        %swap3A_346 = arith.index_cast %mul3A_205 : i32 to index
        %swap3A_347 = tpu.vector_load %arg9[%swap3A_345, %swap3A_346] {strides = array<i32>} : memref<128x128xf32, #tpu.memory_space<vmem>>, vector<16xf32>,
        tpu.vector_store %arg9[%swap3A_345, %swap3A_346], %gather3A_342 {strides = array<i32>} : memref<128x128xf32, #tpu.memory_space<vmem>>, vector<16xf32>,
      }
      %scan3A_64 = arith.constant 32 : i32
      %mul3A_65 = arith.constant 16384 : i32
      %mul3A_66 = arith.muli %select_n3A, %mul3A_65 : i32
      %mul3A_67 = arith.constant 1024 : i32
      %mul3A_68 = arith.muli %select_n3A_38, %mul3A_67 : i32
      %add3A_69 = arith.addi %mul3A_66, %mul3A_68 : i32
      %add3A_70 = arith.constant 512 : i32
      %add3A_71 = arith.addi %add3A_69, %add3A_70 : i32
      "tpu.region"() ({
        %run_scoped3A = tpu.sem_alloc : memref<!tpu.dma_semaphore, #tpu.memory_space<semaphore_mem>>
        %dma_start3A_190 = tpu.memref_slice %arg2[%add3A_71] : memref<425984xi32, #tpu.memory_space<hbm>> -> memref<512xi32, #tpu.memory_space<hbm>>
        %dma_start3A_191 = tpu.memref_slice %arg2[%add3A_71] : memref<425984xi32, #tpu.memory_space<hbm>> -> memref<512xi32, #tpu.memory_space<hbm>>
        tpu.enqueue_dma source(%dma_start3A_191 : memref<512xi32, #tpu.memory_space<hbm>>) target(%arg5 : memref<512xi32, #tpu.memory_space<vmem>>) target_semaphore(%run_scoped3A : memref<!tpu.dma_semaphore, #tpu.memory_space<semaphore_mem>>)
        %dma_wait3A_192 = tpu.memref_slice %arg2[%add3A_71] : memref<425984xi32, #tpu.memory_space<hbm>> -> memref<512xi32, #tpu.memory_space<hbm>>
        %dma_wait3A_193 = tpu.memref_slice %arg2[%add3A_71] : memref<425984xi32, #tpu.memory_space<hbm>> -> memref<512xi32, #tpu.memory_space<hbm>>
        tpu.wait_dma2 semaphore(%run_scoped3A : memref<!tpu.dma_semaphore, #tpu.memory_space<semaphore_mem>>) src(%dma_wait3A_193 : memref<512xi32, #tpu.memory_space<hbm>>) dst(%arg5 : memref<512xi32, #tpu.memory_space<vmem>>)
        tpu.yield
      }) : () -> ()
      %broadcast_in_dim3A_72 = arith.constant 0 : i32
      %broadcast_in_dim3A_73 = vector.broadcast %broadcast_in_dim3A_72 : i32 to vector<16xi32>
      %mul3A_74 = arith.constant 12500 : i32
      %mul3A_75 = arith.muli %select_n3A, %mul3A_74 : i32
      %add3A_76 = vector.broadcast %mul3A_75 : i32 to vector<16xi32>
      %add3A_77 = arith.addi %broadcast_in_dim3A_73, %add3A_76 : vector<16xi32>
      %scan3A_78 = arith.constant 0 : i32
      %scan3A_79 = arith.constant 32 : i32
      %scan3A_80 = arith.addi %scan3A_78, %scan3A_79 : i32
      %scan3A_81 = arith.constant 4 : i32
      scf.for %scan3A_190 = %scan3A_78 to %scan3A_80 step %scan3A_81  : i32 {
        %mul3A_191 = arith.constant 16 : i32
        %mul3A_192 = arith.muli %scan3A_190, %mul3A_191 : i32
        %get3A = arith.index_cast %mul3A_192 : i32 to index
        %get3A_193 = tpu.vector_load %arg5[%get3A] {strides = array<i32>} : memref<512xi32, #tpu.memory_space<vmem>>, vector<16xi32>,
        %shift_right_logical3A = arith.constant 3 : i32
        %shift_right_logical3A_194 = vector.broadcast %shift_right_logical3A : i32 to vector<16xi32>
        %shift_right_logical3A_195 = arith.shrui %get3A_193, %shift_right_logical3A_194 : vector<16xi32>
        %add3A_196 = arith.addi %shift_right_logical3A_195, %add3A_77 : vector<16xi32>
        %mul3A_197 = arith.constant 16 : i32
        %mul3A_198 = arith.muli %scan3A_190, %mul3A_197 : i32
        %swap3A = arith.index_cast %mul3A_198 : i32 to index
        %swap3A_199 = tpu.vector_load %arg6[%swap3A] {strides = array<i32>} : memref<512xi32, #tpu.memory_space<vmem>>, vector<16xi32>,
        tpu.vector_store %arg6[%swap3A], %add3A_196 {strides = array<i32>} : memref<512xi32, #tpu.memory_space<vmem>>, vector<16xi32>,
        %and3A_200 = arith.constant 7 : i32
        %and3A_201 = vector.broadcast %and3A_200 : i32 to vector<16xi32>
        %and3A_202 = arith.andi %get3A_193, %and3A_201 : vector<16xi32>
        %shift_left3A = arith.constant 4 : i32
        %shift_left3A_203 = vector.broadcast %shift_left3A : i32 to vector<16xi32>
        %shift_left3A_204 = arith.shli %and3A_202, %shift_left3A_203 : vector<16xi32>
        %mul3A_205 = arith.constant 16 : i32
        %mul3A_206 = arith.muli %scan3A_190, %mul3A_205 : i32
        %swap3A_207 = arith.index_cast %mul3A_206 : i32 to index
        %swap3A_208 = tpu.vector_load %arg7[%swap3A_207] {strides = array<i32>} : memref<512xi32, #tpu.memory_space<vmem>>, vector<16xi32>,
        tpu.vector_store %arg7[%swap3A_207], %shift_left3A_204 {strides = array<i32>} : memref<512xi32, #tpu.memory_space<vmem>>, vector<16xi32>,
        %scan3A_209 = arith.constant 1 : i32
        %scan3A_210 = arith.addi %scan3A_190, %scan3A_209 : i32
        %mul3A_211 = arith.constant 16 : i32
        %mul3A_212 = arith.muli %scan3A_210, %mul3A_211 : i32
        %get3A_213 = arith.index_cast %mul3A_212 : i32 to index
        %get3A_214 = tpu.vector_load %arg5[%get3A_213] {strides = array<i32>} : memref<512xi32, #tpu.memory_space<vmem>>, vector<16xi32>,
        %shift_right_logical3A_215 = arith.constant 3 : i32
        %shift_right_logical3A_216 = vector.broadcast %shift_right_logical3A_215 : i32 to vector<16xi32>
        %shift_right_logical3A_217 = arith.shrui %get3A_214, %shift_right_logical3A_216 : vector<16xi32>
        %add3A_218 = arith.addi %shift_right_logical3A_217, %add3A_77 : vector<16xi32>
        %mul3A_219 = arith.constant 16 : i32
        %mul3A_220 = arith.muli %scan3A_210, %mul3A_219 : i32
        %swap3A_221 = arith.index_cast %mul3A_220 : i32 to index
        %swap3A_222 = tpu.vector_load %arg6[%swap3A_221] {strides = array<i32>} : memref<512xi32, #tpu.memory_space<vmem>>, vector<16xi32>,
        tpu.vector_store %arg6[%swap3A_221], %add3A_218 {strides = array<i32>} : memref<512xi32, #tpu.memory_space<vmem>>, vector<16xi32>,
        %and3A_223 = arith.constant 7 : i32
        %and3A_224 = vector.broadcast %and3A_223 : i32 to vector<16xi32>
        %and3A_225 = arith.andi %get3A_214, %and3A_224 : vector<16xi32>
        %shift_left3A_226 = arith.constant 4 : i32
        %shift_left3A_227 = vector.broadcast %shift_left3A_226 : i32 to vector<16xi32>
        %shift_left3A_228 = arith.shli %and3A_225, %shift_left3A_227 : vector<16xi32>
        %mul3A_229 = arith.constant 16 : i32
        %mul3A_230 = arith.muli %scan3A_210, %mul3A_229 : i32
        %swap3A_231 = arith.index_cast %mul3A_230 : i32 to index
        %swap3A_232 = tpu.vector_load %arg7[%swap3A_231] {strides = array<i32>} : memref<512xi32, #tpu.memory_space<vmem>>, vector<16xi32>,
        tpu.vector_store %arg7[%swap3A_231], %shift_left3A_228 {strides = array<i32>} : memref<512xi32, #tpu.memory_space<vmem>>, vector<16xi32>,
        %scan3A_233 = arith.constant 2 : i32
        %scan3A_234 = arith.addi %scan3A_190, %scan3A_233 : i32
        %mul3A_235 = arith.constant 16 : i32
        %mul3A_236 = arith.muli %scan3A_234, %mul3A_235 : i32
        %get3A_237 = arith.index_cast %mul3A_236 : i32 to index
        %get3A_238 = tpu.vector_load %arg5[%get3A_237] {strides = array<i32>} : memref<512xi32, #tpu.memory_space<vmem>>, vector<16xi32>,
        %shift_right_logical3A_239 = arith.constant 3 : i32
        %shift_right_logical3A_240 = vector.broadcast %shift_right_logical3A_239 : i32 to vector<16xi32>
        %shift_right_logical3A_241 = arith.shrui %get3A_238, %shift_right_logical3A_240 : vector<16xi32>
        %add3A_242 = arith.addi %shift_right_logical3A_241, %add3A_77 : vector<16xi32>
        %mul3A_243 = arith.constant 16 : i32
        %mul3A_244 = arith.muli %scan3A_234, %mul3A_243 : i32
        %swap3A_245 = arith.index_cast %mul3A_244 : i32 to index
        %swap3A_246 = tpu.vector_load %arg6[%swap3A_245] {strides = array<i32>} : memref<512xi32, #tpu.memory_space<vmem>>, vector<16xi32>,
        tpu.vector_store %arg6[%swap3A_245], %add3A_242 {strides = array<i32>} : memref<512xi32, #tpu.memory_space<vmem>>, vector<16xi32>,
        %and3A_247 = arith.constant 7 : i32
        %and3A_248 = vector.broadcast %and3A_247 : i32 to vector<16xi32>
        %and3A_249 = arith.andi %get3A_238, %and3A_248 : vector<16xi32>
        %shift_left3A_250 = arith.constant 4 : i32
        %shift_left3A_251 = vector.broadcast %shift_left3A_250 : i32 to vector<16xi32>
        %shift_left3A_252 = arith.shli %and3A_249, %shift_left3A_251 : vector<16xi32>
        %mul3A_253 = arith.constant 16 : i32
        %mul3A_254 = arith.muli %scan3A_234, %mul3A_253 : i32
        %swap3A_255 = arith.index_cast %mul3A_254 : i32 to index
        %swap3A_256 = tpu.vector_load %arg7[%swap3A_255] {strides = array<i32>} : memref<512xi32, #tpu.memory_space<vmem>>, vector<16xi32>,
        tpu.vector_store %arg7[%swap3A_255], %shift_left3A_252 {strides = array<i32>} : memref<512xi32, #tpu.memory_space<vmem>>, vector<16xi32>,
        %scan3A_257 = arith.constant 3 : i32
        %scan3A_258 = arith.addi %scan3A_190, %scan3A_257 : i32
        %mul3A_259 = arith.constant 16 : i32
        %mul3A_260 = arith.muli %scan3A_258, %mul3A_259 : i32
        %get3A_261 = arith.index_cast %mul3A_260 : i32 to index
        %get3A_262 = tpu.vector_load %arg5[%get3A_261] {strides = array<i32>} : memref<512xi32, #tpu.memory_space<vmem>>, vector<16xi32>,
        %shift_right_logical3A_263 = arith.constant 3 : i32
        %shift_right_logical3A_264 = vector.broadcast %shift_right_logical3A_263 : i32 to vector<16xi32>
        %shift_right_logical3A_265 = arith.shrui %get3A_262, %shift_right_logical3A_264 : vector<16xi32>
        %add3A_266 = arith.addi %shift_right_logical3A_265, %add3A_77 : vector<16xi32>
        %mul3A_267 = arith.constant 16 : i32
        %mul3A_268 = arith.muli %scan3A_258, %mul3A_267 : i32
        %swap3A_269 = arith.index_cast %mul3A_268 : i32 to index
        %swap3A_270 = tpu.vector_load %arg6[%swap3A_269] {strides = array<i32>} : memref<512xi32, #tpu.memory_space<vmem>>, vector<16xi32>,
        tpu.vector_store %arg6[%swap3A_269], %add3A_266 {strides = array<i32>} : memref<512xi32, #tpu.memory_space<vmem>>, vector<16xi32>,
        %and3A_271 = arith.constant 7 : i32
        %and3A_272 = vector.broadcast %and3A_271 : i32 to vector<16xi32>
        %and3A_273 = arith.andi %get3A_262, %and3A_272 : vector<16xi32>
        %shift_left3A_274 = arith.constant 4 : i32
        %shift_left3A_275 = vector.broadcast %shift_left3A_274 : i32 to vector<16xi32>
        %shift_left3A_276 = arith.shli %and3A_273, %shift_left3A_275 : vector<16xi32>
        %mul3A_277 = arith.constant 16 : i32
        %mul3A_278 = arith.muli %scan3A_258, %mul3A_277 : i32
        %swap3A_279 = arith.index_cast %mul3A_278 : i32 to index
        %swap3A_280 = tpu.vector_load %arg7[%swap3A_279] {strides = array<i32>} : memref<512xi32, #tpu.memory_space<vmem>>, vector<16xi32>,
        tpu.vector_store %arg7[%swap3A_279], %shift_left3A_276 {strides = array<i32>} : memref<512xi32, #tpu.memory_space<vmem>>, vector<16xi32>,
      }
      %scan3A_82 = arith.constant 32 : i32
      %dma_start3A_83 = arith.constant 0 : i32
      %dma_start3A_84 = arith.constant 0 : i32
      %dma_start3A_85 = tpu.memref_slice %arg3[%dma_start3A_83, %dma_start3A_84] : memref<325000x128xf32, #tpu.memory_space<hbm>> -> memref<325000x128xf32, #tpu.memory_space<hbm>>
      tpu.enqueue_indirect_dma source(%dma_start3A_85 : memref<325000x128xf32, #tpu.memory_space<hbm>>) target(%arg8 : memref<512x128xf32, #tpu.memory_space<vmem>>) offsets(%arg6 : memref<512xi32, #tpu.memory_space<vmem>>) semaphore(%arg10 : memref<!tpu.dma_semaphore, #tpu.memory_space<semaphore_mem>>)
      %dma_wait3A_86 = arith.constant 0 : i32
      %dma_wait3A_87 = arith.constant 0 : i32
      %dma_wait3A_88 = tpu.memref_slice %arg3[%dma_wait3A_86, %dma_wait3A_87] : memref<325000x128xf32, #tpu.memory_space<hbm>> -> memref<325000x128xf32, #tpu.memory_space<hbm>>
      tpu.wait_indirect_dma semaphore(%arg10 : memref<!tpu.dma_semaphore, #tpu.memory_space<semaphore_mem>>) src(%dma_wait3A_88 : memref<325000x128xf32, #tpu.memory_space<hbm>>) dst(%arg8 : memref<512x128xf32, #tpu.memory_space<vmem>>)
      %scan3A_89 = arith.constant 0 : i32
      %scan3A_90 = arith.constant 32 : i32
      %scan3A_91 = arith.addi %scan3A_89, %scan3A_90 : i32
      %scan3A_92 = arith.constant 1 : i32
      scf.for %scan3A_190 = %scan3A_89 to %scan3A_91 step %scan3A_92  : i32 {
        %mul3A_191 = arith.constant 16 : i32
        %mul3A_192 = arith.muli %scan3A_190, %mul3A_191 : i32
        %add3A_193 = vector.broadcast %mul3A_192 : i32 to vector<16xi32>
        %add3A_194 = arith.addi %add3A_193, %iota3A : vector<16xi32>
        %mul3A_195 = arith.constant 16 : i32
        %mul3A_196 = arith.muli %scan3A_190, %mul3A_195 : i32
        %get3A = arith.index_cast %mul3A_196 : i32 to index
        %get3A_197 = tpu.vector_load %arg7[%get3A] {strides = array<i32>} : memref<512xi32, #tpu.memory_space<vmem>>, vector<16xi32>,
        %div3A_198 = arith.constant 8 : i32
        %div3A_199 = arith.divsi %scan3A_190, %div3A_198 : i32
        %add3A_200 = arith.constant 4 : i32
        %add3A_201 = arith.addi %add3A_200, %div3A_199 : i32
        %rem3A_202 = arith.constant 8 : i32
        %rem3A_203 = arith.remsi %scan3A_190, %rem3A_202 : i32
        %mul3A_204 = arith.constant 16 : i32
        %mul3A_205 = arith.muli %rem3A_203, %mul3A_204 : i32
        %add3A_206 = arith.constant 0 : i32
        %add3A_207 = vector.broadcast %add3A_206 : i32 to vector<16xi32>
        %add3A_208 = arith.addi %get3A_197, %add3A_207 : vector<16xi32>
        %gather3A = tpu.vector_load_idx %arg8[%add3A_194, %add3A_208] : memref<512x128xf32, #tpu.memory_space<vmem>>[vector<16xi32>, vector<16xi32>], vector<16xf32>,
        %add3A_209 = arith.constant 0 : i32
        %add3A_210 = arith.addi %add3A_209, %add3A_201 : i32
        %swap3A = arith.index_cast %add3A_210 : i32 to index
        %swap3A_211 = arith.index_cast %mul3A_205 : i32 to index
        %swap3A_212 = tpu.vector_load %arg9[%swap3A, %swap3A_211] {strides = array<i32>} : memref<128x128xf32, #tpu.memory_space<vmem>>, vector<16xf32>,
        tpu.vector_store %arg9[%swap3A, %swap3A_211], %gather3A {strides = array<i32>} : memref<128x128xf32, #tpu.memory_space<vmem>>, vector<16xf32>,
        %add3A_213 = arith.constant 1 : i32
        %add3A_214 = vector.broadcast %add3A_213 : i32 to vector<16xi32>
        %add3A_215 = arith.addi %get3A_197, %add3A_214 : vector<16xi32>
        %gather3A_216 = tpu.vector_load_idx %arg8[%add3A_194, %add3A_215] : memref<512x128xf32, #tpu.memory_space<vmem>>[vector<16xi32>, vector<16xi32>], vector<16xf32>,
        %add3A_217 = arith.constant 8 : i32
        %add3A_218 = arith.addi %add3A_217, %add3A_201 : i32
        %swap3A_219 = arith.index_cast %add3A_218 : i32 to index
        %swap3A_220 = arith.index_cast %mul3A_205 : i32 to index
        %swap3A_221 = tpu.vector_load %arg9[%swap3A_219, %swap3A_220] {strides = array<i32>} : memref<128x128xf32, #tpu.memory_space<vmem>>, vector<16xf32>,
        tpu.vector_store %arg9[%swap3A_219, %swap3A_220], %gather3A_216 {strides = array<i32>} : memref<128x128xf32, #tpu.memory_space<vmem>>, vector<16xf32>,
        %add3A_222 = arith.constant 2 : i32
        %add3A_223 = vector.broadcast %add3A_222 : i32 to vector<16xi32>
        %add3A_224 = arith.addi %get3A_197, %add3A_223 : vector<16xi32>
        %gather3A_225 = tpu.vector_load_idx %arg8[%add3A_194, %add3A_224] : memref<512x128xf32, #tpu.memory_space<vmem>>[vector<16xi32>, vector<16xi32>], vector<16xf32>,
        %add3A_226 = arith.constant 16 : i32
        %add3A_227 = arith.addi %add3A_226, %add3A_201 : i32
        %swap3A_228 = arith.index_cast %add3A_227 : i32 to index
        %swap3A_229 = arith.index_cast %mul3A_205 : i32 to index
        %swap3A_230 = tpu.vector_load %arg9[%swap3A_228, %swap3A_229] {strides = array<i32>} : memref<128x128xf32, #tpu.memory_space<vmem>>, vector<16xf32>,
        tpu.vector_store %arg9[%swap3A_228, %swap3A_229], %gather3A_225 {strides = array<i32>} : memref<128x128xf32, #tpu.memory_space<vmem>>, vector<16xf32>,
        %add3A_231 = arith.constant 3 : i32
        %add3A_232 = vector.broadcast %add3A_231 : i32 to vector<16xi32>
        %add3A_233 = arith.addi %get3A_197, %add3A_232 : vector<16xi32>
        %gather3A_234 = tpu.vector_load_idx %arg8[%add3A_194, %add3A_233] : memref<512x128xf32, #tpu.memory_space<vmem>>[vector<16xi32>, vector<16xi32>], vector<16xf32>,
        %add3A_235 = arith.constant 24 : i32
        %add3A_236 = arith.addi %add3A_235, %add3A_201 : i32
        %swap3A_237 = arith.index_cast %add3A_236 : i32 to index
        %swap3A_238 = arith.index_cast %mul3A_205 : i32 to index
        %swap3A_239 = tpu.vector_load %arg9[%swap3A_237, %swap3A_238] {strides = array<i32>} : memref<128x128xf32, #tpu.memory_space<vmem>>, vector<16xf32>,
        tpu.vector_store %arg9[%swap3A_237, %swap3A_238], %gather3A_234 {strides = array<i32>} : memref<128x128xf32, #tpu.memory_space<vmem>>, vector<16xf32>,
        %add3A_240 = arith.constant 4 : i32
        %add3A_241 = vector.broadcast %add3A_240 : i32 to vector<16xi32>
        %add3A_242 = arith.addi %get3A_197, %add3A_241 : vector<16xi32>
        %gather3A_243 = tpu.vector_load_idx %arg8[%add3A_194, %add3A_242] : memref<512x128xf32, #tpu.memory_space<vmem>>[vector<16xi32>, vector<16xi32>], vector<16xf32>,
        %add3A_244 = arith.constant 32 : i32
        %add3A_245 = arith.addi %add3A_244, %add3A_201 : i32
        %swap3A_246 = arith.index_cast %add3A_245 : i32 to index
        %swap3A_247 = arith.index_cast %mul3A_205 : i32 to index
        %swap3A_248 = tpu.vector_load %arg9[%swap3A_246, %swap3A_247] {strides = array<i32>} : memref<128x128xf32, #tpu.memory_space<vmem>>, vector<16xf32>,
        tpu.vector_store %arg9[%swap3A_246, %swap3A_247], %gather3A_243 {strides = array<i32>} : memref<128x128xf32, #tpu.memory_space<vmem>>, vector<16xf32>,
        %add3A_249 = arith.constant 5 : i32
        %add3A_250 = vector.broadcast %add3A_249 : i32 to vector<16xi32>
        %add3A_251 = arith.addi %get3A_197, %add3A_250 : vector<16xi32>
        %gather3A_252 = tpu.vector_load_idx %arg8[%add3A_194, %add3A_251] : memref<512x128xf32, #tpu.memory_space<vmem>>[vector<16xi32>, vector<16xi32>], vector<16xf32>,
        %add3A_253 = arith.constant 40 : i32
        %add3A_254 = arith.addi %add3A_253, %add3A_201 : i32
        %swap3A_255 = arith.index_cast %add3A_254 : i32 to index
        %swap3A_256 = arith.index_cast %mul3A_205 : i32 to index
        %swap3A_257 = tpu.vector_load %arg9[%swap3A_255, %swap3A_256] {strides = array<i32>} : memref<128x128xf32, #tpu.memory_space<vmem>>, vector<16xf32>,
        tpu.vector_store %arg9[%swap3A_255, %swap3A_256], %gather3A_252 {strides = array<i32>} : memref<128x128xf32, #tpu.memory_space<vmem>>, vector<16xf32>,
        %add3A_258 = arith.constant 6 : i32
        %add3A_259 = vector.broadcast %add3A_258 : i32 to vector<16xi32>
        %add3A_260 = arith.addi %get3A_197, %add3A_259 : vector<16xi32>
        %gather3A_261 = tpu.vector_load_idx %arg8[%add3A_194, %add3A_260] : memref<512x128xf32, #tpu.memory_space<vmem>>[vector<16xi32>, vector<16xi32>], vector<16xf32>,
        %add3A_262 = arith.constant 48 : i32
        %add3A_263 = arith.addi %add3A_262, %add3A_201 : i32
        %swap3A_264 = arith.index_cast %add3A_263 : i32 to index
        %swap3A_265 = arith.index_cast %mul3A_205 : i32 to index
        %swap3A_266 = tpu.vector_load %arg9[%swap3A_264, %swap3A_265] {strides = array<i32>} : memref<128x128xf32, #tpu.memory_space<vmem>>, vector<16xf32>,
        tpu.vector_store %arg9[%swap3A_264, %swap3A_265], %gather3A_261 {strides = array<i32>} : memref<128x128xf32, #tpu.memory_space<vmem>>, vector<16xf32>,
        %add3A_267 = arith.constant 7 : i32
        %add3A_268 = vector.broadcast %add3A_267 : i32 to vector<16xi32>
        %add3A_269 = arith.addi %get3A_197, %add3A_268 : vector<16xi32>
        %gather3A_270 = tpu.vector_load_idx %arg8[%add3A_194, %add3A_269] : memref<512x128xf32, #tpu.memory_space<vmem>>[vector<16xi32>, vector<16xi32>], vector<16xf32>,
        %add3A_271 = arith.constant 56 : i32
        %add3A_272 = arith.addi %add3A_271, %add3A_201 : i32
        %swap3A_273 = arith.index_cast %add3A_272 : i32 to index
        %swap3A_274 = arith.index_cast %mul3A_205 : i32 to index
        %swap3A_275 = tpu.vector_load %arg9[%swap3A_273, %swap3A_274] {strides = array<i32>} : memref<128x128xf32, #tpu.memory_space<vmem>>, vector<16xf32>,
        tpu.vector_store %arg9[%swap3A_273, %swap3A_274], %gather3A_270 {strides = array<i32>} : memref<128x128xf32, #tpu.memory_space<vmem>>, vector<16xf32>,
        %add3A_276 = arith.constant 8 : i32
        %add3A_277 = vector.broadcast %add3A_276 : i32 to vector<16xi32>
        %add3A_278 = arith.addi %get3A_197, %add3A_277 : vector<16xi32>
        %gather3A_279 = tpu.vector_load_idx %arg8[%add3A_194, %add3A_278] : memref<512x128xf32, #tpu.memory_space<vmem>>[vector<16xi32>, vector<16xi32>], vector<16xf32>,
        %add3A_280 = arith.constant 64 : i32
        %add3A_281 = arith.addi %add3A_280, %add3A_201 : i32
        %swap3A_282 = arith.index_cast %add3A_281 : i32 to index
        %swap3A_283 = arith.index_cast %mul3A_205 : i32 to index
        %swap3A_284 = tpu.vector_load %arg9[%swap3A_282, %swap3A_283] {strides = array<i32>} : memref<128x128xf32, #tpu.memory_space<vmem>>, vector<16xf32>,
        tpu.vector_store %arg9[%swap3A_282, %swap3A_283], %gather3A_279 {strides = array<i32>} : memref<128x128xf32, #tpu.memory_space<vmem>>, vector<16xf32>,
        %add3A_285 = arith.constant 9 : i32
        %add3A_286 = vector.broadcast %add3A_285 : i32 to vector<16xi32>
        %add3A_287 = arith.addi %get3A_197, %add3A_286 : vector<16xi32>
        %gather3A_288 = tpu.vector_load_idx %arg8[%add3A_194, %add3A_287] : memref<512x128xf32, #tpu.memory_space<vmem>>[vector<16xi32>, vector<16xi32>], vector<16xf32>,
        %add3A_289 = arith.constant 72 : i32
        %add3A_290 = arith.addi %add3A_289, %add3A_201 : i32
        %swap3A_291 = arith.index_cast %add3A_290 : i32 to index
        %swap3A_292 = arith.index_cast %mul3A_205 : i32 to index
        %swap3A_293 = tpu.vector_load %arg9[%swap3A_291, %swap3A_292] {strides = array<i32>} : memref<128x128xf32, #tpu.memory_space<vmem>>, vector<16xf32>,
        tpu.vector_store %arg9[%swap3A_291, %swap3A_292], %gather3A_288 {strides = array<i32>} : memref<128x128xf32, #tpu.memory_space<vmem>>, vector<16xf32>,
        %add3A_294 = arith.constant 10 : i32
        %add3A_295 = vector.broadcast %add3A_294 : i32 to vector<16xi32>
        %add3A_296 = arith.addi %get3A_197, %add3A_295 : vector<16xi32>
        %gather3A_297 = tpu.vector_load_idx %arg8[%add3A_194, %add3A_296] : memref<512x128xf32, #tpu.memory_space<vmem>>[vector<16xi32>, vector<16xi32>], vector<16xf32>,
        %add3A_298 = arith.constant 80 : i32
        %add3A_299 = arith.addi %add3A_298, %add3A_201 : i32
        %swap3A_300 = arith.index_cast %add3A_299 : i32 to index
        %swap3A_301 = arith.index_cast %mul3A_205 : i32 to index
        %swap3A_302 = tpu.vector_load %arg9[%swap3A_300, %swap3A_301] {strides = array<i32>} : memref<128x128xf32, #tpu.memory_space<vmem>>, vector<16xf32>,
        tpu.vector_store %arg9[%swap3A_300, %swap3A_301], %gather3A_297 {strides = array<i32>} : memref<128x128xf32, #tpu.memory_space<vmem>>, vector<16xf32>,
        %add3A_303 = arith.constant 11 : i32
        %add3A_304 = vector.broadcast %add3A_303 : i32 to vector<16xi32>
        %add3A_305 = arith.addi %get3A_197, %add3A_304 : vector<16xi32>
        %gather3A_306 = tpu.vector_load_idx %arg8[%add3A_194, %add3A_305] : memref<512x128xf32, #tpu.memory_space<vmem>>[vector<16xi32>, vector<16xi32>], vector<16xf32>,
        %add3A_307 = arith.constant 88 : i32
        %add3A_308 = arith.addi %add3A_307, %add3A_201 : i32
        %swap3A_309 = arith.index_cast %add3A_308 : i32 to index
        %swap3A_310 = arith.index_cast %mul3A_205 : i32 to index
        %swap3A_311 = tpu.vector_load %arg9[%swap3A_309, %swap3A_310] {strides = array<i32>} : memref<128x128xf32, #tpu.memory_space<vmem>>, vector<16xf32>,
        tpu.vector_store %arg9[%swap3A_309, %swap3A_310], %gather3A_306 {strides = array<i32>} : memref<128x128xf32, #tpu.memory_space<vmem>>, vector<16xf32>,
        %add3A_312 = arith.constant 12 : i32
        %add3A_313 = vector.broadcast %add3A_312 : i32 to vector<16xi32>
        %add3A_314 = arith.addi %get3A_197, %add3A_313 : vector<16xi32>
        %gather3A_315 = tpu.vector_load_idx %arg8[%add3A_194, %add3A_314] : memref<512x128xf32, #tpu.memory_space<vmem>>[vector<16xi32>, vector<16xi32>], vector<16xf32>,
        %add3A_316 = arith.constant 96 : i32
        %add3A_317 = arith.addi %add3A_316, %add3A_201 : i32
        %swap3A_318 = arith.index_cast %add3A_317 : i32 to index
        %swap3A_319 = arith.index_cast %mul3A_205 : i32 to index
        %swap3A_320 = tpu.vector_load %arg9[%swap3A_318, %swap3A_319] {strides = array<i32>} : memref<128x128xf32, #tpu.memory_space<vmem>>, vector<16xf32>,
        tpu.vector_store %arg9[%swap3A_318, %swap3A_319], %gather3A_315 {strides = array<i32>} : memref<128x128xf32, #tpu.memory_space<vmem>>, vector<16xf32>,
        %add3A_321 = arith.constant 13 : i32
        %add3A_322 = vector.broadcast %add3A_321 : i32 to vector<16xi32>
        %add3A_323 = arith.addi %get3A_197, %add3A_322 : vector<16xi32>
        %gather3A_324 = tpu.vector_load_idx %arg8[%add3A_194, %add3A_323] : memref<512x128xf32, #tpu.memory_space<vmem>>[vector<16xi32>, vector<16xi32>], vector<16xf32>,
        %add3A_325 = arith.constant 104 : i32
        %add3A_326 = arith.addi %add3A_325, %add3A_201 : i32
        %swap3A_327 = arith.index_cast %add3A_326 : i32 to index
        %swap3A_328 = arith.index_cast %mul3A_205 : i32 to index
        %swap3A_329 = tpu.vector_load %arg9[%swap3A_327, %swap3A_328] {strides = array<i32>} : memref<128x128xf32, #tpu.memory_space<vmem>>, vector<16xf32>,
        tpu.vector_store %arg9[%swap3A_327, %swap3A_328], %gather3A_324 {strides = array<i32>} : memref<128x128xf32, #tpu.memory_space<vmem>>, vector<16xf32>,
        %add3A_330 = arith.constant 14 : i32
        %add3A_331 = vector.broadcast %add3A_330 : i32 to vector<16xi32>
        %add3A_332 = arith.addi %get3A_197, %add3A_331 : vector<16xi32>
        %gather3A_333 = tpu.vector_load_idx %arg8[%add3A_194, %add3A_332] : memref<512x128xf32, #tpu.memory_space<vmem>>[vector<16xi32>, vector<16xi32>], vector<16xf32>,
        %add3A_334 = arith.constant 112 : i32
        %add3A_335 = arith.addi %add3A_334, %add3A_201 : i32
        %swap3A_336 = arith.index_cast %add3A_335 : i32 to index
        %swap3A_337 = arith.index_cast %mul3A_205 : i32 to index
        %swap3A_338 = tpu.vector_load %arg9[%swap3A_336, %swap3A_337] {strides = array<i32>} : memref<128x128xf32, #tpu.memory_space<vmem>>, vector<16xf32>,
        tpu.vector_store %arg9[%swap3A_336, %swap3A_337], %gather3A_333 {strides = array<i32>} : memref<128x128xf32, #tpu.memory_space<vmem>>, vector<16xf32>,
        %add3A_339 = arith.constant 15 : i32
        %add3A_340 = vector.broadcast %add3A_339 : i32 to vector<16xi32>
        %add3A_341 = arith.addi %get3A_197, %add3A_340 : vector<16xi32>
        %gather3A_342 = tpu.vector_load_idx %arg8[%add3A_194, %add3A_341] : memref<512x128xf32, #tpu.memory_space<vmem>>[vector<16xi32>, vector<16xi32>], vector<16xf32>,
        %add3A_343 = arith.constant 120 : i32
        %add3A_344 = arith.addi %add3A_343, %add3A_201 : i32
        %swap3A_345 = arith.index_cast %add3A_344 : i32 to index
        %swap3A_346 = arith.index_cast %mul3A_205 : i32 to index
        %swap3A_347 = tpu.vector_load %arg9[%swap3A_345, %swap3A_346] {strides = array<i32>} : memref<128x128xf32, #tpu.memory_space<vmem>>, vector<16xf32>,
        tpu.vector_store %arg9[%swap3A_345, %swap3A_346], %gather3A_342 {strides = array<i32>} : memref<128x128xf32, #tpu.memory_space<vmem>>, vector<16xf32>,
      }
      %scan3A_93 = arith.constant 32 : i32
      %mul3A_94 = arith.constant 16 : i32
      %mul3A_95 = arith.muli %mul3A_94, %select_n3A : i32
      %add3A_96 = arith.constant 0 : i32
      %add3A_97 = arith.addi %mul3A_95, %add3A_96 : i32
      %mul3A_98 = arith.constant 8 : i32
      %mul3A_99 = arith.muli %select_n3A_38, %mul3A_98 : i32
      "tpu.region"() ({
        %run_scoped3A = tpu.sem_alloc : memref<!tpu.dma_semaphore, #tpu.memory_space<semaphore_mem>>
        %dma_start3A_190 = arith.constant 0 : i32
        %dma_start3A_191 = arith.constant 0 : i32
        %dma_start3A_192 = tpu.memref_slice %arg9[%dma_start3A_190, %dma_start3A_191] : memref<128x128xf32, #tpu.memory_space<vmem>> -> memref<8x128xf32, #tpu.memory_space<vmem>>
        %dma_start3A_193 = arith.constant 0 : i32
        %dma_start3A_194 = tpu.memref_slice %arg4[%add3A_97, %mul3A_99, %dma_start3A_193] : memref<416x128x128xf32, #tpu.memory_space<hbm>> -> memref<1x8x128xf32, #tpu.memory_space<hbm>>
        %dma_start3A_195 = tpu.memref_squeeze %dma_start3A_194 : memref<1x8x128xf32, #tpu.memory_space<hbm>> -> memref<8x128xf32, #tpu.memory_space<hbm>>
        %dma_start3A_196 = arith.constant 0 : i32
        %dma_start3A_197 = tpu.memref_slice %arg4[%add3A_97, %mul3A_99, %dma_start3A_196] : memref<416x128x128xf32, #tpu.memory_space<hbm>> -> memref<1x8x128xf32, #tpu.memory_space<hbm>>
        %dma_start3A_198 = tpu.memref_squeeze %dma_start3A_197 : memref<1x8x128xf32, #tpu.memory_space<hbm>> -> memref<8x128xf32, #tpu.memory_space<hbm>>
        %dma_start3A_199 = arith.constant 0 : i32
        %dma_start3A_200 = arith.constant 0 : i32
        %dma_start3A_201 = tpu.memref_slice %arg9[%dma_start3A_199, %dma_start3A_200] : memref<128x128xf32, #tpu.memory_space<vmem>> -> memref<8x128xf32, #tpu.memory_space<vmem>>
        tpu.enqueue_dma source(%dma_start3A_201 : memref<8x128xf32, #tpu.memory_space<vmem>>) target(%dma_start3A_198 : memref<8x128xf32, #tpu.memory_space<hbm>>) target_semaphore(%run_scoped3A : memref<!tpu.dma_semaphore, #tpu.memory_space<semaphore_mem>>)
        %dma_wait3A_202 = arith.constant 0 : i32
        %dma_wait3A_203 = arith.constant 0 : i32
        %dma_wait3A_204 = tpu.memref_slice %arg9[%dma_wait3A_202, %dma_wait3A_203] : memref<128x128xf32, #tpu.memory_space<vmem>> -> memref<8x128xf32, #tpu.memory_space<vmem>>
        %dma_wait3A_205 = arith.constant 0 : i32
        %dma_wait3A_206 = tpu.memref_slice %arg4[%add3A_97, %mul3A_99, %dma_wait3A_205] : memref<416x128x128xf32, #tpu.memory_space<hbm>> -> memref<1x8x128xf32, #tpu.memory_space<hbm>>
        %dma_wait3A_207 = tpu.memref_squeeze %dma_wait3A_206 : memref<1x8x128xf32, #tpu.memory_space<hbm>> -> memref<8x128xf32, #tpu.memory_space<hbm>>
        %dma_wait3A_208 = arith.constant 0 : i32
        %dma_wait3A_209 = tpu.memref_slice %arg4[%add3A_97, %mul3A_99, %dma_wait3A_208] : memref<416x128x128xf32, #tpu.memory_space<hbm>> -> memref<1x8x128xf32, #tpu.memory_space<hbm>>
        %dma_wait3A_210 = tpu.memref_squeeze %dma_wait3A_209 : memref<1x8x128xf32, #tpu.memory_space<hbm>> -> memref<8x128xf32, #tpu.memory_space<hbm>>
        %dma_wait3A_211 = arith.constant 0 : i32
        %dma_wait3A_212 = arith.constant 0 : i32
        %dma_wait3A_213 = tpu.memref_slice %arg9[%dma_wait3A_211, %dma_wait3A_212] : memref<128x128xf32, #tpu.memory_space<vmem>> -> memref<8x128xf32, #tpu.memory_space<vmem>>
        tpu.wait_dma2 semaphore(%run_scoped3A : memref<!tpu.dma_semaphore, #tpu.memory_space<semaphore_mem>>) src(%dma_wait3A_213 : memref<8x128xf32, #tpu.memory_space<vmem>>) dst(%dma_wait3A_210 : memref<8x128xf32, #tpu.memory_space<hbm>>)
        tpu.yield
      }) : () -> ()
      %mul3A_100 = arith.constant 16 : i32
      %mul3A_101 = arith.muli %mul3A_100, %select_n3A : i32
      %add3A_102 = arith.constant 1 : i32
      %add3A_103 = arith.addi %mul3A_101, %add3A_102 : i32
      %mul3A_104 = arith.constant 8 : i32
      %mul3A_105 = arith.muli %select_n3A_38, %mul3A_104 : i32
      "tpu.region"() ({
        %run_scoped3A = tpu.sem_alloc : memref<!tpu.dma_semaphore, #tpu.memory_space<semaphore_mem>>
        %dma_start3A_190 = arith.constant 8 : i32
        %dma_start3A_191 = arith.constant 0 : i32
        %dma_start3A_192 = tpu.memref_slice %arg9[%dma_start3A_190, %dma_start3A_191] : memref<128x128xf32, #tpu.memory_space<vmem>> -> memref<8x128xf32, #tpu.memory_space<vmem>>
        %dma_start3A_193 = arith.constant 0 : i32
        %dma_start3A_194 = tpu.memref_slice %arg4[%add3A_103, %mul3A_105, %dma_start3A_193] : memref<416x128x128xf32, #tpu.memory_space<hbm>> -> memref<1x8x128xf32, #tpu.memory_space<hbm>>
        %dma_start3A_195 = tpu.memref_squeeze %dma_start3A_194 : memref<1x8x128xf32, #tpu.memory_space<hbm>> -> memref<8x128xf32, #tpu.memory_space<hbm>>
        %dma_start3A_196 = arith.constant 0 : i32
        %dma_start3A_197 = tpu.memref_slice %arg4[%add3A_103, %mul3A_105, %dma_start3A_196] : memref<416x128x128xf32, #tpu.memory_space<hbm>> -> memref<1x8x128xf32, #tpu.memory_space<hbm>>
        %dma_start3A_198 = tpu.memref_squeeze %dma_start3A_197 : memref<1x8x128xf32, #tpu.memory_space<hbm>> -> memref<8x128xf32, #tpu.memory_space<hbm>>
        %dma_start3A_199 = arith.constant 8 : i32
        %dma_start3A_200 = arith.constant 0 : i32
        %dma_start3A_201 = tpu.memref_slice %arg9[%dma_start3A_199, %dma_start3A_200] : memref<128x128xf32, #tpu.memory_space<vmem>> -> memref<8x128xf32, #tpu.memory_space<vmem>>
        tpu.enqueue_dma source(%dma_start3A_201 : memref<8x128xf32, #tpu.memory_space<vmem>>) target(%dma_start3A_198 : memref<8x128xf32, #tpu.memory_space<hbm>>) target_semaphore(%run_scoped3A : memref<!tpu.dma_semaphore, #tpu.memory_space<semaphore_mem>>)
        %dma_wait3A_202 = arith.constant 8 : i32
        %dma_wait3A_203 = arith.constant 0 : i32
        %dma_wait3A_204 = tpu.memref_slice %arg9[%dma_wait3A_202, %dma_wait3A_203] : memref<128x128xf32, #tpu.memory_space<vmem>> -> memref<8x128xf32, #tpu.memory_space<vmem>>
        %dma_wait3A_205 = arith.constant 0 : i32
        %dma_wait3A_206 = tpu.memref_slice %arg4[%add3A_103, %mul3A_105, %dma_wait3A_205] : memref<416x128x128xf32, #tpu.memory_space<hbm>> -> memref<1x8x128xf32, #tpu.memory_space<hbm>>
        %dma_wait3A_207 = tpu.memref_squeeze %dma_wait3A_206 : memref<1x8x128xf32, #tpu.memory_space<hbm>> -> memref<8x128xf32, #tpu.memory_space<hbm>>
        %dma_wait3A_208 = arith.constant 0 : i32
        %dma_wait3A_209 = tpu.memref_slice %arg4[%add3A_103, %mul3A_105, %dma_wait3A_208] : memref<416x128x128xf32, #tpu.memory_space<hbm>> -> memref<1x8x128xf32, #tpu.memory_space<hbm>>
        %dma_wait3A_210 = tpu.memref_squeeze %dma_wait3A_209 : memref<1x8x128xf32, #tpu.memory_space<hbm>> -> memref<8x128xf32, #tpu.memory_space<hbm>>
        %dma_wait3A_211 = arith.constant 8 : i32
        %dma_wait3A_212 = arith.constant 0 : i32
        %dma_wait3A_213 = tpu.memref_slice %arg9[%dma_wait3A_211, %dma_wait3A_212] : memref<128x128xf32, #tpu.memory_space<vmem>> -> memref<8x128xf32, #tpu.memory_space<vmem>>
        tpu.wait_dma2 semaphore(%run_scoped3A : memref<!tpu.dma_semaphore, #tpu.memory_space<semaphore_mem>>) src(%dma_wait3A_213 : memref<8x128xf32, #tpu.memory_space<vmem>>) dst(%dma_wait3A_210 : memref<8x128xf32, #tpu.memory_space<hbm>>)
        tpu.yield
      }) : () -> ()
      %mul3A_106 = arith.constant 16 : i32
      %mul3A_107 = arith.muli %mul3A_106, %select_n3A : i32
      %add3A_108 = arith.constant 2 : i32
      %add3A_109 = arith.addi %mul3A_107, %add3A_108 : i32
      %mul3A_110 = arith.constant 8 : i32
      %mul3A_111 = arith.muli %select_n3A_38, %mul3A_110 : i32
      "tpu.region"() ({
        %run_scoped3A = tpu.sem_alloc : memref<!tpu.dma_semaphore, #tpu.memory_space<semaphore_mem>>
        %dma_start3A_190 = arith.constant 16 : i32
        %dma_start3A_191 = arith.constant 0 : i32
        %dma_start3A_192 = tpu.memref_slice %arg9[%dma_start3A_190, %dma_start3A_191] : memref<128x128xf32, #tpu.memory_space<vmem>> -> memref<8x128xf32, #tpu.memory_space<vmem>>
        %dma_start3A_193 = arith.constant 0 : i32
        %dma_start3A_194 = tpu.memref_slice %arg4[%add3A_109, %mul3A_111, %dma_start3A_193] : memref<416x128x128xf32, #tpu.memory_space<hbm>> -> memref<1x8x128xf32, #tpu.memory_space<hbm>>
        %dma_start3A_195 = tpu.memref_squeeze %dma_start3A_194 : memref<1x8x128xf32, #tpu.memory_space<hbm>> -> memref<8x128xf32, #tpu.memory_space<hbm>>
        %dma_start3A_196 = arith.constant 0 : i32
        %dma_start3A_197 = tpu.memref_slice %arg4[%add3A_109, %mul3A_111, %dma_start3A_196] : memref<416x128x128xf32, #tpu.memory_space<hbm>> -> memref<1x8x128xf32, #tpu.memory_space<hbm>>
        %dma_start3A_198 = tpu.memref_squeeze %dma_start3A_197 : memref<1x8x128xf32, #tpu.memory_space<hbm>> -> memref<8x128xf32, #tpu.memory_space<hbm>>
        %dma_start3A_199 = arith.constant 16 : i32
        %dma_start3A_200 = arith.constant 0 : i32
        %dma_start3A_201 = tpu.memref_slice %arg9[%dma_start3A_199, %dma_start3A_200] : memref<128x128xf32, #tpu.memory_space<vmem>> -> memref<8x128xf32, #tpu.memory_space<vmem>>
        tpu.enqueue_dma source(%dma_start3A_201 : memref<8x128xf32, #tpu.memory_space<vmem>>) target(%dma_start3A_198 : memref<8x128xf32, #tpu.memory_space<hbm>>) target_semaphore(%run_scoped3A : memref<!tpu.dma_semaphore, #tpu.memory_space<semaphore_mem>>)
        %dma_wait3A_202 = arith.constant 16 : i32
        %dma_wait3A_203 = arith.constant 0 : i32
        %dma_wait3A_204 = tpu.memref_slice %arg9[%dma_wait3A_202, %dma_wait3A_203] : memref<128x128xf32, #tpu.memory_space<vmem>> -> memref<8x128xf32, #tpu.memory_space<vmem>>
        %dma_wait3A_205 = arith.constant 0 : i32
        %dma_wait3A_206 = tpu.memref_slice %arg4[%add3A_109, %mul3A_111, %dma_wait3A_205] : memref<416x128x128xf32, #tpu.memory_space<hbm>> -> memref<1x8x128xf32, #tpu.memory_space<hbm>>
        %dma_wait3A_207 = tpu.memref_squeeze %dma_wait3A_206 : memref<1x8x128xf32, #tpu.memory_space<hbm>> -> memref<8x128xf32, #tpu.memory_space<hbm>>
        %dma_wait3A_208 = arith.constant 0 : i32
        %dma_wait3A_209 = tpu.memref_slice %arg4[%add3A_109, %mul3A_111, %dma_wait3A_208] : memref<416x128x128xf32, #tpu.memory_space<hbm>> -> memref<1x8x128xf32, #tpu.memory_space<hbm>>
        %dma_wait3A_210 = tpu.memref_squeeze %dma_wait3A_209 : memref<1x8x128xf32, #tpu.memory_space<hbm>> -> memref<8x128xf32, #tpu.memory_space<hbm>>
        %dma_wait3A_211 = arith.constant 16 : i32
        %dma_wait3A_212 = arith.constant 0 : i32
        %dma_wait3A_213 = tpu.memref_slice %arg9[%dma_wait3A_211, %dma_wait3A_212] : memref<128x128xf32, #tpu.memory_space<vmem>> -> memref<8x128xf32, #tpu.memory_space<vmem>>
        tpu.wait_dma2 semaphore(%run_scoped3A : memref<!tpu.dma_semaphore, #tpu.memory_space<semaphore_mem>>) src(%dma_wait3A_213 : memref<8x128xf32, #tpu.memory_space<vmem>>) dst(%dma_wait3A_210 : memref<8x128xf32, #tpu.memory_space<hbm>>)
        tpu.yield
      }) : () -> ()
      %mul3A_112 = arith.constant 16 : i32
      %mul3A_113 = arith.muli %mul3A_112, %select_n3A : i32
      %add3A_114 = arith.constant 3 : i32
      %add3A_115 = arith.addi %mul3A_113, %add3A_114 : i32
      %mul3A_116 = arith.constant 8 : i32
      %mul3A_117 = arith.muli %select_n3A_38, %mul3A_116 : i32
      "tpu.region"() ({
        %run_scoped3A = tpu.sem_alloc : memref<!tpu.dma_semaphore, #tpu.memory_space<semaphore_mem>>
        %dma_start3A_190 = arith.constant 24 : i32
        %dma_start3A_191 = arith.constant 0 : i32
        %dma_start3A_192 = tpu.memref_slice %arg9[%dma_start3A_190, %dma_start3A_191] : memref<128x128xf32, #tpu.memory_space<vmem>> -> memref<8x128xf32, #tpu.memory_space<vmem>>
        %dma_start3A_193 = arith.constant 0 : i32
        %dma_start3A_194 = tpu.memref_slice %arg4[%add3A_115, %mul3A_117, %dma_start3A_193] : memref<416x128x128xf32, #tpu.memory_space<hbm>> -> memref<1x8x128xf32, #tpu.memory_space<hbm>>
        %dma_start3A_195 = tpu.memref_squeeze %dma_start3A_194 : memref<1x8x128xf32, #tpu.memory_space<hbm>> -> memref<8x128xf32, #tpu.memory_space<hbm>>
        %dma_start3A_196 = arith.constant 0 : i32
        %dma_start3A_197 = tpu.memref_slice %arg4[%add3A_115, %mul3A_117, %dma_start3A_196] : memref<416x128x128xf32, #tpu.memory_space<hbm>> -> memref<1x8x128xf32, #tpu.memory_space<hbm>>
        %dma_start3A_198 = tpu.memref_squeeze %dma_start3A_197 : memref<1x8x128xf32, #tpu.memory_space<hbm>> -> memref<8x128xf32, #tpu.memory_space<hbm>>
        %dma_start3A_199 = arith.constant 24 : i32
        %dma_start3A_200 = arith.constant 0 : i32
        %dma_start3A_201 = tpu.memref_slice %arg9[%dma_start3A_199, %dma_start3A_200] : memref<128x128xf32, #tpu.memory_space<vmem>> -> memref<8x128xf32, #tpu.memory_space<vmem>>
        tpu.enqueue_dma source(%dma_start3A_201 : memref<8x128xf32, #tpu.memory_space<vmem>>) target(%dma_start3A_198 : memref<8x128xf32, #tpu.memory_space<hbm>>) target_semaphore(%run_scoped3A : memref<!tpu.dma_semaphore, #tpu.memory_space<semaphore_mem>>)
        %dma_wait3A_202 = arith.constant 24 : i32
        %dma_wait3A_203 = arith.constant 0 : i32
        %dma_wait3A_204 = tpu.memref_slice %arg9[%dma_wait3A_202, %dma_wait3A_203] : memref<128x128xf32, #tpu.memory_space<vmem>> -> memref<8x128xf32, #tpu.memory_space<vmem>>
        %dma_wait3A_205 = arith.constant 0 : i32
        %dma_wait3A_206 = tpu.memref_slice %arg4[%add3A_115, %mul3A_117, %dma_wait3A_205] : memref<416x128x128xf32, #tpu.memory_space<hbm>> -> memref<1x8x128xf32, #tpu.memory_space<hbm>>
        %dma_wait3A_207 = tpu.memref_squeeze %dma_wait3A_206 : memref<1x8x128xf32, #tpu.memory_space<hbm>> -> memref<8x128xf32, #tpu.memory_space<hbm>>
        %dma_wait3A_208 = arith.constant 0 : i32
        %dma_wait3A_209 = tpu.memref_slice %arg4[%add3A_115, %mul3A_117, %dma_wait3A_208] : memref<416x128x128xf32, #tpu.memory_space<hbm>> -> memref<1x8x128xf32, #tpu.memory_space<hbm>>
        %dma_wait3A_210 = tpu.memref_squeeze %dma_wait3A_209 : memref<1x8x128xf32, #tpu.memory_space<hbm>> -> memref<8x128xf32, #tpu.memory_space<hbm>>
        %dma_wait3A_211 = arith.constant 24 : i32
        %dma_wait3A_212 = arith.constant 0 : i32
        %dma_wait3A_213 = tpu.memref_slice %arg9[%dma_wait3A_211, %dma_wait3A_212] : memref<128x128xf32, #tpu.memory_space<vmem>> -> memref<8x128xf32, #tpu.memory_space<vmem>>
        tpu.wait_dma2 semaphore(%run_scoped3A : memref<!tpu.dma_semaphore, #tpu.memory_space<semaphore_mem>>) src(%dma_wait3A_213 : memref<8x128xf32, #tpu.memory_space<vmem>>) dst(%dma_wait3A_210 : memref<8x128xf32, #tpu.memory_space<hbm>>)
        tpu.yield
      }) : () -> ()
      %mul3A_118 = arith.constant 16 : i32
      %mul3A_119 = arith.muli %mul3A_118, %select_n3A : i32
      %add3A_120 = arith.constant 4 : i32
      %add3A_121 = arith.addi %mul3A_119, %add3A_120 : i32
      %mul3A_122 = arith.constant 8 : i32
      %mul3A_123 = arith.muli %select_n3A_38, %mul3A_122 : i32
      "tpu.region"() ({
        %run_scoped3A = tpu.sem_alloc : memref<!tpu.dma_semaphore, #tpu.memory_space<semaphore_mem>>
        %dma_start3A_190 = arith.constant 32 : i32
        %dma_start3A_191 = arith.constant 0 : i32
        %dma_start3A_192 = tpu.memref_slice %arg9[%dma_start3A_190, %dma_start3A_191] : memref<128x128xf32, #tpu.memory_space<vmem>> -> memref<8x128xf32, #tpu.memory_space<vmem>>
        %dma_start3A_193 = arith.constant 0 : i32
        %dma_start3A_194 = tpu.memref_slice %arg4[%add3A_121, %mul3A_123, %dma_start3A_193] : memref<416x128x128xf32, #tpu.memory_space<hbm>> -> memref<1x8x128xf32, #tpu.memory_space<hbm>>
        %dma_start3A_195 = tpu.memref_squeeze %dma_start3A_194 : memref<1x8x128xf32, #tpu.memory_space<hbm>> -> memref<8x128xf32, #tpu.memory_space<hbm>>
        %dma_start3A_196 = arith.constant 0 : i32
        %dma_start3A_197 = tpu.memref_slice %arg4[%add3A_121, %mul3A_123, %dma_start3A_196] : memref<416x128x128xf32, #tpu.memory_space<hbm>> -> memref<1x8x128xf32, #tpu.memory_space<hbm>>
        %dma_start3A_198 = tpu.memref_squeeze %dma_start3A_197 : memref<1x8x128xf32, #tpu.memory_space<hbm>> -> memref<8x128xf32, #tpu.memory_space<hbm>>
        %dma_start3A_199 = arith.constant 32 : i32
        %dma_start3A_200 = arith.constant 0 : i32
        %dma_start3A_201 = tpu.memref_slice %arg9[%dma_start3A_199, %dma_start3A_200] : memref<128x128xf32, #tpu.memory_space<vmem>> -> memref<8x128xf32, #tpu.memory_space<vmem>>
        tpu.enqueue_dma source(%dma_start3A_201 : memref<8x128xf32, #tpu.memory_space<vmem>>) target(%dma_start3A_198 : memref<8x128xf32, #tpu.memory_space<hbm>>) target_semaphore(%run_scoped3A : memref<!tpu.dma_semaphore, #tpu.memory_space<semaphore_mem>>)
        %dma_wait3A_202 = arith.constant 32 : i32
        %dma_wait3A_203 = arith.constant 0 : i32
        %dma_wait3A_204 = tpu.memref_slice %arg9[%dma_wait3A_202, %dma_wait3A_203] : memref<128x128xf32, #tpu.memory_space<vmem>> -> memref<8x128xf32, #tpu.memory_space<vmem>>
        %dma_wait3A_205 = arith.constant 0 : i32
        %dma_wait3A_206 = tpu.memref_slice %arg4[%add3A_121, %mul3A_123, %dma_wait3A_205] : memref<416x128x128xf32, #tpu.memory_space<hbm>> -> memref<1x8x128xf32, #tpu.memory_space<hbm>>
        %dma_wait3A_207 = tpu.memref_squeeze %dma_wait3A_206 : memref<1x8x128xf32, #tpu.memory_space<hbm>> -> memref<8x128xf32, #tpu.memory_space<hbm>>
        %dma_wait3A_208 = arith.constant 0 : i32
        %dma_wait3A_209 = tpu.memref_slice %arg4[%add3A_121, %mul3A_123, %dma_wait3A_208] : memref<416x128x128xf32, #tpu.memory_space<hbm>> -> memref<1x8x128xf32, #tpu.memory_space<hbm>>
        %dma_wait3A_210 = tpu.memref_squeeze %dma_wait3A_209 : memref<1x8x128xf32, #tpu.memory_space<hbm>> -> memref<8x128xf32, #tpu.memory_space<hbm>>
        %dma_wait3A_211 = arith.constant 32 : i32
        %dma_wait3A_212 = arith.constant 0 : i32
        %dma_wait3A_213 = tpu.memref_slice %arg9[%dma_wait3A_211, %dma_wait3A_212] : memref<128x128xf32, #tpu.memory_space<vmem>> -> memref<8x128xf32, #tpu.memory_space<vmem>>
        tpu.wait_dma2 semaphore(%run_scoped3A : memref<!tpu.dma_semaphore, #tpu.memory_space<semaphore_mem>>) src(%dma_wait3A_213 : memref<8x128xf32, #tpu.memory_space<vmem>>) dst(%dma_wait3A_210 : memref<8x128xf32, #tpu.memory_space<hbm>>)
        tpu.yield
      }) : () -> ()
      %mul3A_124 = arith.constant 16 : i32
      %mul3A_125 = arith.muli %mul3A_124, %select_n3A : i32
      %add3A_126 = arith.constant 5 : i32
      %add3A_127 = arith.addi %mul3A_125, %add3A_126 : i32
      %mul3A_128 = arith.constant 8 : i32
      %mul3A_129 = arith.muli %select_n3A_38, %mul3A_128 : i32
      "tpu.region"() ({
        %run_scoped3A = tpu.sem_alloc : memref<!tpu.dma_semaphore, #tpu.memory_space<semaphore_mem>>
        %dma_start3A_190 = arith.constant 40 : i32
        %dma_start3A_191 = arith.constant 0 : i32
        %dma_start3A_192 = tpu.memref_slice %arg9[%dma_start3A_190, %dma_start3A_191] : memref<128x128xf32, #tpu.memory_space<vmem>> -> memref<8x128xf32, #tpu.memory_space<vmem>>
        %dma_start3A_193 = arith.constant 0 : i32
        %dma_start3A_194 = tpu.memref_slice %arg4[%add3A_127, %mul3A_129, %dma_start3A_193] : memref<416x128x128xf32, #tpu.memory_space<hbm>> -> memref<1x8x128xf32, #tpu.memory_space<hbm>>
        %dma_start3A_195 = tpu.memref_squeeze %dma_start3A_194 : memref<1x8x128xf32, #tpu.memory_space<hbm>> -> memref<8x128xf32, #tpu.memory_space<hbm>>
        %dma_start3A_196 = arith.constant 0 : i32
        %dma_start3A_197 = tpu.memref_slice %arg4[%add3A_127, %mul3A_129, %dma_start3A_196] : memref<416x128x128xf32, #tpu.memory_space<hbm>> -> memref<1x8x128xf32, #tpu.memory_space<hbm>>
        %dma_start3A_198 = tpu.memref_squeeze %dma_start3A_197 : memref<1x8x128xf32, #tpu.memory_space<hbm>> -> memref<8x128xf32, #tpu.memory_space<hbm>>
        %dma_start3A_199 = arith.constant 40 : i32
        %dma_start3A_200 = arith.constant 0 : i32
        %dma_start3A_201 = tpu.memref_slice %arg9[%dma_start3A_199, %dma_start3A_200] : memref<128x128xf32, #tpu.memory_space<vmem>> -> memref<8x128xf32, #tpu.memory_space<vmem>>
        tpu.enqueue_dma source(%dma_start3A_201 : memref<8x128xf32, #tpu.memory_space<vmem>>) target(%dma_start3A_198 : memref<8x128xf32, #tpu.memory_space<hbm>>) target_semaphore(%run_scoped3A : memref<!tpu.dma_semaphore, #tpu.memory_space<semaphore_mem>>)
        %dma_wait3A_202 = arith.constant 40 : i32
        %dma_wait3A_203 = arith.constant 0 : i32
        %dma_wait3A_204 = tpu.memref_slice %arg9[%dma_wait3A_202, %dma_wait3A_203] : memref<128x128xf32, #tpu.memory_space<vmem>> -> memref<8x128xf32, #tpu.memory_space<vmem>>
        %dma_wait3A_205 = arith.constant 0 : i32
        %dma_wait3A_206 = tpu.memref_slice %arg4[%add3A_127, %mul3A_129, %dma_wait3A_205] : memref<416x128x128xf32, #tpu.memory_space<hbm>> -> memref<1x8x128xf32, #tpu.memory_space<hbm>>
        %dma_wait3A_207 = tpu.memref_squeeze %dma_wait3A_206 : memref<1x8x128xf32, #tpu.memory_space<hbm>> -> memref<8x128xf32, #tpu.memory_space<hbm>>
        %dma_wait3A_208 = arith.constant 0 : i32
        %dma_wait3A_209 = tpu.memref_slice %arg4[%add3A_127, %mul3A_129, %dma_wait3A_208] : memref<416x128x128xf32, #tpu.memory_space<hbm>> -> memref<1x8x128xf32, #tpu.memory_space<hbm>>
        %dma_wait3A_210 = tpu.memref_squeeze %dma_wait3A_209 : memref<1x8x128xf32, #tpu.memory_space<hbm>> -> memref<8x128xf32, #tpu.memory_space<hbm>>
        %dma_wait3A_211 = arith.constant 40 : i32
        %dma_wait3A_212 = arith.constant 0 : i32
        %dma_wait3A_213 = tpu.memref_slice %arg9[%dma_wait3A_211, %dma_wait3A_212] : memref<128x128xf32, #tpu.memory_space<vmem>> -> memref<8x128xf32, #tpu.memory_space<vmem>>
        tpu.wait_dma2 semaphore(%run_scoped3A : memref<!tpu.dma_semaphore, #tpu.memory_space<semaphore_mem>>) src(%dma_wait3A_213 : memref<8x128xf32, #tpu.memory_space<vmem>>) dst(%dma_wait3A_210 : memref<8x128xf32, #tpu.memory_space<hbm>>)
        tpu.yield
      }) : () -> ()
      %mul3A_130 = arith.constant 16 : i32
      %mul3A_131 = arith.muli %mul3A_130, %select_n3A : i32
      %add3A_132 = arith.constant 6 : i32
      %add3A_133 = arith.addi %mul3A_131, %add3A_132 : i32
      %mul3A_134 = arith.constant 8 : i32
      %mul3A_135 = arith.muli %select_n3A_38, %mul3A_134 : i32
      "tpu.region"() ({
        %run_scoped3A = tpu.sem_alloc : memref<!tpu.dma_semaphore, #tpu.memory_space<semaphore_mem>>
        %dma_start3A_190 = arith.constant 48 : i32
        %dma_start3A_191 = arith.constant 0 : i32
        %dma_start3A_192 = tpu.memref_slice %arg9[%dma_start3A_190, %dma_start3A_191] : memref<128x128xf32, #tpu.memory_space<vmem>> -> memref<8x128xf32, #tpu.memory_space<vmem>>
        %dma_start3A_193 = arith.constant 0 : i32
        %dma_start3A_194 = tpu.memref_slice %arg4[%add3A_133, %mul3A_135, %dma_start3A_193] : memref<416x128x128xf32, #tpu.memory_space<hbm>> -> memref<1x8x128xf32, #tpu.memory_space<hbm>>
        %dma_start3A_195 = tpu.memref_squeeze %dma_start3A_194 : memref<1x8x128xf32, #tpu.memory_space<hbm>> -> memref<8x128xf32, #tpu.memory_space<hbm>>
        %dma_start3A_196 = arith.constant 0 : i32
        %dma_start3A_197 = tpu.memref_slice %arg4[%add3A_133, %mul3A_135, %dma_start3A_196] : memref<416x128x128xf32, #tpu.memory_space<hbm>> -> memref<1x8x128xf32, #tpu.memory_space<hbm>>
        %dma_start3A_198 = tpu.memref_squeeze %dma_start3A_197 : memref<1x8x128xf32, #tpu.memory_space<hbm>> -> memref<8x128xf32, #tpu.memory_space<hbm>>
        %dma_start3A_199 = arith.constant 48 : i32
        %dma_start3A_200 = arith.constant 0 : i32
        %dma_start3A_201 = tpu.memref_slice %arg9[%dma_start3A_199, %dma_start3A_200] : memref<128x128xf32, #tpu.memory_space<vmem>> -> memref<8x128xf32, #tpu.memory_space<vmem>>
        tpu.enqueue_dma source(%dma_start3A_201 : memref<8x128xf32, #tpu.memory_space<vmem>>) target(%dma_start3A_198 : memref<8x128xf32, #tpu.memory_space<hbm>>) target_semaphore(%run_scoped3A : memref<!tpu.dma_semaphore, #tpu.memory_space<semaphore_mem>>)
        %dma_wait3A_202 = arith.constant 48 : i32
        %dma_wait3A_203 = arith.constant 0 : i32
        %dma_wait3A_204 = tpu.memref_slice %arg9[%dma_wait3A_202, %dma_wait3A_203] : memref<128x128xf32, #tpu.memory_space<vmem>> -> memref<8x128xf32, #tpu.memory_space<vmem>>
        %dma_wait3A_205 = arith.constant 0 : i32
        %dma_wait3A_206 = tpu.memref_slice %arg4[%add3A_133, %mul3A_135, %dma_wait3A_205] : memref<416x128x128xf32, #tpu.memory_space<hbm>> -> memref<1x8x128xf32, #tpu.memory_space<hbm>>
        %dma_wait3A_207 = tpu.memref_squeeze %dma_wait3A_206 : memref<1x8x128xf32, #tpu.memory_space<hbm>> -> memref<8x128xf32, #tpu.memory_space<hbm>>
        %dma_wait3A_208 = arith.constant 0 : i32
        %dma_wait3A_209 = tpu.memref_slice %arg4[%add3A_133, %mul3A_135, %dma_wait3A_208] : memref<416x128x128xf32, #tpu.memory_space<hbm>> -> memref<1x8x128xf32, #tpu.memory_space<hbm>>
        %dma_wait3A_210 = tpu.memref_squeeze %dma_wait3A_209 : memref<1x8x128xf32, #tpu.memory_space<hbm>> -> memref<8x128xf32, #tpu.memory_space<hbm>>
        %dma_wait3A_211 = arith.constant 48 : i32
        %dma_wait3A_212 = arith.constant 0 : i32
        %dma_wait3A_213 = tpu.memref_slice %arg9[%dma_wait3A_211, %dma_wait3A_212] : memref<128x128xf32, #tpu.memory_space<vmem>> -> memref<8x128xf32, #tpu.memory_space<vmem>>
        tpu.wait_dma2 semaphore(%run_scoped3A : memref<!tpu.dma_semaphore, #tpu.memory_space<semaphore_mem>>) src(%dma_wait3A_213 : memref<8x128xf32, #tpu.memory_space<vmem>>) dst(%dma_wait3A_210 : memref<8x128xf32, #tpu.memory_space<hbm>>)
        tpu.yield
      }) : () -> ()
      %mul3A_136 = arith.constant 16 : i32
      %mul3A_137 = arith.muli %mul3A_136, %select_n3A : i32
      %add3A_138 = arith.constant 7 : i32
      %add3A_139 = arith.addi %mul3A_137, %add3A_138 : i32
      %mul3A_140 = arith.constant 8 : i32
      %mul3A_141 = arith.muli %select_n3A_38, %mul3A_140 : i32
      "tpu.region"() ({
        %run_scoped3A = tpu.sem_alloc : memref<!tpu.dma_semaphore, #tpu.memory_space<semaphore_mem>>
        %dma_start3A_190 = arith.constant 56 : i32
        %dma_start3A_191 = arith.constant 0 : i32
        %dma_start3A_192 = tpu.memref_slice %arg9[%dma_start3A_190, %dma_start3A_191] : memref<128x128xf32, #tpu.memory_space<vmem>> -> memref<8x128xf32, #tpu.memory_space<vmem>>
        %dma_start3A_193 = arith.constant 0 : i32
        %dma_start3A_194 = tpu.memref_slice %arg4[%add3A_139, %mul3A_141, %dma_start3A_193] : memref<416x128x128xf32, #tpu.memory_space<hbm>> -> memref<1x8x128xf32, #tpu.memory_space<hbm>>
        %dma_start3A_195 = tpu.memref_squeeze %dma_start3A_194 : memref<1x8x128xf32, #tpu.memory_space<hbm>> -> memref<8x128xf32, #tpu.memory_space<hbm>>
        %dma_start3A_196 = arith.constant 0 : i32
        %dma_start3A_197 = tpu.memref_slice %arg4[%add3A_139, %mul3A_141, %dma_start3A_196] : memref<416x128x128xf32, #tpu.memory_space<hbm>> -> memref<1x8x128xf32, #tpu.memory_space<hbm>>
        %dma_start3A_198 = tpu.memref_squeeze %dma_start3A_197 : memref<1x8x128xf32, #tpu.memory_space<hbm>> -> memref<8x128xf32, #tpu.memory_space<hbm>>
        %dma_start3A_199 = arith.constant 56 : i32
        %dma_start3A_200 = arith.constant 0 : i32
        %dma_start3A_201 = tpu.memref_slice %arg9[%dma_start3A_199, %dma_start3A_200] : memref<128x128xf32, #tpu.memory_space<vmem>> -> memref<8x128xf32, #tpu.memory_space<vmem>>
        tpu.enqueue_dma source(%dma_start3A_201 : memref<8x128xf32, #tpu.memory_space<vmem>>) target(%dma_start3A_198 : memref<8x128xf32, #tpu.memory_space<hbm>>) target_semaphore(%run_scoped3A : memref<!tpu.dma_semaphore, #tpu.memory_space<semaphore_mem>>)
        %dma_wait3A_202 = arith.constant 56 : i32
        %dma_wait3A_203 = arith.constant 0 : i32
        %dma_wait3A_204 = tpu.memref_slice %arg9[%dma_wait3A_202, %dma_wait3A_203] : memref<128x128xf32, #tpu.memory_space<vmem>> -> memref<8x128xf32, #tpu.memory_space<vmem>>
        %dma_wait3A_205 = arith.constant 0 : i32
        %dma_wait3A_206 = tpu.memref_slice %arg4[%add3A_139, %mul3A_141, %dma_wait3A_205] : memref<416x128x128xf32, #tpu.memory_space<hbm>> -> memref<1x8x128xf32, #tpu.memory_space<hbm>>
        %dma_wait3A_207 = tpu.memref_squeeze %dma_wait3A_206 : memref<1x8x128xf32, #tpu.memory_space<hbm>> -> memref<8x128xf32, #tpu.memory_space<hbm>>
        %dma_wait3A_208 = arith.constant 0 : i32
        %dma_wait3A_209 = tpu.memref_slice %arg4[%add3A_139, %mul3A_141, %dma_wait3A_208] : memref<416x128x128xf32, #tpu.memory_space<hbm>> -> memref<1x8x128xf32, #tpu.memory_space<hbm>>
        %dma_wait3A_210 = tpu.memref_squeeze %dma_wait3A_209 : memref<1x8x128xf32, #tpu.memory_space<hbm>> -> memref<8x128xf32, #tpu.memory_space<hbm>>
        %dma_wait3A_211 = arith.constant 56 : i32
        %dma_wait3A_212 = arith.constant 0 : i32
        %dma_wait3A_213 = tpu.memref_slice %arg9[%dma_wait3A_211, %dma_wait3A_212] : memref<128x128xf32, #tpu.memory_space<vmem>> -> memref<8x128xf32, #tpu.memory_space<vmem>>
        tpu.wait_dma2 semaphore(%run_scoped3A : memref<!tpu.dma_semaphore, #tpu.memory_space<semaphore_mem>>) src(%dma_wait3A_213 : memref<8x128xf32, #tpu.memory_space<vmem>>) dst(%dma_wait3A_210 : memref<8x128xf32, #tpu.memory_space<hbm>>)
        tpu.yield
      }) : () -> ()
      %mul3A_142 = arith.constant 16 : i32
      %mul3A_143 = arith.muli %mul3A_142, %select_n3A : i32
      %add3A_144 = arith.constant 8 : i32
      %add3A_145 = arith.addi %mul3A_143, %add3A_144 : i32
      %mul3A_146 = arith.constant 8 : i32
      %mul3A_147 = arith.muli %select_n3A_38, %mul3A_146 : i32
      "tpu.region"() ({
        %run_scoped3A = tpu.sem_alloc : memref<!tpu.dma_semaphore, #tpu.memory_space<semaphore_mem>>
        %dma_start3A_190 = arith.constant 64 : i32
        %dma_start3A_191 = arith.constant 0 : i32
        %dma_start3A_192 = tpu.memref_slice %arg9[%dma_start3A_190, %dma_start3A_191] : memref<128x128xf32, #tpu.memory_space<vmem>> -> memref<8x128xf32, #tpu.memory_space<vmem>>
        %dma_start3A_193 = arith.constant 0 : i32
        %dma_start3A_194 = tpu.memref_slice %arg4[%add3A_145, %mul3A_147, %dma_start3A_193] : memref<416x128x128xf32, #tpu.memory_space<hbm>> -> memref<1x8x128xf32, #tpu.memory_space<hbm>>
        %dma_start3A_195 = tpu.memref_squeeze %dma_start3A_194 : memref<1x8x128xf32, #tpu.memory_space<hbm>> -> memref<8x128xf32, #tpu.memory_space<hbm>>
        %dma_start3A_196 = arith.constant 0 : i32
        %dma_start3A_197 = tpu.memref_slice %arg4[%add3A_145, %mul3A_147, %dma_start3A_196] : memref<416x128x128xf32, #tpu.memory_space<hbm>> -> memref<1x8x128xf32, #tpu.memory_space<hbm>>
        %dma_start3A_198 = tpu.memref_squeeze %dma_start3A_197 : memref<1x8x128xf32, #tpu.memory_space<hbm>> -> memref<8x128xf32, #tpu.memory_space<hbm>>
        %dma_start3A_199 = arith.constant 64 : i32
        %dma_start3A_200 = arith.constant 0 : i32
        %dma_start3A_201 = tpu.memref_slice %arg9[%dma_start3A_199, %dma_start3A_200] : memref<128x128xf32, #tpu.memory_space<vmem>> -> memref<8x128xf32, #tpu.memory_space<vmem>>
        tpu.enqueue_dma source(%dma_start3A_201 : memref<8x128xf32, #tpu.memory_space<vmem>>) target(%dma_start3A_198 : memref<8x128xf32, #tpu.memory_space<hbm>>) target_semaphore(%run_scoped3A : memref<!tpu.dma_semaphore, #tpu.memory_space<semaphore_mem>>)
        %dma_wait3A_202 = arith.constant 64 : i32
        %dma_wait3A_203 = arith.constant 0 : i32
        %dma_wait3A_204 = tpu.memref_slice %arg9[%dma_wait3A_202, %dma_wait3A_203] : memref<128x128xf32, #tpu.memory_space<vmem>> -> memref<8x128xf32, #tpu.memory_space<vmem>>
        %dma_wait3A_205 = arith.constant 0 : i32
        %dma_wait3A_206 = tpu.memref_slice %arg4[%add3A_145, %mul3A_147, %dma_wait3A_205] : memref<416x128x128xf32, #tpu.memory_space<hbm>> -> memref<1x8x128xf32, #tpu.memory_space<hbm>>
        %dma_wait3A_207 = tpu.memref_squeeze %dma_wait3A_206 : memref<1x8x128xf32, #tpu.memory_space<hbm>> -> memref<8x128xf32, #tpu.memory_space<hbm>>
        %dma_wait3A_208 = arith.constant 0 : i32
        %dma_wait3A_209 = tpu.memref_slice %arg4[%add3A_145, %mul3A_147, %dma_wait3A_208] : memref<416x128x128xf32, #tpu.memory_space<hbm>> -> memref<1x8x128xf32, #tpu.memory_space<hbm>>
        %dma_wait3A_210 = tpu.memref_squeeze %dma_wait3A_209 : memref<1x8x128xf32, #tpu.memory_space<hbm>> -> memref<8x128xf32, #tpu.memory_space<hbm>>
        %dma_wait3A_211 = arith.constant 64 : i32
        %dma_wait3A_212 = arith.constant 0 : i32
        %dma_wait3A_213 = tpu.memref_slice %arg9[%dma_wait3A_211, %dma_wait3A_212] : memref<128x128xf32, #tpu.memory_space<vmem>> -> memref<8x128xf32, #tpu.memory_space<vmem>>
        tpu.wait_dma2 semaphore(%run_scoped3A : memref<!tpu.dma_semaphore, #tpu.memory_space<semaphore_mem>>) src(%dma_wait3A_213 : memref<8x128xf32, #tpu.memory_space<vmem>>) dst(%dma_wait3A_210 : memref<8x128xf32, #tpu.memory_space<hbm>>)
        tpu.yield
      }) : () -> ()
      %mul3A_148 = arith.constant 16 : i32
      %mul3A_149 = arith.muli %mul3A_148, %select_n3A : i32
      %add3A_150 = arith.constant 9 : i32
      %add3A_151 = arith.addi %mul3A_149, %add3A_150 : i32
      %mul3A_152 = arith.constant 8 : i32
      %mul3A_153 = arith.muli %select_n3A_38, %mul3A_152 : i32
      "tpu.region"() ({
        %run_scoped3A = tpu.sem_alloc : memref<!tpu.dma_semaphore, #tpu.memory_space<semaphore_mem>>
        %dma_start3A_190 = arith.constant 72 : i32
        %dma_start3A_191 = arith.constant 0 : i32
        %dma_start3A_192 = tpu.memref_slice %arg9[%dma_start3A_190, %dma_start3A_191] : memref<128x128xf32, #tpu.memory_space<vmem>> -> memref<8x128xf32, #tpu.memory_space<vmem>>
        %dma_start3A_193 = arith.constant 0 : i32
        %dma_start3A_194 = tpu.memref_slice %arg4[%add3A_151, %mul3A_153, %dma_start3A_193] : memref<416x128x128xf32, #tpu.memory_space<hbm>> -> memref<1x8x128xf32, #tpu.memory_space<hbm>>
        %dma_start3A_195 = tpu.memref_squeeze %dma_start3A_194 : memref<1x8x128xf32, #tpu.memory_space<hbm>> -> memref<8x128xf32, #tpu.memory_space<hbm>>
        %dma_start3A_196 = arith.constant 0 : i32
        %dma_start3A_197 = tpu.memref_slice %arg4[%add3A_151, %mul3A_153, %dma_start3A_196] : memref<416x128x128xf32, #tpu.memory_space<hbm>> -> memref<1x8x128xf32, #tpu.memory_space<hbm>>
        %dma_start3A_198 = tpu.memref_squeeze %dma_start3A_197 : memref<1x8x128xf32, #tpu.memory_space<hbm>> -> memref<8x128xf32, #tpu.memory_space<hbm>>
        %dma_start3A_199 = arith.constant 72 : i32
        %dma_start3A_200 = arith.constant 0 : i32
        %dma_start3A_201 = tpu.memref_slice %arg9[%dma_start3A_199, %dma_start3A_200] : memref<128x128xf32, #tpu.memory_space<vmem>> -> memref<8x128xf32, #tpu.memory_space<vmem>>
        tpu.enqueue_dma source(%dma_start3A_201 : memref<8x128xf32, #tpu.memory_space<vmem>>) target(%dma_start3A_198 : memref<8x128xf32, #tpu.memory_space<hbm>>) target_semaphore(%run_scoped3A : memref<!tpu.dma_semaphore, #tpu.memory_space<semaphore_mem>>)
        %dma_wait3A_202 = arith.constant 72 : i32
        %dma_wait3A_203 = arith.constant 0 : i32
        %dma_wait3A_204 = tpu.memref_slice %arg9[%dma_wait3A_202, %dma_wait3A_203] : memref<128x128xf32, #tpu.memory_space<vmem>> -> memref<8x128xf32, #tpu.memory_space<vmem>>
        %dma_wait3A_205 = arith.constant 0 : i32
        %dma_wait3A_206 = tpu.memref_slice %arg4[%add3A_151, %mul3A_153, %dma_wait3A_205] : memref<416x128x128xf32, #tpu.memory_space<hbm>> -> memref<1x8x128xf32, #tpu.memory_space<hbm>>
        %dma_wait3A_207 = tpu.memref_squeeze %dma_wait3A_206 : memref<1x8x128xf32, #tpu.memory_space<hbm>> -> memref<8x128xf32, #tpu.memory_space<hbm>>
        %dma_wait3A_208 = arith.constant 0 : i32
        %dma_wait3A_209 = tpu.memref_slice %arg4[%add3A_151, %mul3A_153, %dma_wait3A_208] : memref<416x128x128xf32, #tpu.memory_space<hbm>> -> memref<1x8x128xf32, #tpu.memory_space<hbm>>
        %dma_wait3A_210 = tpu.memref_squeeze %dma_wait3A_209 : memref<1x8x128xf32, #tpu.memory_space<hbm>> -> memref<8x128xf32, #tpu.memory_space<hbm>>
        %dma_wait3A_211 = arith.constant 72 : i32
        %dma_wait3A_212 = arith.constant 0 : i32
        %dma_wait3A_213 = tpu.memref_slice %arg9[%dma_wait3A_211, %dma_wait3A_212] : memref<128x128xf32, #tpu.memory_space<vmem>> -> memref<8x128xf32, #tpu.memory_space<vmem>>
        tpu.wait_dma2 semaphore(%run_scoped3A : memref<!tpu.dma_semaphore, #tpu.memory_space<semaphore_mem>>) src(%dma_wait3A_213 : memref<8x128xf32, #tpu.memory_space<vmem>>) dst(%dma_wait3A_210 : memref<8x128xf32, #tpu.memory_space<hbm>>)
        tpu.yield
      }) : () -> ()
      %mul3A_154 = arith.constant 16 : i32
      %mul3A_155 = arith.muli %mul3A_154, %select_n3A : i32
      %add3A_156 = arith.constant 10 : i32
      %add3A_157 = arith.addi %mul3A_155, %add3A_156 : i32
      %mul3A_158 = arith.constant 8 : i32
      %mul3A_159 = arith.muli %select_n3A_38, %mul3A_158 : i32
      "tpu.region"() ({
        %run_scoped3A = tpu.sem_alloc : memref<!tpu.dma_semaphore, #tpu.memory_space<semaphore_mem>>
        %dma_start3A_190 = arith.constant 80 : i32
        %dma_start3A_191 = arith.constant 0 : i32
        %dma_start3A_192 = tpu.memref_slice %arg9[%dma_start3A_190, %dma_start3A_191] : memref<128x128xf32, #tpu.memory_space<vmem>> -> memref<8x128xf32, #tpu.memory_space<vmem>>
        %dma_start3A_193 = arith.constant 0 : i32
        %dma_start3A_194 = tpu.memref_slice %arg4[%add3A_157, %mul3A_159, %dma_start3A_193] : memref<416x128x128xf32, #tpu.memory_space<hbm>> -> memref<1x8x128xf32, #tpu.memory_space<hbm>>
        %dma_start3A_195 = tpu.memref_squeeze %dma_start3A_194 : memref<1x8x128xf32, #tpu.memory_space<hbm>> -> memref<8x128xf32, #tpu.memory_space<hbm>>
        %dma_start3A_196 = arith.constant 0 : i32
        %dma_start3A_197 = tpu.memref_slice %arg4[%add3A_157, %mul3A_159, %dma_start3A_196] : memref<416x128x128xf32, #tpu.memory_space<hbm>> -> memref<1x8x128xf32, #tpu.memory_space<hbm>>
        %dma_start3A_198 = tpu.memref_squeeze %dma_start3A_197 : memref<1x8x128xf32, #tpu.memory_space<hbm>> -> memref<8x128xf32, #tpu.memory_space<hbm>>
        %dma_start3A_199 = arith.constant 80 : i32
        %dma_start3A_200 = arith.constant 0 : i32
        %dma_start3A_201 = tpu.memref_slice %arg9[%dma_start3A_199, %dma_start3A_200] : memref<128x128xf32, #tpu.memory_space<vmem>> -> memref<8x128xf32, #tpu.memory_space<vmem>>
        tpu.enqueue_dma source(%dma_start3A_201 : memref<8x128xf32, #tpu.memory_space<vmem>>) target(%dma_start3A_198 : memref<8x128xf32, #tpu.memory_space<hbm>>) target_semaphore(%run_scoped3A : memref<!tpu.dma_semaphore, #tpu.memory_space<semaphore_mem>>)
        %dma_wait3A_202 = arith.constant 80 : i32
        %dma_wait3A_203 = arith.constant 0 : i32
        %dma_wait3A_204 = tpu.memref_slice %arg9[%dma_wait3A_202, %dma_wait3A_203] : memref<128x128xf32, #tpu.memory_space<vmem>> -> memref<8x128xf32, #tpu.memory_space<vmem>>
        %dma_wait3A_205 = arith.constant 0 : i32
        %dma_wait3A_206 = tpu.memref_slice %arg4[%add3A_157, %mul3A_159, %dma_wait3A_205] : memref<416x128x128xf32, #tpu.memory_space<hbm>> -> memref<1x8x128xf32, #tpu.memory_space<hbm>>
        %dma_wait3A_207 = tpu.memref_squeeze %dma_wait3A_206 : memref<1x8x128xf32, #tpu.memory_space<hbm>> -> memref<8x128xf32, #tpu.memory_space<hbm>>
        %dma_wait3A_208 = arith.constant 0 : i32
        %dma_wait3A_209 = tpu.memref_slice %arg4[%add3A_157, %mul3A_159, %dma_wait3A_208] : memref<416x128x128xf32, #tpu.memory_space<hbm>> -> memref<1x8x128xf32, #tpu.memory_space<hbm>>
        %dma_wait3A_210 = tpu.memref_squeeze %dma_wait3A_209 : memref<1x8x128xf32, #tpu.memory_space<hbm>> -> memref<8x128xf32, #tpu.memory_space<hbm>>
        %dma_wait3A_211 = arith.constant 80 : i32
        %dma_wait3A_212 = arith.constant 0 : i32
        %dma_wait3A_213 = tpu.memref_slice %arg9[%dma_wait3A_211, %dma_wait3A_212] : memref<128x128xf32, #tpu.memory_space<vmem>> -> memref<8x128xf32, #tpu.memory_space<vmem>>
        tpu.wait_dma2 semaphore(%run_scoped3A : memref<!tpu.dma_semaphore, #tpu.memory_space<semaphore_mem>>) src(%dma_wait3A_213 : memref<8x128xf32, #tpu.memory_space<vmem>>) dst(%dma_wait3A_210 : memref<8x128xf32, #tpu.memory_space<hbm>>)
        tpu.yield
      }) : () -> ()
      %mul3A_160 = arith.constant 16 : i32
      %mul3A_161 = arith.muli %mul3A_160, %select_n3A : i32
      %add3A_162 = arith.constant 11 : i32
      %add3A_163 = arith.addi %mul3A_161, %add3A_162 : i32
      %mul3A_164 = arith.constant 8 : i32
      %mul3A_165 = arith.muli %select_n3A_38, %mul3A_164 : i32
      "tpu.region"() ({
        %run_scoped3A = tpu.sem_alloc : memref<!tpu.dma_semaphore, #tpu.memory_space<semaphore_mem>>
        %dma_start3A_190 = arith.constant 88 : i32
        %dma_start3A_191 = arith.constant 0 : i32
        %dma_start3A_192 = tpu.memref_slice %arg9[%dma_start3A_190, %dma_start3A_191] : memref<128x128xf32, #tpu.memory_space<vmem>> -> memref<8x128xf32, #tpu.memory_space<vmem>>
        %dma_start3A_193 = arith.constant 0 : i32
        %dma_start3A_194 = tpu.memref_slice %arg4[%add3A_163, %mul3A_165, %dma_start3A_193] : memref<416x128x128xf32, #tpu.memory_space<hbm>> -> memref<1x8x128xf32, #tpu.memory_space<hbm>>
        %dma_start3A_195 = tpu.memref_squeeze %dma_start3A_194 : memref<1x8x128xf32, #tpu.memory_space<hbm>> -> memref<8x128xf32, #tpu.memory_space<hbm>>
        %dma_start3A_196 = arith.constant 0 : i32
        %dma_start3A_197 = tpu.memref_slice %arg4[%add3A_163, %mul3A_165, %dma_start3A_196] : memref<416x128x128xf32, #tpu.memory_space<hbm>> -> memref<1x8x128xf32, #tpu.memory_space<hbm>>
        %dma_start3A_198 = tpu.memref_squeeze %dma_start3A_197 : memref<1x8x128xf32, #tpu.memory_space<hbm>> -> memref<8x128xf32, #tpu.memory_space<hbm>>
        %dma_start3A_199 = arith.constant 88 : i32
        %dma_start3A_200 = arith.constant 0 : i32
        %dma_start3A_201 = tpu.memref_slice %arg9[%dma_start3A_199, %dma_start3A_200] : memref<128x128xf32, #tpu.memory_space<vmem>> -> memref<8x128xf32, #tpu.memory_space<vmem>>
        tpu.enqueue_dma source(%dma_start3A_201 : memref<8x128xf32, #tpu.memory_space<vmem>>) target(%dma_start3A_198 : memref<8x128xf32, #tpu.memory_space<hbm>>) target_semaphore(%run_scoped3A : memref<!tpu.dma_semaphore, #tpu.memory_space<semaphore_mem>>)
        %dma_wait3A_202 = arith.constant 88 : i32
        %dma_wait3A_203 = arith.constant 0 : i32
        %dma_wait3A_204 = tpu.memref_slice %arg9[%dma_wait3A_202, %dma_wait3A_203] : memref<128x128xf32, #tpu.memory_space<vmem>> -> memref<8x128xf32, #tpu.memory_space<vmem>>
        %dma_wait3A_205 = arith.constant 0 : i32
        %dma_wait3A_206 = tpu.memref_slice %arg4[%add3A_163, %mul3A_165, %dma_wait3A_205] : memref<416x128x128xf32, #tpu.memory_space<hbm>> -> memref<1x8x128xf32, #tpu.memory_space<hbm>>
        %dma_wait3A_207 = tpu.memref_squeeze %dma_wait3A_206 : memref<1x8x128xf32, #tpu.memory_space<hbm>> -> memref<8x128xf32, #tpu.memory_space<hbm>>
        %dma_wait3A_208 = arith.constant 0 : i32
        %dma_wait3A_209 = tpu.memref_slice %arg4[%add3A_163, %mul3A_165, %dma_wait3A_208] : memref<416x128x128xf32, #tpu.memory_space<hbm>> -> memref<1x8x128xf32, #tpu.memory_space<hbm>>
        %dma_wait3A_210 = tpu.memref_squeeze %dma_wait3A_209 : memref<1x8x128xf32, #tpu.memory_space<hbm>> -> memref<8x128xf32, #tpu.memory_space<hbm>>
        %dma_wait3A_211 = arith.constant 88 : i32
        %dma_wait3A_212 = arith.constant 0 : i32
        %dma_wait3A_213 = tpu.memref_slice %arg9[%dma_wait3A_211, %dma_wait3A_212] : memref<128x128xf32, #tpu.memory_space<vmem>> -> memref<8x128xf32, #tpu.memory_space<vmem>>
        tpu.wait_dma2 semaphore(%run_scoped3A : memref<!tpu.dma_semaphore, #tpu.memory_space<semaphore_mem>>) src(%dma_wait3A_213 : memref<8x128xf32, #tpu.memory_space<vmem>>) dst(%dma_wait3A_210 : memref<8x128xf32, #tpu.memory_space<hbm>>)
        tpu.yield
      }) : () -> ()
      %mul3A_166 = arith.constant 16 : i32
      %mul3A_167 = arith.muli %mul3A_166, %select_n3A : i32
      %add3A_168 = arith.constant 12 : i32
      %add3A_169 = arith.addi %mul3A_167, %add3A_168 : i32
      %mul3A_170 = arith.constant 8 : i32
      %mul3A_171 = arith.muli %select_n3A_38, %mul3A_170 : i32
      "tpu.region"() ({
        %run_scoped3A = tpu.sem_alloc : memref<!tpu.dma_semaphore, #tpu.memory_space<semaphore_mem>>
        %dma_start3A_190 = arith.constant 96 : i32
        %dma_start3A_191 = arith.constant 0 : i32
        %dma_start3A_192 = tpu.memref_slice %arg9[%dma_start3A_190, %dma_start3A_191] : memref<128x128xf32, #tpu.memory_space<vmem>> -> memref<8x128xf32, #tpu.memory_space<vmem>>
        %dma_start3A_193 = arith.constant 0 : i32
        %dma_start3A_194 = tpu.memref_slice %arg4[%add3A_169, %mul3A_171, %dma_start3A_193] : memref<416x128x128xf32, #tpu.memory_space<hbm>> -> memref<1x8x128xf32, #tpu.memory_space<hbm>>
        %dma_start3A_195 = tpu.memref_squeeze %dma_start3A_194 : memref<1x8x128xf32, #tpu.memory_space<hbm>> -> memref<8x128xf32, #tpu.memory_space<hbm>>
        %dma_start3A_196 = arith.constant 0 : i32
        %dma_start3A_197 = tpu.memref_slice %arg4[%add3A_169, %mul3A_171, %dma_start3A_196] : memref<416x128x128xf32, #tpu.memory_space<hbm>> -> memref<1x8x128xf32, #tpu.memory_space<hbm>>
        %dma_start3A_198 = tpu.memref_squeeze %dma_start3A_197 : memref<1x8x128xf32, #tpu.memory_space<hbm>> -> memref<8x128xf32, #tpu.memory_space<hbm>>
        %dma_start3A_199 = arith.constant 96 : i32
        %dma_start3A_200 = arith.constant 0 : i32
        %dma_start3A_201 = tpu.memref_slice %arg9[%dma_start3A_199, %dma_start3A_200] : memref<128x128xf32, #tpu.memory_space<vmem>> -> memref<8x128xf32, #tpu.memory_space<vmem>>
        tpu.enqueue_dma source(%dma_start3A_201 : memref<8x128xf32, #tpu.memory_space<vmem>>) target(%dma_start3A_198 : memref<8x128xf32, #tpu.memory_space<hbm>>) target_semaphore(%run_scoped3A : memref<!tpu.dma_semaphore, #tpu.memory_space<semaphore_mem>>)
        %dma_wait3A_202 = arith.constant 96 : i32
        %dma_wait3A_203 = arith.constant 0 : i32
        %dma_wait3A_204 = tpu.memref_slice %arg9[%dma_wait3A_202, %dma_wait3A_203] : memref<128x128xf32, #tpu.memory_space<vmem>> -> memref<8x128xf32, #tpu.memory_space<vmem>>
        %dma_wait3A_205 = arith.constant 0 : i32
        %dma_wait3A_206 = tpu.memref_slice %arg4[%add3A_169, %mul3A_171, %dma_wait3A_205] : memref<416x128x128xf32, #tpu.memory_space<hbm>> -> memref<1x8x128xf32, #tpu.memory_space<hbm>>
        %dma_wait3A_207 = tpu.memref_squeeze %dma_wait3A_206 : memref<1x8x128xf32, #tpu.memory_space<hbm>> -> memref<8x128xf32, #tpu.memory_space<hbm>>
        %dma_wait3A_208 = arith.constant 0 : i32
        %dma_wait3A_209 = tpu.memref_slice %arg4[%add3A_169, %mul3A_171, %dma_wait3A_208] : memref<416x128x128xf32, #tpu.memory_space<hbm>> -> memref<1x8x128xf32, #tpu.memory_space<hbm>>
        %dma_wait3A_210 = tpu.memref_squeeze %dma_wait3A_209 : memref<1x8x128xf32, #tpu.memory_space<hbm>> -> memref<8x128xf32, #tpu.memory_space<hbm>>
        %dma_wait3A_211 = arith.constant 96 : i32
        %dma_wait3A_212 = arith.constant 0 : i32
        %dma_wait3A_213 = tpu.memref_slice %arg9[%dma_wait3A_211, %dma_wait3A_212] : memref<128x128xf32, #tpu.memory_space<vmem>> -> memref<8x128xf32, #tpu.memory_space<vmem>>
        tpu.wait_dma2 semaphore(%run_scoped3A : memref<!tpu.dma_semaphore, #tpu.memory_space<semaphore_mem>>) src(%dma_wait3A_213 : memref<8x128xf32, #tpu.memory_space<vmem>>) dst(%dma_wait3A_210 : memref<8x128xf32, #tpu.memory_space<hbm>>)
        tpu.yield
      }) : () -> ()
      %mul3A_172 = arith.constant 16 : i32
      %mul3A_173 = arith.muli %mul3A_172, %select_n3A : i32
      %add3A_174 = arith.constant 13 : i32
      %add3A_175 = arith.addi %mul3A_173, %add3A_174 : i32
      %mul3A_176 = arith.constant 8 : i32
      %mul3A_177 = arith.muli %select_n3A_38, %mul3A_176 : i32
      "tpu.region"() ({
        %run_scoped3A = tpu.sem_alloc : memref<!tpu.dma_semaphore, #tpu.memory_space<semaphore_mem>>
        %dma_start3A_190 = arith.constant 104 : i32
        %dma_start3A_191 = arith.constant 0 : i32
        %dma_start3A_192 = tpu.memref_slice %arg9[%dma_start3A_190, %dma_start3A_191] : memref<128x128xf32, #tpu.memory_space<vmem>> -> memref<8x128xf32, #tpu.memory_space<vmem>>
        %dma_start3A_193 = arith.constant 0 : i32
        %dma_start3A_194 = tpu.memref_slice %arg4[%add3A_175, %mul3A_177, %dma_start3A_193] : memref<416x128x128xf32, #tpu.memory_space<hbm>> -> memref<1x8x128xf32, #tpu.memory_space<hbm>>
        %dma_start3A_195 = tpu.memref_squeeze %dma_start3A_194 : memref<1x8x128xf32, #tpu.memory_space<hbm>> -> memref<8x128xf32, #tpu.memory_space<hbm>>
        %dma_start3A_196 = arith.constant 0 : i32
        %dma_start3A_197 = tpu.memref_slice %arg4[%add3A_175, %mul3A_177, %dma_start3A_196] : memref<416x128x128xf32, #tpu.memory_space<hbm>> -> memref<1x8x128xf32, #tpu.memory_space<hbm>>
        %dma_start3A_198 = tpu.memref_squeeze %dma_start3A_197 : memref<1x8x128xf32, #tpu.memory_space<hbm>> -> memref<8x128xf32, #tpu.memory_space<hbm>>
        %dma_start3A_199 = arith.constant 104 : i32
        %dma_start3A_200 = arith.constant 0 : i32
        %dma_start3A_201 = tpu.memref_slice %arg9[%dma_start3A_199, %dma_start3A_200] : memref<128x128xf32, #tpu.memory_space<vmem>> -> memref<8x128xf32, #tpu.memory_space<vmem>>
        tpu.enqueue_dma source(%dma_start3A_201 : memref<8x128xf32, #tpu.memory_space<vmem>>) target(%dma_start3A_198 : memref<8x128xf32, #tpu.memory_space<hbm>>) target_semaphore(%run_scoped3A : memref<!tpu.dma_semaphore, #tpu.memory_space<semaphore_mem>>)
        %dma_wait3A_202 = arith.constant 104 : i32
        %dma_wait3A_203 = arith.constant 0 : i32
        %dma_wait3A_204 = tpu.memref_slice %arg9[%dma_wait3A_202, %dma_wait3A_203] : memref<128x128xf32, #tpu.memory_space<vmem>> -> memref<8x128xf32, #tpu.memory_space<vmem>>
        %dma_wait3A_205 = arith.constant 0 : i32
        %dma_wait3A_206 = tpu.memref_slice %arg4[%add3A_175, %mul3A_177, %dma_wait3A_205] : memref<416x128x128xf32, #tpu.memory_space<hbm>> -> memref<1x8x128xf32, #tpu.memory_space<hbm>>
        %dma_wait3A_207 = tpu.memref_squeeze %dma_wait3A_206 : memref<1x8x128xf32, #tpu.memory_space<hbm>> -> memref<8x128xf32, #tpu.memory_space<hbm>>
        %dma_wait3A_208 = arith.constant 0 : i32
        %dma_wait3A_209 = tpu.memref_slice %arg4[%add3A_175, %mul3A_177, %dma_wait3A_208] : memref<416x128x128xf32, #tpu.memory_space<hbm>> -> memref<1x8x128xf32, #tpu.memory_space<hbm>>
        %dma_wait3A_210 = tpu.memref_squeeze %dma_wait3A_209 : memref<1x8x128xf32, #tpu.memory_space<hbm>> -> memref<8x128xf32, #tpu.memory_space<hbm>>
        %dma_wait3A_211 = arith.constant 104 : i32
        %dma_wait3A_212 = arith.constant 0 : i32
        %dma_wait3A_213 = tpu.memref_slice %arg9[%dma_wait3A_211, %dma_wait3A_212] : memref<128x128xf32, #tpu.memory_space<vmem>> -> memref<8x128xf32, #tpu.memory_space<vmem>>
        tpu.wait_dma2 semaphore(%run_scoped3A : memref<!tpu.dma_semaphore, #tpu.memory_space<semaphore_mem>>) src(%dma_wait3A_213 : memref<8x128xf32, #tpu.memory_space<vmem>>) dst(%dma_wait3A_210 : memref<8x128xf32, #tpu.memory_space<hbm>>)
        tpu.yield
      }) : () -> ()
      %mul3A_178 = arith.constant 16 : i32
      %mul3A_179 = arith.muli %mul3A_178, %select_n3A : i32
      %add3A_180 = arith.constant 14 : i32
      %add3A_181 = arith.addi %mul3A_179, %add3A_180 : i32
      %mul3A_182 = arith.constant 8 : i32
      %mul3A_183 = arith.muli %select_n3A_38, %mul3A_182 : i32
      "tpu.region"() ({
        %run_scoped3A = tpu.sem_alloc : memref<!tpu.dma_semaphore, #tpu.memory_space<semaphore_mem>>
        %dma_start3A_190 = arith.constant 112 : i32
        %dma_start3A_191 = arith.constant 0 : i32
        %dma_start3A_192 = tpu.memref_slice %arg9[%dma_start3A_190, %dma_start3A_191] : memref<128x128xf32, #tpu.memory_space<vmem>> -> memref<8x128xf32, #tpu.memory_space<vmem>>
        %dma_start3A_193 = arith.constant 0 : i32
        %dma_start3A_194 = tpu.memref_slice %arg4[%add3A_181, %mul3A_183, %dma_start3A_193] : memref<416x128x128xf32, #tpu.memory_space<hbm>> -> memref<1x8x128xf32, #tpu.memory_space<hbm>>
        %dma_start3A_195 = tpu.memref_squeeze %dma_start3A_194 : memref<1x8x128xf32, #tpu.memory_space<hbm>> -> memref<8x128xf32, #tpu.memory_space<hbm>>
        %dma_start3A_196 = arith.constant 0 : i32
        %dma_start3A_197 = tpu.memref_slice %arg4[%add3A_181, %mul3A_183, %dma_start3A_196] : memref<416x128x128xf32, #tpu.memory_space<hbm>> -> memref<1x8x128xf32, #tpu.memory_space<hbm>>
        %dma_start3A_198 = tpu.memref_squeeze %dma_start3A_197 : memref<1x8x128xf32, #tpu.memory_space<hbm>> -> memref<8x128xf32, #tpu.memory_space<hbm>>
        %dma_start3A_199 = arith.constant 112 : i32
        %dma_start3A_200 = arith.constant 0 : i32
        %dma_start3A_201 = tpu.memref_slice %arg9[%dma_start3A_199, %dma_start3A_200] : memref<128x128xf32, #tpu.memory_space<vmem>> -> memref<8x128xf32, #tpu.memory_space<vmem>>
        tpu.enqueue_dma source(%dma_start3A_201 : memref<8x128xf32, #tpu.memory_space<vmem>>) target(%dma_start3A_198 : memref<8x128xf32, #tpu.memory_space<hbm>>) target_semaphore(%run_scoped3A : memref<!tpu.dma_semaphore, #tpu.memory_space<semaphore_mem>>)
        %dma_wait3A_202 = arith.constant 112 : i32
        %dma_wait3A_203 = arith.constant 0 : i32
        %dma_wait3A_204 = tpu.memref_slice %arg9[%dma_wait3A_202, %dma_wait3A_203] : memref<128x128xf32, #tpu.memory_space<vmem>> -> memref<8x128xf32, #tpu.memory_space<vmem>>
        %dma_wait3A_205 = arith.constant 0 : i32
        %dma_wait3A_206 = tpu.memref_slice %arg4[%add3A_181, %mul3A_183, %dma_wait3A_205] : memref<416x128x128xf32, #tpu.memory_space<hbm>> -> memref<1x8x128xf32, #tpu.memory_space<hbm>>
        %dma_wait3A_207 = tpu.memref_squeeze %dma_wait3A_206 : memref<1x8x128xf32, #tpu.memory_space<hbm>> -> memref<8x128xf32, #tpu.memory_space<hbm>>
        %dma_wait3A_208 = arith.constant 0 : i32
        %dma_wait3A_209 = tpu.memref_slice %arg4[%add3A_181, %mul3A_183, %dma_wait3A_208] : memref<416x128x128xf32, #tpu.memory_space<hbm>> -> memref<1x8x128xf32, #tpu.memory_space<hbm>>
        %dma_wait3A_210 = tpu.memref_squeeze %dma_wait3A_209 : memref<1x8x128xf32, #tpu.memory_space<hbm>> -> memref<8x128xf32, #tpu.memory_space<hbm>>
        %dma_wait3A_211 = arith.constant 112 : i32
        %dma_wait3A_212 = arith.constant 0 : i32
        %dma_wait3A_213 = tpu.memref_slice %arg9[%dma_wait3A_211, %dma_wait3A_212] : memref<128x128xf32, #tpu.memory_space<vmem>> -> memref<8x128xf32, #tpu.memory_space<vmem>>
        tpu.wait_dma2 semaphore(%run_scoped3A : memref<!tpu.dma_semaphore, #tpu.memory_space<semaphore_mem>>) src(%dma_wait3A_213 : memref<8x128xf32, #tpu.memory_space<vmem>>) dst(%dma_wait3A_210 : memref<8x128xf32, #tpu.memory_space<hbm>>)
        tpu.yield
      }) : () -> ()
      %mul3A_184 = arith.constant 16 : i32
      %mul3A_185 = arith.muli %mul3A_184, %select_n3A : i32
      %add3A_186 = arith.constant 15 : i32
      %add3A_187 = arith.addi %mul3A_185, %add3A_186 : i32
      %mul3A_188 = arith.constant 8 : i32
      %mul3A_189 = arith.muli %select_n3A_38, %mul3A_188 : i32
      "tpu.region"() ({
        %run_scoped3A = tpu.sem_alloc : memref<!tpu.dma_semaphore, #tpu.memory_space<semaphore_mem>>
        %dma_start3A_190 = arith.constant 120 : i32
        %dma_start3A_191 = arith.constant 0 : i32
        %dma_start3A_192 = tpu.memref_slice %arg9[%dma_start3A_190, %dma_start3A_191] : memref<128x128xf32, #tpu.memory_space<vmem>> -> memref<8x128xf32, #tpu.memory_space<vmem>>
        %dma_start3A_193 = arith.constant 0 : i32
        %dma_start3A_194 = tpu.memref_slice %arg4[%add3A_187, %mul3A_189, %dma_start3A_193] : memref<416x128x128xf32, #tpu.memory_space<hbm>> -> memref<1x8x128xf32, #tpu.memory_space<hbm>>
        %dma_start3A_195 = tpu.memref_squeeze %dma_start3A_194 : memref<1x8x128xf32, #tpu.memory_space<hbm>> -> memref<8x128xf32, #tpu.memory_space<hbm>>
        %dma_start3A_196 = arith.constant 0 : i32
        %dma_start3A_197 = tpu.memref_slice %arg4[%add3A_187, %mul3A_189, %dma_start3A_196] : memref<416x128x128xf32, #tpu.memory_space<hbm>> -> memref<1x8x128xf32, #tpu.memory_space<hbm>>
        %dma_start3A_198 = tpu.memref_squeeze %dma_start3A_197 : memref<1x8x128xf32, #tpu.memory_space<hbm>> -> memref<8x128xf32, #tpu.memory_space<hbm>>
        %dma_start3A_199 = arith.constant 120 : i32
        %dma_start3A_200 = arith.constant 0 : i32
        %dma_start3A_201 = tpu.memref_slice %arg9[%dma_start3A_199, %dma_start3A_200] : memref<128x128xf32, #tpu.memory_space<vmem>> -> memref<8x128xf32, #tpu.memory_space<vmem>>
        tpu.enqueue_dma source(%dma_start3A_201 : memref<8x128xf32, #tpu.memory_space<vmem>>) target(%dma_start3A_198 : memref<8x128xf32, #tpu.memory_space<hbm>>) target_semaphore(%run_scoped3A : memref<!tpu.dma_semaphore, #tpu.memory_space<semaphore_mem>>)
        %dma_wait3A_202 = arith.constant 120 : i32
        %dma_wait3A_203 = arith.constant 0 : i32
        %dma_wait3A_204 = tpu.memref_slice %arg9[%dma_wait3A_202, %dma_wait3A_203] : memref<128x128xf32, #tpu.memory_space<vmem>> -> memref<8x128xf32, #tpu.memory_space<vmem>>
        %dma_wait3A_205 = arith.constant 0 : i32
        %dma_wait3A_206 = tpu.memref_slice %arg4[%add3A_187, %mul3A_189, %dma_wait3A_205] : memref<416x128x128xf32, #tpu.memory_space<hbm>> -> memref<1x8x128xf32, #tpu.memory_space<hbm>>
        %dma_wait3A_207 = tpu.memref_squeeze %dma_wait3A_206 : memref<1x8x128xf32, #tpu.memory_space<hbm>> -> memref<8x128xf32, #tpu.memory_space<hbm>>
        %dma_wait3A_208 = arith.constant 0 : i32
        %dma_wait3A_209 = tpu.memref_slice %arg4[%add3A_187, %mul3A_189, %dma_wait3A_208] : memref<416x128x128xf32, #tpu.memory_space<hbm>> -> memref<1x8x128xf32, #tpu.memory_space<hbm>>
        %dma_wait3A_210 = tpu.memref_squeeze %dma_wait3A_209 : memref<1x8x128xf32, #tpu.memory_space<hbm>> -> memref<8x128xf32, #tpu.memory_space<hbm>>
        %dma_wait3A_211 = arith.constant 120 : i32
        %dma_wait3A_212 = arith.constant 0 : i32
        %dma_wait3A_213 = tpu.memref_slice %arg9[%dma_wait3A_211, %dma_wait3A_212] : memref<128x128xf32, #tpu.memory_space<vmem>> -> memref<8x128xf32, #tpu.memory_space<vmem>>
        tpu.wait_dma2 semaphore(%run_scoped3A : memref<!tpu.dma_semaphore, #tpu.memory_space<semaphore_mem>>) src(%dma_wait3A_213 : memref<8x128xf32, #tpu.memory_space<vmem>>) dst(%dma_wait3A_210 : memref<8x128xf32, #tpu.memory_space<hbm>>)
        tpu.yield
      }) : () -> ()
    }
    %scan3A_4 = arith.constant 13 : i32
    return
  }
}

module attributes {stable_mosaic.version = 14 : i64} {
  func.func @body(%arg0: i32, %arg1: memref<416x8x128xf32, #tpu.memory_space<vmem>>, %arg2: memref<1x416xf32, #tpu.memory_space<vmem>>, %arg3: memref<416x64xf32, #tpu.memory_space<vmem>>, %arg4: memref<1024x64xf32, #tpu.memory_space<vmem>>, %arg5: memref<1x1xf32, #tpu.memory_space<smem>>) attributes {dimension_semantics = [#tpu.dimension_semantics<arbitrary>], iteration_bounds = array<i64: 16>, scalar_prefetch = 0 : i64, scratch_operands = 0 : i64, tpu.core_type = #tpu.core_type<tc>, window_params = [{transform_indices = @transform_0, window_bounds = array<i64: 416, 8, 128>}, {pipeline_mode = #tpu.pipeline_mode<synchronous>, transform_indices = @transform_1, window_bounds = array<i64: 1, 416>}, {pipeline_mode = #tpu.pipeline_mode<synchronous>, transform_indices = @transform_2, window_bounds = array<i64: 416, 64>}, {transform_indices = @transform_3, window_bounds = array<i64: 1024, 64>}, {transform_indices = @transform_4, window_bounds = array<i64: 1, 1>}]} {
    %get3A = arith.constant 0 : index
    %get3A_0 = arith.constant 0 : index
    %get3A_1 = arith.constant 0 : index
    %get3A_2 = vector.load %arg1[%get3A, %get3A_0, %get3A_1] : memref<416x8x128xf32, #tpu.memory_space<vmem>>, vector<416x8x128xf32>
    %reshape3A = vector.shape_cast %get3A_2 : vector<416x8x128xf32> to vector<416x1024xf32>
    %get3A_3 = arith.constant 0 : index
    %get3A_4 = arith.constant 0 : index
    %get3A_5 = vector.load %arg3[%get3A_3, %get3A_4] : memref<416x64xf32, #tpu.memory_space<vmem>>, vector<416x64xf32>
    %dot_general3A = arith.constant dense<0.000000e+00> : vector<1024x64xf32>
    %dot_general3A_6 = tpu.matmul %reshape3A, %get3A_5, %dot_general3A {dimension_numbers = #tpu.dot_dimension_numbers<[0], [0], [1], [1], [0, 1, 1, 1], [], []>, transpose_lhs_hint = false} : vector<416x1024xf32>, vector<416x64xf32>, vector<1024x64xf32> -> vector<1024x64xf32>
    %swap3A = arith.constant 0 : index
    %swap3A_7 = arith.constant 0 : index
    %swap3A_8 = vector.load %arg4[%swap3A, %swap3A_7] : memref<1024x64xf32, #tpu.memory_space<vmem>>, vector<1024x64xf32>
    tpu.vector_store %arg4[%swap3A, %swap3A_7], %dot_general3A_6 {strides = array<i32>} : memref<1024x64xf32, #tpu.memory_space<vmem>>, vector<1024x64xf32>,
    %eq3A = arith.constant 0 : i32
    %eq3A_9 = arith.cmpi eq, %arg0, %eq3A : i32
    %convert_element_type3A = arith.extui %eq3A_9 : i1 to i32
    %cond3A = arith.constant 0 : i32
    %cond3A_10 = arith.cmpi ne, %convert_element_type3A, %cond3A : i32
    scf.if %cond3A_10 {
      %get3A_11 = arith.constant 0 : index
      %get3A_12 = arith.constant 0 : index
      %get3A_13 = vector.load %arg2[%get3A_11, %get3A_12] : memref<1x416xf32, #tpu.memory_space<vmem>>, vector<1x416xf32>
      %mul3A = arith.constant 5.000000e+00 : f32
      %mul3A_14 = vector.broadcast %mul3A : f32 to vector<1x416xf32>
      %mul3A_15 = arith.mulf %get3A_13, %mul3A_14 : vector<1x416xf32>
      %logistic3A = arith.negf %mul3A_15 : vector<1x416xf32>
      %logistic3A_16 = math.exp %logistic3A : vector<1x416xf32>
      %logistic3A_17 = arith.constant 1.000000e+00 : f32
      %logistic3A_18 = vector.broadcast %logistic3A_17 : f32 to vector<1x416xf32>
      %logistic3A_19 = arith.addf %logistic3A_18, %logistic3A_16 : vector<1x416xf32>
      %logistic3A_20 = arith.divf %logistic3A_18, %logistic3A_19 : vector<1x416xf32>
      %reduce_sum3A = vector.shape_cast %logistic3A_20 : vector<1x416xf32> to vector<1x1x416xf32>
      %reduce_sum3A_21 = arith.constant dense<0.000000e+00> : vector<1xf32>
      %reduce_sum3A_22 = vector.multi_reduction <add>, %reduce_sum3A, %reduce_sum3A_21 [1, 2] : vector<1x1x416xf32> to vector<1xf32>
      %reduce_sum3A_23 = vector.shape_cast %reduce_sum3A_22 : vector<1xf32> to vector<1x1x1xf32>
      %reduce_sum3A_24 = vector.extract %reduce_sum3A_23[0, 0, 0] : f32 from vector<1x1x1xf32>
      %div3A = arith.constant 4.160000e+02 : f32
      %div3A_25 = arith.divf %reduce_sum3A_24, %div3A : f32
      %swap3A_26 = arith.constant 0 : index
      %swap3A_27 = arith.constant 0 : index
      %swap3A_28 = memref.load %arg5[%swap3A_26, %swap3A_27] : memref<1x1xf32, #tpu.memory_space<smem>>
      memref.store %div3A_25, %arg5[%swap3A_26, %swap3A_27] : memref<1x1xf32, #tpu.memory_space<smem>>
    } else {
    }
    return
  }
  func.func @transform_0(%arg0: i32) -> (i32, i32, i32) {
    %c0_i32 = arith.constant 0 : i32
    %c0_i32_0 = arith.constant 0 : i32
    %c0_i32_1 = arith.constant 0 : i32
    return %c0_i32, %arg0, %c0_i32_0 : i32, i32, i32
  }
  func.func @transform_1(%arg0: i32) -> (i32, i32) {
    %c0_i32 = arith.constant 0 : i32
    %c0_i32_0 = arith.constant 0 : i32
    %c0_i32_1 = arith.constant 0 : i32
    return %c0_i32, %c0_i32_0 : i32, i32
  }
  func.func @transform_2(%arg0: i32) -> (i32, i32) {
    %c0_i32 = arith.constant 0 : i32
    %c0_i32_0 = arith.constant 0 : i32
    %c0_i32_1 = arith.constant 0 : i32
    return %c0_i32, %c0_i32_0 : i32, i32
  }
  func.func @transform_3(%arg0: i32) -> (i32, i32) {
    %c0_i32 = arith.constant 0 : i32
    %c0_i32_0 = arith.constant 0 : i32
    return %arg0, %c0_i32 : i32, i32
  }
  func.func @transform_4(%arg0: i32) -> (i32, i32) {
    %c0_i32 = arith.constant 0 : i32
    %c0_i32_0 = arith.constant 0 : i32
    %c0_i32_1 = arith.constant 0 : i32
    return %c0_i32, %c0_i32_0 : i32, i32
  }
}

</mosaic_0001>

<sc_bundles>
// kernel: kernel.5.cloned.1.call-start
scs
__scs_entry_jumppad:
0x0: {  	(pc) =	sbr.rel $0x88, $3  }
0x1: {  	(tag) =	ssettag $0x0;
	lr =	simm.s32 $0x1  }
0x2: {  	[smem:$0x3F9D] =	sst lr;
	_ =	strace $0xD0000000  }
0x3: {  	_ = 	snop  }
0x4: {  	_ = 	snop  }
0x5: {  	_ = 	snop  }
0x6: {  	_ = 	snop  }
0x7: {  	_ = 	snop  }
__scs_overlays_trampoline_lowered:
0x8: {  	[smem:$0x3FAC] =	sst s0  }
0x9: {  	[smem:$0x3FAD] =	sst s1  }
0xa: {  	[smem:$0x3FAE] =	sst s2  }
0xb: {  	[smem:$0x3FAF] =	sst s3  }
0xc: {  	[smem:$0x3FB0] =	sst s4  }
0xd: {  	[smem:$0x3FB1] =	sst s5  }
0xe: {  	[smem:$0x3FB2] =	sst s6  }
0xf: {  	[smem:$0x3FB3] =	sst s7  }
0x10: {  	[smem:$0x3FB4] =	sst s8  }
0x11: {  	[smem:$0x3FB5] =	sst s9;
	s0 =	simm.s32 @!p0 $0x0  }
0x12: {  	s1 =	sld [smem:$0x3F9B];
	s0 =	simm.s32 @p0 $0x1  }
0x13: {  	[smem:$0x3FB6] =	sst s0;
	s0 =	simm.s32 @!p1 $0x0  }
0x14: {  	s2 =	sld [smem:$0x3F9A];
	s0 =	simm.s32 @p1 $0x1  }
0x15: {  	[smem:$0x3FB7] =	sst s0;
	s0 =	simm.s32 @!p2 $0x0  }
0x16: {  	s3 =	sld [smem:$0x3FDB];
	s0 =	simm.s32 @p2 $0x1  }
0x17: {  	s4 =	simm.s32 $0x1BF5;
	[smem:$0x3FB9] =	sst s0  }
0x18: {  	s0 =	sld [smem:$0x3F9C];
	_ =	swait.ge [sflag:s4], $0x0  }
0x19: {  	s7 =	sld [smem:$0x3F9D]  }
0x1a: {  	s8 =	sadd.s32 $0xFFFFE003, lr  }
0x1b: {  	s9 =	sadd.s32 $0xFFFFFEF7, lr;
	s5 =	simm.s32 $0xFFFFFFFF;
	p2 =	slt.u32 s8, $0xFFFFF086  }
0x1c: {  	p1 =	slt.u32 s9, $0xF7A;
	s5 =	simm.s32 @!p2 $0x0  }
0x1d: {  	s5 =	simm.s32 @p1 $0x1;
	p0 =	seq.s32 s7, s2  }
0x1e: {  	s7 =	smul.u32 @!p0 $0xF7A, s2;
	p2 =	seq.s32 @!p0 s5, $0x0  }
0x1f: {  	s9 =	smul.u32 $0xF7A, s1;
	s8 =	simm.s32 @!p0 $0x1BF5;
	p2 =	por !p2, p0  }
0x20: {  	[sflag:s8] =	ssyncset.s32 @!p0 $0xFFFFF086;
	s6 =	sadd.s32 @!p0 s3, s7;
	s7 =	simm.s32 @!p0 $0x108  }
0x21: {  	s3 =	sadd.s32 s3, s9;
	s6 =	sadd.s32 @!p0 $0x88, s6;
	s7 =	simm.s32 @p2 $0x1082  }
0x22: {  	[simem:s7], [sflag:s8] =	dma.local @!p0 [hbm:s6], $0xF7A  }
0x23: {  	s9 =	sor.u32 $0xD0000000, s2;
	s6 =	simm.s32 $0x108;
	_ =	swait.ge @!p0 [sflag:s8], $0x0  }
0x24: {  	s3 =	sadd.s32 $0x88, s3;
	s6 =	simm.s32 @!p1 $0x1082;
	[sflag:s4] =	ssyncset.s32 $0xFFFFF086  }
0x25: {  	[simem:s6], [sflag:s4] =	dma.local [hbm:s3], $0xF7A  }
0x26: {  	[smem:$0x3F9D] =	sst s1;
	(tag) =	ssettag s2;
	_ =	strace s9  }
0x27: {  	s1 =	sld [smem:$0x3FAD]  }
0x28: {  	s2 =	sld [smem:$0x3FAE]  }
0x29: {  	s4 =	sld [smem:$0x3FB0]  }
0x2a: {  	p0 =	seq.s32 s5, $0x0;
	s5 =	sld [smem:$0x3FB1]  }
0x2b: {  	s6 =	sld [smem:$0x3FB2]  }
0x2c: {  	s7 =	sld [smem:$0x3FB3]  }
0x2d: {  	s3 =	simm.s32 $0x108;
	s8 =	sld [smem:$0x3FB4]  }
0x2e: {  	s3 =	simm.s32 @!p0 $0x1082;
	s9 =	sld [smem:$0x3FB5]  }
0x2f: {  	lr =	sadd.s32 s0, s3;
	s0 =	sld [smem:$0x3FAC]  }
0x30: {  	s3 =	sld [smem:$0x3FAF]  }
0x31: {  	[smem:$0x3FB8] =	sst s10  }
0x32: {  	s10 =	sld [smem:$0x3FB6];
	_ =	sdelay $0x3  }
0x33: {  	p0 =	seq.s32 s10, $0x1;
	s10 =	sld [smem:$0x3FB8];
	_ =	sdelay $0x3  }
0x34: {  	[smem:$0x3FB8] =	sst s10  }
0x35: {  	s10 =	sld [smem:$0x3FB7];
	_ =	sdelay $0x3  }
0x36: {  	p1 =	seq.s32 s10, $0x1;
	s10 =	sld [smem:$0x3FB8];
	_ =	sdelay $0x3  }
0x37: {  	[smem:$0x3FB8] =	sst s10  }
0x38: {  	s10 =	sld [smem:$0x3FB9]  }
0x39: {  	_ = 	snop;
	(pc) =	sbr.ind lr, $3  }
0x3a: {  	_ = 	snop  }
0x3b: {  	_ = 	snop  }
0x3c: {  	p2 =	seq.s32 s10, $0x1;
	s10 =	sld [smem:$0x3FB8]  }
0x3d: {  	_ =	shalt  }
0x3e: {  	_ =	shalt  }
0x3f: {  	_ =	shalt  }
0x40: {  	_ =	shalt  }
0x41: {  	_ =	shalt  }
0x42: {  	_ =	shalt  }
0x43: {  	_ =	shalt  }
0x44: {  	_ =	shalt  }
0x45: {  	_ =	shalt  }
0x46: {  	_ =	shalt  }
0x47: {  	_ =	shalt  }
0x48: {  	_ =	shalt  }
0x49: {  	_ =	shalt  }
0x4a: {  	_ =	shalt  }
0x4b: {  	_ =	shalt  }
0x4c: {  	_ =	shalt  }
0x4d: {  	_ =	shalt  }
0x4e: {  	_ =	shalt  }
0x4f: {  	_ =	shalt  }
0x50: {  	_ =	shalt  }
0x51: {  	_ =	shalt  }
0x52: {  	_ =	shalt  }
0x53: {  	_ =	shalt  }
0x54: {  	_ =	shalt  }
0x55: {  	_ =	shalt  }
0x56: {  	_ =	shalt  }
0x57: {  	_ =	shalt  }
0x58: {  	_ =	shalt  }
0x59: {  	_ =	shalt  }
0x5a: {  	_ =	shalt  }
0x5b: {  	_ =	shalt  }
0x5c: {  	_ =	shalt  }
0x5d: {  	_ =	shalt  }
0x5e: {  	_ =	shalt  }
0x5f: {  	_ =	shalt  }
0x60: {  	_ =	shalt  }
0x61: {  	_ =	shalt  }
0x62: {  	_ =	shalt  }
0x63: {  	_ =	shalt  }
0x64: {  	_ =	shalt  }
0x65: {  	_ =	shalt  }
0x66: {  	_ =	shalt  }
0x67: {  	_ =	shalt  }
0x68: {  	_ =	shalt  }
0x69: {  	_ =	shalt  }
0x6a: {  	_ =	shalt  }
0x6b: {  	_ =	shalt  }
0x6c: {  	_ =	shalt  }
0x6d: {  	_ =	shalt  }
0x6e: {  	_ =	shalt  }
0x6f: {  	_ =	shalt  }
0x70: {  	_ =	shalt  }
0x71: {  	_ =	shalt  }
0x72: {  	_ =	shalt  }
0x73: {  	_ =	shalt  }
0x74: {  	_ =	shalt  }
0x75: {  	_ =	shalt  }
0x76: {  	_ =	shalt  }
0x77: {  	_ =	shalt  }
0x78: {  	_ =	shalt  }
0x79: {  	_ =	shalt  }
0x7a: {  	_ =	shalt  }
0x7b: {  	_ =	shalt  }
0x7c: {  	_ =	shalt  }
0x7d: {  	_ =	shalt  }
0x7e: {  	_ =	shalt  }
0x7f: {  	_ =	shalt  }
0x80: {  	_ =	shalt  }
0x81: {  	_ =	shalt  }
0x82: {  	_ =	shalt  }
0x83: {  	_ =	shalt  }
0x84: {  	_ =	shalt  }
0x85: {  	_ =	shalt  }
0x86: {  	_ =	shalt  }
0x87: {  	_ =	shalt  }
.Lfunc_end0:
.L_simem_size_0:
called_computation_lowered:
.L_overlay_start_0:
0x88: {  	s2 =	sld [smem:$0x3FD9]  }
0x89: {  	s3 =	sld [smem:$0x3FFE];
	_ =	sdelay $0x1  }
0x8a: {  	s1 =	srdreg.scid  }
0x8b: {  	s0 =	sand.u32 $0x1, s1  }
0x8c: {  	s14 =	sshll.u32 s0, $0xA;
	s2 =	sadd.s32 s3, s2  }
0x8d: {  	s2 =	sadd.s32 s2, s14  }
0x8e: {  	[smem:$0x3FC4] =	sst s2  }
0x8f: {  	_ = 	snop  }
0x90: {  	s2 =	sld [smem:$0x3FD0];
	_ =	sdelay $0x2  }
0x91: {  	s15 =	simm.s32 $0xA;
	s4 =	simm.s32 $0x10  }
0x92: {  	[smem:s4], [sflag:s15] =	dma.local [hbm:s2], $0x1  }
0x93: {  	_ =	swait.eq [sflag:s15], $0x1  }
0x94: {  	[sflag:s15] =	ssyncset.done $0x0  }
0x95: {  	[sflag:s15] =	ssyncadd.s32 $0xFFFFFFFF  }
0x96: {  	s16 =	sld [smem:$0x10];
	(tm) =	ssettm $0x1  }
0x97: {  	s17 =	sld [smem:$0x3FFB];
	_ =	sdelay $0x3  }
0x98: {  	_ =	strace s17  }
0x99: {  	s3 =	sld [smem:$0x3FFC];
	_ =	sdelay $0x3  }
0x9a: {  	_ =	strace s3  }
0x9b: {  	s3 =	sld [smem:$0x3FFD];
	_ =	sdelay $0x3  }
0x9c: {  	_ =	strace s3  }
0x9d: {  	_ =	strace $0x8FFFFFFF  }
0x9e: {  	s18 =	sld [smem:$0x3FDB];
	_ =	sdelay $0x1  }
0x9f: {  	s19 =	simm.s32 $_scs_section_size  }
0xa0: {  	s5 =	simm.s32 $_size__tile_overlayer_lowered;
	s6 =	simm.s32 $_tile_overlayer_lowered  }
0xa1: {  	s22 =	simm.s32 $0x1BFF;
	s21 =	sshll.u32 s6, $0x1;
	s3 =	sadd.s32 s19, s18  }
0xa2: {  	s7 =	simm.s32 $0x0;
	s20 =	sshll.u32 s5, $0x1;
	s5 =	sadd.s32 s21, s3  }
0xa3: {  	[timem:s7], [sflag:s22] =	dma.local [hbm:s5], s20  }
0xa4: {  	_ =	swait.ge [sflag:s22], s20  }
0xa5: {  	s4 =	ssub.s32 $0x0, s20;
	[sflag:s22] =	ssyncset.done $0x0  }
0xa6: {  	[sflag:s22] =	ssyncadd.s32 s4;
	_ =	sdelay $0x1  }
0xa7: {  	s23 =	simm.s32 $0x1B8B  }
0xa8: {  	_ =	swait.ge [sflag:s23], $0x1  }
0xa9: {  	[sflag:s23] =	ssyncset.done $0x0  }
0xaa: {  	s25 =	simm.s32 $0x1B8E;
	s24 =	sld [smem:$0x3FFE];
	[sflag:s23] =	ssyncadd.s32 $0xFFFFFFFF  }
0xab: {  	s26 =	simm.s32 $execute0_lowered;
	[smem:$0x3FD2] =	sst s25  }
0xac: {  	s5 =	sshll.u32 s26, $0x1;
	_ =	strace $0x80000046;
	[dreg:$0x1] =	wrdreg $0xFFFFFFFF  }
0xad: {  	s28 =	simm.s32 $_size_execute0_lowered;
	s3 =	sadd.s32 s3, s5;
	[dreg:$0x0] =	wrdreg $0x0  }
0xae: {  	s5 =	sshll.u32 s28, $0x1;
	[dreg:$0x2] =	wrdreg s3  }
0xaf: {  	[dreg:$0x3] =	wrdreg s5  }
0xb0: {  	[dreg:$0x4] =	wrdreg $0xC0  }
0xb1: {  	_ =	task [dreg:s7], $0x5FFFF  }
0xb2: {  	[dreg:$0x1] =	wrdreg $0xFFFFFFFF  }
0xb3: {  	[dreg:$0x0] =	wrdreg $0x60  }
0xb4: {  	[dreg:$0x2] =	wrdreg s16  }
0xb5: {  	[dreg:$0x3] =	wrdreg s24  }
0xb6: {  	[dreg:$0x4] =	wrdreg $0x9  }
0xb7: {  	_ =	task.clear_ibuf [dreg:s7], $0x5FFFF;
	_ =	strace $0x90000046  }
0xb8: {  	s29 =	simm.s32 $0x9;
	_ =	strace $0x80000048  }
0xb9: {  	_ =	swait.ge [sflag:s29], $0x1  }
0xba: {  	[sflag:s29] =	ssyncadd.s32 $0xFFFFFFFF  }
0xbb: {  	_ =	strace $0x90000048  }
0xbc: {  	_ =	sfence  }
0xbd: {  	s30 =	sld [smem:$0x0];
	_ =	sdelay $0x2  }
0xbe: {  	s31 =	sshll.u32 s1, $0xD;
	s1 =	sshrl.u32 s1, $0x2  }
0xbf: {  	s3 =	sand.u32 $0x4000, s31;
	s1 =	sadd.s32 s1, s30  }
0xc0: {  	s0 =	sor.u32 s3, s0;
	s1 =	sshll.u32 s1, $0x11  }
0xc1: {  	s0 =	sor.u32 s1, s0  }
0xc2: {  	s0 =	sadd.s32 $0x8F2B, s0  }
0xc3: {  	[sflag:s0] =	ssyncadd.remote.s32 $0x1  }
0xc4: {  	_ =	sfence.sel $0xFFFF  }
0xc5: {  	[dreg:$0x0] =	wrdreg $0xFFFFFFFF;
	(pc) =	sbr.abs _section_cstart, $3  }
0xc6: {  	[dreg:$0x1] =	wrdreg $0xFFFFFFFF  }
0xc7: {  	_ =	task.clear_ibuf [dreg:s7], $0x2FFFF;
	_ =	strace $0x9FFFFFFF  }
0xc8: {  	(tm) =	ssettm $0x7FFFFFFF  }
0xc9: {  	_ =	shalt  }
tec
execute0_lowered:
.L_overlay_start_1:
0x0: {  	(tag) =	ssettag $0x1  }
0x1: {  	s6 =	rddreg [dreg:$0x0]  }
0x2: {  	s7 =	rddreg [dreg:$0x1]  }
0x3: {  	s0 =	srdreg.scid;
	s4 =	simm.s32 $0x0;
	s3 =	stileid.u32  }
0x4: {  	s24 =	simm.s32 $0x2;
	s25 =	simm.s32 $0x200;
	s26 =	simm.s32 $0x600  }
0x5: {  	s28 =	simm.s32 $0x1;
	s0 =	sand.u32 $0x1, s0;
	[smem:$0x7FF] =	sst s4  }
0x6: {  	s3 =	sshll.u32 s3, $0x1;
	s5 =	sadd.s32 $0x27AC400, s7;
	s29 =	sadd.s32 $0x40, s6  }
0x7: {  	s30 =	sadd.s32 $0x800, s7;
	s9 =	sadd.s32 $0x1000, s7;
	s10 =	sadd.s32 $0x1800, s7  }
0x8: {  	s11 =	sadd.s32 $0x2000, s7;
	s12 =	sadd.s32 $0x2800, s7;
	s13 =	sadd.s32 $0x3000, s7  }
0x9: {  	s14 =	sadd.s32 $0x3800, s7;
	s15 =	sadd.s32 $0x4000, s7;
	s16 =	sadd.s32 $0x4800, s7  }
0xa: {  	s17 =	sadd.s32 $0x5000, s7;
	s18 =	sadd.s32 $0x5800, s7;
	s19 =	sadd.s32 $0x6000, s7  }
0xb: {  	s1 =	ssub.s32 $0x2, s0;
	_ =	strace $0x80000047;
	s0 =	sor.u32 s0, s3  }
0xc: {  	[dreg:$0x4] =	wrdreg s29;
	s2 =	sshrl.u32 s1, $0x1;
	s0 =	smul.u32 $0xD, s0  }
0xd: {  	s20 =	sadd.s32 $0x6800, s7;
	[dreg:$0x5] =	wrdreg s30;
	s1 =	ssub.s32 s1, s2  }
0xe: {  	v0 =	vlaneseq.u32;
	s21 =	sadd.s32 $0x7000, s7;
	[dreg:$0x3] =	wrdreg s0;
	s31 =	smax.u32 s1, $0x1  }
0xf: {  	s22 =	sadd.s32 $0x7800, s7;
	v0 =	vmul.u32 $0x80, v0;
	s1 =	simm.s32 $0x0;
	[dreg:$0x6] =	wrdreg s31  }
.LBB2_1:
0x10: {  	[dreg:$0x7] =	wrdreg s1;
	s29 =	simm.s32 $0x0  }
.LBB2_2:
0x11: {  	s0 =	rddreg [dreg:$0x3]  }
0x12: {  	s0 =	sadd.s32 s0, s29  }
0x13: {  	s30 =	sshrl.u32 s0, $0x4;
	s0 =	sshll.u32 s0, $0xA  }
0x14: {  	s1 =	sshll.u32 s30, $0xE;
	s31 =	sand.u32 $0x3C00, s0  }
0x15: {  	s0 =	sor.u32 s31, s1  }
0x16: {  	s6 =	rddreg [dreg:$0x0];
	s0 =	sshrl.u32 s0, $0x3  }
0x17: {  	s3 =	simm.s32 $0x0;
	s1 =	sadd.s32 s6, s0  }
0x18: {  	[tilespmem:s3], [sflag:$0x2] =	stream.linear.gather [hbm4b:s1+s3], $0x200, $0x38;
	[tilespmem:$0x14600] =	vst v63  }
0x19: {  	_ =	swait.ge [sflag:s24], $0x200  }
0x1a: {  	[sflag:s24] =	ssyncset.done $0x0  }
0x1b: {  	[sflag:s24] =	ssyncadd.s32 $0xFFFFFE00  }
0x1c: {  	v1 =	vld [tilespmem:$0x0];
	_ =	sdelay $0x1  }
0x1d: {  	v2 =	vld [tilespmem:$0x10];
	_ =	sdelay $0x1  }
0x1e: {  	s23 =	smul.u32 $0x30D4, s30;
	v3 =	vld [tilespmem:$0x20]  }
0x1f: {  	v4 =	vshrl.u32 v1, $0x3  }
0x20: {  	v5 =	vld [tilespmem:$0x30];
	v1 =	vshll.u32 v1, $0x4;
	v4 =	vadd.s32 s23, v4  }
0x21: {  	v9 =	vshrl.u32 v2, $0x3;
	v1 =	vand.u32 $0x70, v1;
	[tilespmem:$0x200] =	vst v4  }
0x22: {  	v10 =	vld [tilespmem:$0x40];
	v2 =	vshll.u32 v2, $0x4;
	[tilespmem:$0x400] =	vst v1;
	v1 =	vadd.s32 s23, v9  }
0x23: {  	[tilespmem:$0x210] =	vst v1;
	v1 =	vand.u32 $0x70, v2;
	v2 =	vshrl.u32 v3, $0x3  }
0x24: {  	[tilespmem:$0x410] =	vst v1;
	v1 =	vadd.s32 s23, v2;
	v2 =	vshll.u32 v3, $0x4;
	v3 =	vld [tilespmem:$0x50]  }
0x25: {  	[tilespmem:$0x220] =	vst v1;
	v1 =	vand.u32 $0x70, v2;
	v2 =	vshrl.u32 v5, $0x3  }
0x26: {  	v11 =	vld [tilespmem:$0x60];
	[tilespmem:$0x420] =	vst v1;
	v1 =	vadd.s32 s23, v2;
	v2 =	vshll.u32 v5, $0x4  }
0x27: {  	[tilespmem:$0x230] =	vst v1;
	v1 =	vand.u32 $0x70, v2;
	v2 =	vshrl.u32 v10, $0x3  }
0x28: {  	v12 =	vld [tilespmem:$0x70];
	[tilespmem:$0x430] =	vst v1;
	v1 =	vadd.s32 s23, v2;
	v2 =	vshll.u32 v10, $0x4  }
0x29: {  	[tilespmem:$0x240] =	vst v1;
	v1 =	vand.u32 $0x70, v2;
	v2 =	vshrl.u32 v3, $0x3  }
0x2a: {  	[tilespmem:$0x440] =	vst v1;
	v1 =	vadd.s32 s23, v2;
	v2 =	vshll.u32 v3, $0x4;
	v3 =	vld [tilespmem:$0x80]  }
0x2b: {  	[tilespmem:$0x250] =	vst v1;
	v1 =	vand.u32 $0x70, v2;
	v2 =	vshrl.u32 v11, $0x3  }
0x2c: {  	v13 =	vld [tilespmem:$0x90];
	[tilespmem:$0x450] =	vst v1;
	v1 =	vadd.s32 s23, v2;
	v2 =	vshll.u32 v11, $0x4  }
0x2d: {  	[tilespmem:$0x260] =	vst v1;
	v1 =	vand.u32 $0x70, v2;
	v2 =	vshrl.u32 v12, $0x3  }
0x2e: {  	v14 =	vld [tilespmem:$0xA0];
	[tilespmem:$0x460] =	vst v1;
	v1 =	vadd.s32 s23, v2;
	v2 =	vshll.u32 v12, $0x4  }
0x2f: {  	[tilespmem:$0x270] =	vst v1;
	v1 =	vand.u32 $0x70, v2;
	v2 =	vshrl.u32 v3, $0x3  }
0x30: {  	[tilespmem:$0x470] =	vst v1;
	v1 =	vadd.s32 s23, v2;
	v2 =	vshll.u32 v3, $0x4;
	v3 =	vld [tilespmem:$0xB0]  }
0x31: {  	[tilespmem:$0x280] =	vst v1;
	v1 =	vand.u32 $0x70, v2;
	v2 =	vshrl.u32 v13, $0x3  }
0x32: {  	v15 =	vld [tilespmem:$0xC0];
	[tilespmem:$0x480] =	vst v1;
	v1 =	vadd.s32 s23, v2;
	v2 =	vshll.u32 v13, $0x4  }
0x33: {  	[tilespmem:$0x290] =	vst v1;
	v1 =	vand.u32 $0x70, v2;
	v2 =	vshrl.u32 v14, $0x3  }
0x34: {  	v16 =	vld [tilespmem:$0xD0];
	[tilespmem:$0x490] =	vst v1;
	v1 =	vadd.s32 s23, v2;
	v2 =	vshll.u32 v14, $0x4  }
0x35: {  	[tilespmem:$0x2A0] =	vst v1;
	v1 =	vand.u32 $0x70, v2;
	v2 =	vshrl.u32 v3, $0x3  }
0x36: {  	[tilespmem:$0x4A0] =	vst v1;
	v1 =	vadd.s32 s23, v2;
	v2 =	vshll.u32 v3, $0x4;
	v3 =	vld [tilespmem:$0xE0]  }
0x37: {  	[tilespmem:$0x2B0] =	vst v1;
	v1 =	vand.u32 $0x70, v2;
	v2 =	vshrl.u32 v15, $0x3  }
0x38: {  	v17 =	vld [tilespmem:$0xF0];
	[tilespmem:$0x4B0] =	vst v1;
	v1 =	vadd.s32 s23, v2;
	v2 =	vshll.u32 v15, $0x4  }
0x39: {  	[tilespmem:$0x2C0] =	vst v1;
	v1 =	vand.u32 $0x70, v2;
	v2 =	vshrl.u32 v16, $0x3  }
0x3a: {  	v18 =	vld [tilespmem:$0x100];
	[tilespmem:$0x4C0] =	vst v1;
	v1 =	vadd.s32 s23, v2;
	v2 =	vshll.u32 v16, $0x4  }
0x3b: {  	[tilespmem:$0x2D0] =	vst v1;
	v1 =	vand.u32 $0x70, v2;
	v2 =	vshrl.u32 v3, $0x3  }
0x3c: {  	[tilespmem:$0x4D0] =	vst v1;
	v1 =	vadd.s32 s23, v2;
	v2 =	vshll.u32 v3, $0x4;
	v3 =	vld [tilespmem:$0x110]  }
0x3d: {  	[tilespmem:$0x2E0] =	vst v1;
	v1 =	vand.u32 $0x70, v2;
	v2 =	vshrl.u32 v17, $0x3  }
0x3e: {  	v19 =	vld [tilespmem:$0x120];
	[tilespmem:$0x4E0] =	vst v1;
	v1 =	vadd.s32 s23, v2;
	v2 =	vshll.u32 v17, $0x4  }
0x3f: {  	[tilespmem:$0x2F0] =	vst v1;
	v1 =	vand.u32 $0x70, v2;
	v2 =	vshrl.u32 v18, $0x3  }
0x40: {  	v20 =	vld [tilespmem:$0x130];
	[tilespmem:$0x4F0] =	vst v1;
	v1 =	vadd.s32 s23, v2;
	v2 =	vshll.u32 v18, $0x4  }
0x41: {  	[tilespmem:$0x300] =	vst v1;
	v1 =	vand.u32 $0x70, v2;
	v2 =	vshrl.u32 v3, $0x3  }
0x42: {  	[tilespmem:$0x500] =	vst v1;
	v1 =	vadd.s32 s23, v2;
	v2 =	vshll.u32 v3, $0x4;
	v3 =	vld [tilespmem:$0x140]  }
0x43: {  	[tilespmem:$0x310] =	vst v1;
	v1 =	vand.u32 $0x70, v2;
	v2 =	vshrl.u32 v19, $0x3  }
0x44: {  	v21 =	vld [tilespmem:$0x150];
	[tilespmem:$0x510] =	vst v1;
	v1 =	vadd.s32 s23, v2;
	v2 =	vshll.u32 v19, $0x4  }
0x45: {  	[tilespmem:$0x320] =	vst v1;
	v1 =	vand.u32 $0x70, v2;
	v2 =	vshrl.u32 v20, $0x3  }
0x46: {  	v22 =	vld [tilespmem:$0x160];
	[tilespmem:$0x520] =	vst v1;
	v1 =	vadd.s32 s23, v2;
	v2 =	vshll.u32 v20, $0x4  }
0x47: {  	[tilespmem:$0x330] =	vst v1;
	v1 =	vand.u32 $0x70, v2;
	v2 =	vshrl.u32 v3, $0x3  }
0x48: {  	[tilespmem:$0x530] =	vst v1;
	v1 =	vadd.s32 s23, v2;
	v2 =	vshll.u32 v3, $0x4;
	v3 =	vld [tilespmem:$0x170]  }
0x49: {  	[tilespmem:$0x340] =	vst v1;
	v1 =	vand.u32 $0x70, v2;
	v2 =	vshrl.u32 v21, $0x3  }
0x4a: {  	v23 =	vld [tilespmem:$0x180];
	[tilespmem:$0x540] =	vst v1;
	v1 =	vadd.s32 s23, v2;
	v2 =	vshll.u32 v21, $0x4  }
0x4b: {  	[tilespmem:$0x350] =	vst v1;
	v1 =	vand.u32 $0x70, v2;
	v2 =	vshrl.u32 v22, $0x3  }
0x4c: {  	v24 =	vld [tilespmem:$0x190];
	[tilespmem:$0x550] =	vst v1;
	v1 =	vadd.s32 s23, v2;
	v2 =	vshll.u32 v22, $0x4  }
0x4d: {  	[tilespmem:$0x360] =	vst v1;
	v1 =	vand.u32 $0x70, v2;
	v2 =	vshrl.u32 v3, $0x3  }
0x4e: {  	[tilespmem:$0x560] =	vst v1;
	v1 =	vadd.s32 s23, v2;
	v2 =	vshll.u32 v3, $0x4;
	v3 =	vld [tilespmem:$0x1A0]  }
0x4f: {  	[tilespmem:$0x370] =	vst v1;
	v1 =	vand.u32 $0x70, v2;
	v2 =	vshrl.u32 v23, $0x3  }
0x50: {  	v25 =	vld [tilespmem:$0x1B0];
	[tilespmem:$0x570] =	vst v1;
	v1 =	vadd.s32 s23, v2;
	v2 =	vshll.u32 v23, $0x4  }
0x51: {  	[tilespmem:$0x380] =	vst v1;
	v1 =	vand.u32 $0x70, v2;
	v2 =	vshrl.u32 v24, $0x3  }
0x52: {  	v26 =	vld [tilespmem:$0x1C0];
	[tilespmem:$0x580] =	vst v1;
	v1 =	vadd.s32 s23, v2;
	v2 =	vshll.u32 v24, $0x4  }
0x53: {  	[tilespmem:$0x390] =	vst v1;
	v1 =	vand.u32 $0x70, v2;
	v2 =	vshrl.u32 v3, $0x3  }
0x54: {  	[tilespmem:$0x590] =	vst v1;
	v1 =	vadd.s32 s23, v2;
	v2 =	vshll.u32 v3, $0x4;
	v3 =	vld [tilespmem:$0x1D0]  }
0x55: {  	[tilespmem:$0x3A0] =	vst v1;
	v1 =	vand.u32 $0x70, v2;
	v2 =	vshrl.u32 v25, $0x3  }
0x56: {  	v27 =	vld [tilespmem:$0x1E0];
	[tilespmem:$0x5A0] =	vst v1;
	v1 =	vadd.s32 s23, v2;
	v2 =	vshll.u32 v25, $0x4  }
0x57: {  	[tilespmem:$0x3B0] =	vst v1;
	v1 =	vand.u32 $0x70, v2;
	v2 =	vshrl.u32 v26, $0x3  }
0x58: {  	v28 =	vld [tilespmem:$0x1F0];
	[tilespmem:$0x5B0] =	vst v1;
	v1 =	vadd.s32 s23, v2;
	v2 =	vshll.u32 v26, $0x4  }
0x59: {  	[tilespmem:$0x3C0] =	vst v1;
	v1 =	vand.u32 $0x70, v2;
	v2 =	vshrl.u32 v3, $0x3  }
0x5a: {  	[tilespmem:$0x5C0] =	vst v1;
	v1 =	vadd.s32 s23, v2;
	v2 =	vshll.u32 v3, $0x4  }
0x5b: {  	[tilespmem:$0x3D0] =	vst v1;
	v1 =	vand.u32 $0x70, v2;
	v2 =	vshrl.u32 v27, $0x3  }
0x5c: {  	[tilespmem:$0x5D0] =	vst v1;
	v1 =	vadd.s32 s23, v2;
	v2 =	vshll.u32 v27, $0x4  }
0x5d: {  	[tilespmem:$0x3E0] =	vst v1;
	v1 =	vand.u32 $0x70, v2;
	v2 =	vshrl.u32 v28, $0x3  }
0x5e: {  	[tilespmem:$0x5E0] =	vst v1;
	v1 =	vadd.s32 s23, v2;
	v2 =	vshll.u32 v28, $0x4  }
0x5f: {  	[tilespmem:$0x3F0] =	vst v1;
	v1 =	vand.u32 $0x70, v2  }
0x60: {  	[tilespmem:$0x5F0] =	vst v1  }
0x61: {  	[tilespmem:s26], [sflag:$0x1] =	stream.indirect.gather [hbm4b:s5+s25], $0x80, s25, s25, $0xb8;
	[tilespmem:$0x14600] =	vst v63  }
0x62: {  	_ =	swait.ge [sflag:s28], $0x10000  }
0x63: {  	[sflag:s28] =	ssyncset.done $0x0  }
0x64: {  	s7 =	simm.s32 $0x0;
	[sflag:s28] =	ssyncadd.s32 $0xFFFF0000  }
0x65: {  	v1 =	vld [tilespmem:s7+$0x400];
	_ =	sdelay $0x2  }
0x66: {  	v2 =	vmov s3  }
0x67: {  	v2 =	vshll.u32 v2, $0x7  }
0x68: {  	v2 =	vor.u32 v0, v2;
	v3 =	vand.u32 $0xFFFFFF80, v1  }
0x69: {  	v29 =	vand.u32 $0x7F, v1;
	v3 =	vadd.s32 v2, v3  }
0x6a: {  	v3 =	vor.u32 v29, v3;
	_ =	sdelay $0x2  }
0x6b: {  	v30 =	vadd.s32 $0x1, v1  }
0x6c: {  	v31 =	vand.u32 $0xFFFFFF80, v30  }
0x6d: {  	v4 =	vand.u32 $0x7F, v30;
	v5 =	vadd.s32 v2, v31;
	v3 =	vld.idx.msk [tilespmem:v3+s26+$0x0], $0xffff  }
0x6e: {  	v4 =	vor.u32 v4, v5  }
0x6f: {  	s8 =	simm.s32 $0x0  }
0x70: {  	s2 =	sand.u32 $0x70, s3;
	s1 =	sand.u32 $0x180, s8  }
0x71: {  	s1 =	sor.u32 s2, s1;
	v32 =	vadd.s32 $0x2, v1  }
0x72: {  	v6 =	vand.u32 $0xFFFFFF80, v32;
	[tilespmem:s1+$0x10600] =	vst v3  }
0x73: {  	v5 =	vand.u32 $0x7F, v32;
	v3 =	vadd.s32 v2, v6;
	v4 =	vld.idx.msk [tilespmem:v4+s26+$0x0], $0xffff  }
0x74: {  	v3 =	vor.u32 v5, v3;
	_ =	sdelay $0x2  }
0x75: {  	v33 =	vadd.s32 $0x3, v1  }
0x76: {  	v34 =	vand.u32 $0xFFFFFF80, v33;
	[tilespmem:s1+$0x10A00] =	vst v4  }
0x77: {  	v35 =	vadd.s32 v2, v34;
	v5 =	vand.u32 $0x7F, v33;
	v3 =	vld.idx.msk [tilespmem:v3+s26+$0x0], $0xffff  }
0x78: {  	v4 =	vor.u32 v5, v35;
	_ =	sdelay $0x2  }
0x79: {  	v36 =	vadd.s32 $0x4, v1  }
0x7a: {  	v37 =	vand.u32 $0xFFFFFF80, v36;
	[tilespmem:s1+$0x10E00] =	vst v3  }
0x7b: {  	v5 =	vand.u32 $0x7F, v36;
	v3 =	vadd.s32 v2, v37;
	v4 =	vld.idx.msk [tilespmem:v4+s26+$0x0], $0xffff  }
0x7c: {  	v3 =	vor.u32 v5, v3;
	_ =	sdelay $0x2  }
0x7d: {  	v38 =	vadd.s32 $0x5, v1  }
0x7e: {  	v39 =	vand.u32 $0xFFFFFF80, v38;
	[tilespmem:s1+$0x11200] =	vst v4  }
0x7f: {  	v40 =	vadd.s32 v2, v39;
	v5 =	vand.u32 $0x7F, v38;
	v3 =	vld.idx.msk [tilespmem:v3+s26+$0x0], $0xffff  }
0x80: {  	v4 =	vor.u32 v5, v40;
	_ =	sdelay $0x2  }
0x81: {  	v41 =	vadd.s32 $0x6, v1  }
0x82: {  	v42 =	vand.u32 $0xFFFFFF80, v41;
	[tilespmem:s1+$0x11600] =	vst v3  }
0x83: {  	v5 =	vand.u32 $0x7F, v41;
	v3 =	vadd.s32 v2, v42;
	v4 =	vld.idx.msk [tilespmem:v4+s26+$0x0], $0xffff  }
0x84: {  	v3 =	vor.u32 v5, v3;
	_ =	sdelay $0x2  }
0x85: {  	v43 =	vadd.s32 $0x7, v1  }
0x86: {  	v44 =	vand.u32 $0xFFFFFF80, v43;
	[tilespmem:s1+$0x11A00] =	vst v4  }
0x87: {  	v45 =	vadd.s32 v2, v44;
	v5 =	vand.u32 $0x7F, v43;
	v3 =	vld.idx.msk [tilespmem:v3+s26+$0x0], $0xffff  }
0x88: {  	v4 =	vor.u32 v5, v45;
	_ =	sdelay $0x2  }
0x89: {  	v46 =	vadd.s32 $0x8, v1  }
0x8a: {  	v47 =	vand.u32 $0xFFFFFF80, v46;
	[tilespmem:s1+$0x11E00] =	vst v3  }
0x8b: {  	v5 =	vand.u32 $0x7F, v46;
	v3 =	vadd.s32 v2, v47;
	v4 =	vld.idx.msk [tilespmem:v4+s26+$0x0], $0xffff  }
0x8c: {  	v3 =	vor.u32 v5, v3;
	_ =	sdelay $0x2  }
0x8d: {  	v48 =	vadd.s32 $0x9, v1  }
0x8e: {  	v49 =	vand.u32 $0xFFFFFF80, v48;
	[tilespmem:s1+$0x12200] =	vst v4  }
0x8f: {  	v50 =	vadd.s32 v2, v49;
	v5 =	vand.u32 $0x7F, v48;
	v3 =	vld.idx.msk [tilespmem:v3+s26+$0x0], $0xffff  }
0x90: {  	v4 =	vor.u32 v5, v50;
	_ =	sdelay $0x2  }
0x91: {  	v51 =	vadd.s32 $0xA, v1  }
0x92: {  	v52 =	vand.u32 $0xFFFFFF80, v51;
	[tilespmem:s1+$0x12600] =	vst v3  }
0x93: {  	v5 =	vand.u32 $0x7F, v51;
	v3 =	vadd.s32 v2, v52;
	v4 =	vld.idx.msk [tilespmem:v4+s26+$0x0], $0xffff  }
0x94: {  	v3 =	vor.u32 v5, v3;
	_ =	sdelay $0x2  }
0x95: {  	v53 =	vadd.s32 $0xB, v1  }
0x96: {  	v54 =	vand.u32 $0xFFFFFF80, v53;
	[tilespmem:s1+$0x12A00] =	vst v4  }
0x97: {  	v55 =	vadd.s32 v2, v54;
	v5 =	vand.u32 $0x7F, v53;
	v3 =	vld.idx.msk [tilespmem:v3+s26+$0x0], $0xffff  }
0x98: {  	v4 =	vor.u32 v5, v55;
	_ =	sdelay $0x2  }
0x99: {  	v56 =	vadd.s32 $0xC, v1  }
0x9a: {  	v57 =	vand.u32 $0xFFFFFF80, v56;
	[tilespmem:s1+$0x12E00] =	vst v3  }
0x9b: {  	v5 =	vand.u32 $0x7F, v56;
	v3 =	vadd.s32 v2, v57;
	v4 =	vld.idx.msk [tilespmem:v4+s26+$0x0], $0xffff  }
0x9c: {  	v3 =	vor.u32 v5, v3;
	_ =	sdelay $0x2  }
0x9d: {  	v58 =	vadd.s32 $0xD, v1  }
0x9e: {  	v59 =	vand.u32 $0xFFFFFF80, v58;
	[tilespmem:s1+$0x13200] =	vst v4  }
0x9f: {  	v60 =	vadd.s32 v2, v59;
	v5 =	vand.u32 $0x7F, v58;
	v3 =	vld.idx.msk [tilespmem:v3+s26+$0x0], $0xffff  }
0xa0: {  	v4 =	vor.u32 v5, v60;
	_ =	sdelay $0x2  }
0xa1: {  	v61 =	vadd.s32 $0xE, v1  }
0xa2: {  	v62 =	vand.u32 $0xFFFFFF80, v61;
	[tilespmem:s1+$0x13600] =	vst v3  }
0xa3: {  	v5 =	vand.u32 $0x7F, v61;
	v3 =	vadd.s32 v2, v62;
	v4 =	vld.idx.msk [tilespmem:v4+s26+$0x0], $0xffff  }
0xa4: {  	v3 =	vor.u32 v5, v3;
	_ =	sdelay $0x2  }
0xa5: {  	v1 =	vadd.s32 $0xF, v1  }
0xa6: {  	v63 =	vand.u32 $0xFFFFFF80, v1;
	[tilespmem:s1+$0x13A00] =	vst v4  }
0xa7: {  	v1 =	vand.u32 $0x7F, v1;
	v2 =	vadd.s32 v2, v63;
	v3 =	vld.idx.msk [tilespmem:v3+s26+$0x0], $0xffff  }
0xa8: {  	v2 =	vor.u32 v1, v2;
	_ =	sdelay $0x3  }
0xa9: {  	[tilespmem:s1+$0x13E00] =	vst v3  }
0xaa: {  	s2 =	simm.s32 $0x80;
	v1 =	vmov s23;
	s23 =	simm.s32 $0x40;
	v2 =	vld.idx.msk [tilespmem:v2+s26+$0x0], $0xffff  }
.LBB2_3:
0xab: {  	_ =	sdelay $0x1  }
0xac: {  	s7 =	sshra.s32 s23, $0x2  }
0xad: {  	s3 =	sadd.s32 $0x10, s3;
	s8 =	smov.u32 s2;
	s6 =	sadd.s32 $0x40, s2  }
0xae: {  	p0 =	sne.s32 s2, $0x7C0;
	[tilespmem:s1+$0x14200] =	vst v2  }
0xaf: {  	v2 =	vld [tilespmem:s7+$0x400];
	_ =	sdelay $0x1  }
0xb0: {  	v3 =	vmov s3  }
0xb1: {  	v3 =	vshll.u32 v3, $0x7;
	_ =	sdelay $0x1  }
0xb2: {  	v3 =	vor.u32 v0, v3;
	v4 =	vand.u32 $0xFFFFFF80, v2;
	v5 =	vand.u32 $0x7F, v2  }
0xb3: {  	v6 =	vadd.s32 $0x1, v2;
	v7 =	vadd.s32 $0x2, v2;
	v4 =	vadd.s32 v3, v4  }
0xb4: {  	v8 =	vand.u32 $0xFFFFFF80, v7;
	v4 =	vor.u32 v5, v4;
	v5 =	vand.u32 $0xFFFFFF80, v6  }
0xb5: {  	v9 =	vadd.s32 $0x3, v2;
	v8 =	vadd.s32 v3, v8;
	v5 =	vadd.s32 v3, v5  }
0xb6: {  	v11 =	vadd.s32 $0x4, v2;
	v12 =	vadd.s32 $0x5, v2;
	v10 =	vand.u32 $0xFFFFFF80, v9  }
0xb7: {  	v13 =	vand.u32 $0xFFFFFF80, v11;
	v14 =	vand.u32 $0xFFFFFF80, v12;
	v10 =	vadd.s32 v3, v10  }
0xb8: {  	v15 =	vadd.s32 $0x6, v2;
	v13 =	vadd.s32 v3, v13;
	v14 =	vadd.s32 v3, v14  }
0xb9: {  	v17 =	vadd.s32 $0x7, v2;
	v16 =	vand.u32 $0xFFFFFF80, v15;
	v6 =	vand.u32 $0x7F, v6;
	v4 =	vld.idx.msk [tilespmem:v4+s26+$0x0], $0xffff  }
0xba: {  	v16 =	vadd.s32 v3, v16;
	v6 =	vor.u32 v6, v5;
	v5 =	vand.u32 $0xFFFFFF80, v17  }
0xbb: {  	s1 =	sshrl.u32 s23, $0x2;
	s23 =	smov.u32 s8;
	v19 =	vadd.s32 $0x8, v2;
	v20 =	vadd.s32 $0x9, v2;
	v18 =	vadd.s32 v3, v5  }
0xbc: {  	s2 =	sand.u32 $0x70, s3;
	s1 =	sand.u32 $0x180, s1;
	v22 =	vadd.s32 $0xA, v2;
	v21 =	vand.u32 $0xFFFFFF80, v20;
	v5 =	vand.u32 $0xFFFFFF80, v19  }
0xbd: {  	s1 =	sor.u32 s2, s1;
	v21 =	vadd.s32 v3, v21;
	v23 =	vadd.s32 v3, v5;
	v5 =	vand.u32 $0xFFFFFF80, v22  }
0xbe: {  	v25 =	vadd.s32 $0xB, v2;
	v26 =	vadd.s32 $0xC, v2;
	v24 =	vadd.s32 v3, v5  }
0xbf: {  	v27 =	vand.u32 $0xFFFFFF80, v26;
	v5 =	vadd.s32 $0xD, v2;
	[tilespmem:s1+$0x10600] =	vst v4;
	v4 =	vand.u32 $0xFFFFFF80, v25  }
0xc0: {  	v27 =	vadd.s32 v3, v27;
	v28 =	vld.idx.msk [tilespmem:v6+s26+$0x0], $0xffff;
	v6 =	vand.u32 $0x7F, v7;
	v7 =	vadd.s32 v3, v4  }
0xc1: {  	v4 =	vadd.s32 $0xE, v2;
	v8 =	vor.u32 v6, v8;
	v6 =	vand.u32 $0xFFFFFF80, v5  }
0xc2: {  	v2 =	vadd.s32 $0xF, v2;
	v29 =	vadd.s32 v3, v6;
	v6 =	vand.u32 $0xFFFFFF80, v4  }
0xc3: {  	v30 =	vand.u32 $0xFFFFFF80, v2;
	v6 =	vadd.s32 v3, v6  }
0xc4: {  	v3 =	vadd.s32 v3, v30;
	_ =	sdelay $0x1  }
0xc5: {  	[tilespmem:s1+$0x10A00] =	vst v28  }
0xc6: {  	v9 =	vand.u32 $0x7F, v9;
	v8 =	vld.idx.msk [tilespmem:v8+s26+$0x0], $0xffff  }
0xc7: {  	v9 =	vor.u32 v9, v10;
	_ =	sdelay $0x4  }
0xc8: {  	[tilespmem:s1+$0x10E00] =	vst v8  }
0xc9: {  	v8 =	vld.idx.msk [tilespmem:v9+s26+$0x0], $0xffff;
	v9 =	vand.u32 $0x7F, v11  }
0xca: {  	v9 =	vor.u32 v9, v13;
	_ =	sdelay $0x4  }
0xcb: {  	[tilespmem:s1+$0x11200] =	vst v8  }
0xcc: {  	v8 =	vld.idx.msk [tilespmem:v9+s26+$0x0], $0xffff;
	v9 =	vand.u32 $0x7F, v12  }
0xcd: {  	v9 =	vor.u32 v9, v14;
	_ =	sdelay $0x4  }
0xce: {  	[tilespmem:s1+$0x11600] =	vst v8  }
0xcf: {  	v8 =	vld.idx.msk [tilespmem:v9+s26+$0x0], $0xffff;
	v9 =	vand.u32 $0x7F, v15  }
0xd0: {  	v9 =	vor.u32 v9, v16;
	_ =	sdelay $0x4  }
0xd1: {  	[tilespmem:s1+$0x11A00] =	vst v8  }
0xd2: {  	v8 =	vld.idx.msk [tilespmem:v9+s26+$0x0], $0xffff;
	v9 =	vand.u32 $0x7F, v17  }
0xd3: {  	v9 =	vor.u32 v9, v18;
	_ =	sdelay $0x4  }
0xd4: {  	[tilespmem:s1+$0x11E00] =	vst v8  }
0xd5: {  	v8 =	vld.idx.msk [tilespmem:v9+s26+$0x0], $0xffff;
	v9 =	vand.u32 $0x7F, v19  }
0xd6: {  	v9 =	vor.u32 v9, v23;
	_ =	sdelay $0x4  }
0xd7: {  	[tilespmem:s1+$0x12200] =	vst v8  }
0xd8: {  	v8 =	vld.idx.msk [tilespmem:v9+s26+$0x0], $0xffff;
	v9 =	vand.u32 $0x7F, v20  }
0xd9: {  	v9 =	vor.u32 v9, v21;
	_ =	sdelay $0x4  }
0xda: {  	[tilespmem:s1+$0x12600] =	vst v8  }
0xdb: {  	v8 =	vld.idx.msk [tilespmem:v9+s26+$0x0], $0xffff;
	v9 =	vand.u32 $0x7F, v22  }
0xdc: {  	v9 =	vor.u32 v9, v24;
	_ =	sdelay $0x4  }
0xdd: {  	[tilespmem:s1+$0x12A00] =	vst v8  }
0xde: {  	v8 =	vld.idx.msk [tilespmem:v9+s26+$0x0], $0xffff;
	v9 =	vand.u32 $0x7F, v25  }
0xdf: {  	v7 =	vor.u32 v9, v7;
	_ =	sdelay $0x4  }
0xe0: {  	[tilespmem:s1+$0x12E00] =	vst v8  }
0xe1: {  	v8 =	vand.u32 $0x7F, v26;
	v7 =	vld.idx.msk [tilespmem:v7+s26+$0x0], $0xffff  }
0xe2: {  	v8 =	vor.u32 v8, v27;
	_ =	sdelay $0x4  }
0xe3: {  	[tilespmem:s1+$0x13200] =	vst v7  }
0xe4: {  	v5 =	vand.u32 $0x7F, v5;
	v7 =	vld.idx.msk [tilespmem:v8+s26+$0x0], $0xffff  }
0xe5: {  	v5 =	vor.u32 v5, v29;
	_ =	sdelay $0x4  }
0xe6: {  	[tilespmem:s1+$0x13600] =	vst v7  }
0xe7: {  	v4 =	vand.u32 $0x7F, v4;
	v5 =	vld.idx.msk [tilespmem:v5+s26+$0x0], $0xffff  }
0xe8: {  	v4 =	vor.u32 v4, v6;
	_ =	sdelay $0x4  }
0xe9: {  	[tilespmem:s1+$0x13A00] =	vst v5  }
0xea: {  	v2 =	vand.u32 $0x7F, v2;
	v4 =	vld.idx.msk [tilespmem:v4+s26+$0x0], $0xffff  }
0xeb: {  	v2 =	vor.u32 v2, v3;
	_ =	sdelay $0x1  }
.Ltmp0:
0xec: {  	(pc) =	sbr.rel @p0 .LBB2_3-.Ltmp0, $3  }
0xed: {  	_ =	sdelay $0x1  }
0xee: {  	[tilespmem:s1+$0x13E00] =	vst v4  }
0xef: {  	s2 =	smov.u32 s6;
	v2 =	vld.idx.msk [tilespmem:v2+s26+$0x0], $0xffff  }
0xf0: {  	_ =	sdelay $0x3  }
0xf1: {  	s2 =	sshra.s32 s23, $0x2;
	[tilespmem:s1+$0x14200] =	vst v2  }
0xf2: {  	v2 =	vld [tilespmem:s2+$0x400];
	_ =	sdelay $0x1  }
0xf3: {  	s2 =	sadd.s32 $0x10, s3  }
0xf4: {  	v3 =	vmov s2  }
0xf5: {  	v3 =	vshll.u32 v3, $0x7  }
0xf6: {  	v3 =	vor.u32 v0, v3;
	v4 =	vand.u32 $0xFFFFFF80, v2  }
0xf7: {  	v5 =	vand.u32 $0x7F, v2;
	v4 =	vadd.s32 v3, v4  }
0xf8: {  	v4 =	vor.u32 v5, v4;
	_ =	sdelay $0x2  }
0xf9: {  	v11 =	vadd.s32 $0x1, v2  }
0xfa: {  	v6 =	vand.u32 $0xFFFFFF80, v11  }
0xfb: {  	v6 =	vadd.s32 v3, v6;
	v5 =	vand.u32 $0x7F, v11;
	v4 =	vld.idx.msk [tilespmem:v4+s26+$0x0], $0xffff  }
0xfc: {  	v5 =	vor.u32 v5, v6  }
0xfd: {  	s3 =	sshrl.u32 s23, $0x2  }
0xfe: {  	s1 =	sand.u32 $0x70, s2;
	s2 =	sand.u32 $0x180, s3  }
0xff: {  	s1 =	sor.u32 s1, s2;
	v12 =	vadd.s32 $0x2, v2  }
0x100: {  	v7 =	vand.u32 $0xFFFFFF80, v12;
	[tilespmem:s1+$0x10600] =	vst v4  }
0x101: {  	v13 =	vadd.s32 v3, v7;
	v6 =	vand.u32 $0x7F, v12;
	v5 =	vld.idx.msk [tilespmem:v5+s26+$0x0], $0xffff  }
0x102: {  	v4 =	vor.u32 v6, v13;
	_ =	sdelay $0x2  }
0x103: {  	v14 =	vadd.s32 $0x3, v2  }
0x104: {  	v15 =	vand.u32 $0xFFFFFF80, v14;
	[tilespmem:s1+$0x10A00] =	vst v5  }
0x105: {  	v16 =	vadd.s32 v3, v15;
	v6 =	vand.u32 $0x7F, v14;
	v4 =	vld.idx.msk [tilespmem:v4+s26+$0x0], $0xffff  }
0x106: {  	v5 =	vor.u32 v6, v16;
	_ =	sdelay $0x2  }
0x107: {  	v17 =	vadd.s32 $0x4, v2  }
0x108: {  	v18 =	vand.u32 $0xFFFFFF80, v17;
	[tilespmem:s1+$0x10E00] =	vst v4  }
0x109: {  	v19 =	vadd.s32 v3, v18;
	v6 =	vand.u32 $0x7F, v17;
	v5 =	vld.idx.msk [tilespmem:v5+s26+$0x0], $0xffff  }
0x10a: {  	v4 =	vor.u32 v6, v19;
	_ =	sdelay $0x2  }
0x10b: {  	v20 =	vadd.s32 $0x5, v2  }
0x10c: {  	v21 =	vand.u32 $0xFFFFFF80, v20;
	[tilespmem:s1+$0x11200] =	vst v5  }
0x10d: {  	v22 =	vadd.s32 v3, v21;
	v6 =	vand.u32 $0x7F, v20;
	v4 =	vld.idx.msk [tilespmem:v4+s26+$0x0], $0xffff  }
0x10e: {  	v5 =	vor.u32 v6, v22;
	_ =	sdelay $0x2  }
0x10f: {  	v23 =	vadd.s32 $0x6, v2  }
0x110: {  	v24 =	vand.u32 $0xFFFFFF80, v23;
	[tilespmem:s1+$0x11600] =	vst v4  }
0x111: {  	v25 =	vadd.s32 v3, v24;
	v6 =	vand.u32 $0x7F, v23;
	v5 =	vld.idx.msk [tilespmem:v5+s26+$0x0], $0xffff  }
0x112: {  	v4 =	vor.u32 v6, v25;
	_ =	sdelay $0x2  }
0x113: {  	v26 =	vadd.s32 $0x7, v2  }
0x114: {  	v27 =	vand.u32 $0xFFFFFF80, v26;
	[tilespmem:s1+$0x11A00] =	vst v5  }
0x115: {  	v28 =	vadd.s32 v3, v27;
	v6 =	vand.u32 $0x7F, v26;
	v4 =	vld.idx.msk [tilespmem:v4+s26+$0x0], $0xffff  }
0x116: {  	v5 =	vor.u32 v6, v28;
	_ =	sdelay $0x2  }
0x117: {  	v29 =	vadd.s32 $0x8, v2  }
0x118: {  	v30 =	vand.u32 $0xFFFFFF80, v29;
	[tilespmem:s1+$0x11E00] =	vst v4  }
0x119: {  	v31 =	vadd.s32 v3, v30;
	v6 =	vand.u32 $0x7F, v29;
	v5 =	vld.idx.msk [tilespmem:v5+s26+$0x0], $0xffff  }
0x11a: {  	v4 =	vor.u32 v6, v31;
	_ =	sdelay $0x2  }
0x11b: {  	v32 =	vadd.s32 $0x9, v2  }
0x11c: {  	v33 =	vand.u32 $0xFFFFFF80, v32;
	[tilespmem:s1+$0x12200] =	vst v5  }
0x11d: {  	v34 =	vadd.s32 v3, v33;
	v6 =	vand.u32 $0x7F, v32;
	v4 =	vld.idx.msk [tilespmem:v4+s26+$0x0], $0xffff  }
0x11e: {  	v5 =	vor.u32 v6, v34;
	_ =	sdelay $0x2  }
0x11f: {  	v35 =	vadd.s32 $0xA, v2  }
0x120: {  	v36 =	vand.u32 $0xFFFFFF80, v35;
	[tilespmem:s1+$0x12600] =	vst v4  }
0x121: {  	v37 =	vadd.s32 v3, v36;
	v6 =	vand.u32 $0x7F, v35;
	v5 =	vld.idx.msk [tilespmem:v5+s26+$0x0], $0xffff  }
0x122: {  	v4 =	vor.u32 v6, v37;
	_ =	sdelay $0x2  }
0x123: {  	v38 =	vadd.s32 $0xB, v2  }
0x124: {  	v39 =	vand.u32 $0xFFFFFF80, v38;
	[tilespmem:s1+$0x12A00] =	vst v5  }
0x125: {  	v40 =	vadd.s32 v3, v39;
	v6 =	vand.u32 $0x7F, v38;
	v4 =	vld.idx.msk [tilespmem:v4+s26+$0x0], $0xffff  }
0x126: {  	v5 =	vor.u32 v6, v40;
	_ =	sdelay $0x2  }
0x127: {  	v41 =	vadd.s32 $0xC, v2  }
0x128: {  	v42 =	vand.u32 $0xFFFFFF80, v41;
	[tilespmem:s1+$0x12E00] =	vst v4  }
0x129: {  	v43 =	vadd.s32 v3, v42;
	v6 =	vand.u32 $0x7F, v41;
	v5 =	vld.idx.msk [tilespmem:v5+s26+$0x0], $0xffff  }
0x12a: {  	v4 =	vor.u32 v6, v43;
	_ =	sdelay $0x2  }
0x12b: {  	v44 =	vadd.s32 $0xD, v2  }
0x12c: {  	v45 =	vand.u32 $0xFFFFFF80, v44;
	[tilespmem:s1+$0x13200] =	vst v5  }
0x12d: {  	v46 =	vadd.s32 v3, v45;
	v6 =	vand.u32 $0x7F, v44;
	v4 =	vld.idx.msk [tilespmem:v4+s26+$0x0], $0xffff  }
0x12e: {  	v5 =	vor.u32 v6, v46;
	_ =	sdelay $0x2  }
0x12f: {  	v47 =	vadd.s32 $0xE, v2  }
0x130: {  	v48 =	vand.u32 $0xFFFFFF80, v47;
	[tilespmem:s1+$0x13600] =	vst v4  }
0x131: {  	v49 =	vadd.s32 v3, v48;
	v6 =	vand.u32 $0x7F, v47;
	v5 =	vld.idx.msk [tilespmem:v5+s26+$0x0], $0xffff  }
0x132: {  	v4 =	vor.u32 v6, v49;
	_ =	sdelay $0x2  }
0x133: {  	v2 =	vadd.s32 $0xF, v2  }
0x134: {  	v50 =	vand.u32 $0xFFFFFF80, v2;
	[tilespmem:s1+$0x13A00] =	vst v5  }
0x135: {  	v2 =	vand.u32 $0x7F, v2;
	v3 =	vadd.s32 v3, v50;
	v4 =	vld.idx.msk [tilespmem:v4+s26+$0x0], $0xffff  }
0x136: {  	v2 =	vor.u32 v2, v3;
	_ =	sdelay $0x3  }
0x137: {  	[tilespmem:s1+$0x13E00] =	vst v4  }
0x138: {  	v2 =	vld.idx.msk [tilespmem:v2+s26+$0x0], $0xffff;
	_ =	sdelay $0x3  }
0x139: {  	s6 =	rddreg [dreg:$0x4]  }
0x13a: {  	[tilespmem:s1+$0x14200] =	vst v2;
	s1 =	sadd.s32 s0, s6;
	s0 =	simm.s32 $0x0  }
0x13b: {  	[tilespmem:s0], [sflag:$0x2] =	stream.linear.gather [hbm4b:s1+s0], $0x200, $0x38;
	[tilespmem:$0x14600] =	vst v63  }
0x13c: {  	_ =	swait.ge [sflag:s24], $0x200  }
0x13d: {  	[sflag:s24] =	ssyncset.done $0x0  }
0x13e: {  	[sflag:s24] =	ssyncadd.s32 $0xFFFFFE00  }
0x13f: {  	v2 =	vld [tilespmem:$0x0];
	_ =	sdelay $0x1  }
0x140: {  	v3 =	vld [tilespmem:$0x10];
	_ =	sdelay $0x1  }
0x141: {  	v51 =	vld [tilespmem:$0x20]  }
0x142: {  	v52 =	vshrl.u32 v2, $0x3  }
0x143: {  	v53 =	vld [tilespmem:$0x30];
	v2 =	vshll.u32 v2, $0x4;
	v5 =	vadd.s32 v1, v52  }
0x144: {  	v54 =	vshrl.u32 v3, $0x3;
	v2 =	vand.u32 $0x70, v2;
	[tilespmem:$0x200] =	vst v5  }
0x145: {  	v55 =	vld [tilespmem:$0x40];
	v3 =	vshll.u32 v3, $0x4;
	[tilespmem:$0x400] =	vst v2;
	v2 =	vadd.s32 v1, v54  }
0x146: {  	[tilespmem:$0x210] =	vst v2;
	v2 =	vand.u32 $0x70, v3;
	v3 =	vshrl.u32 v51, $0x3  }
0x147: {  	v56 =	vld [tilespmem:$0x50];
	[tilespmem:$0x410] =	vst v2;
	v2 =	vadd.s32 v1, v3;
	v3 =	vshll.u32 v51, $0x4  }
0x148: {  	[tilespmem:$0x220] =	vst v2;
	v2 =	vand.u32 $0x70, v3;
	v3 =	vshrl.u32 v53, $0x3  }
0x149: {  	v57 =	vld [tilespmem:$0x60];
	[tilespmem:$0x420] =	vst v2;
	v2 =	vadd.s32 v1, v3;
	v3 =	vshll.u32 v53, $0x4  }
0x14a: {  	[tilespmem:$0x230] =	vst v2;
	v2 =	vand.u32 $0x70, v3;
	v3 =	vshrl.u32 v55, $0x3  }
0x14b: {  	v58 =	vld [tilespmem:$0x70];
	[tilespmem:$0x430] =	vst v2;
	v2 =	vadd.s32 v1, v3;
	v3 =	vshll.u32 v55, $0x4  }
0x14c: {  	[tilespmem:$0x240] =	vst v2;
	v2 =	vand.u32 $0x70, v3;
	v3 =	vshrl.u32 v56, $0x3  }
0x14d: {  	v59 =	vld [tilespmem:$0x80];
	[tilespmem:$0x440] =	vst v2;
	v2 =	vadd.s32 v1, v3;
	v3 =	vshll.u32 v56, $0x4  }
0x14e: {  	[tilespmem:$0x250] =	vst v2;
	v2 =	vand.u32 $0x70, v3;
	v3 =	vshrl.u32 v57, $0x3  }
0x14f: {  	v60 =	vld [tilespmem:$0x90];
	[tilespmem:$0x450] =	vst v2;
	v2 =	vadd.s32 v1, v3;
	v3 =	vshll.u32 v57, $0x4  }
0x150: {  	[tilespmem:$0x260] =	vst v2;
	v2 =	vand.u32 $0x70, v3;
	v3 =	vshrl.u32 v58, $0x3  }
0x151: {  	v61 =	vld [tilespmem:$0xA0];
	[tilespmem:$0x460] =	vst v2;
	v2 =	vadd.s32 v1, v3;
	v3 =	vshll.u32 v58, $0x4  }
0x152: {  	[tilespmem:$0x270] =	vst v2;
	v2 =	vand.u32 $0x70, v3;
	v3 =	vshrl.u32 v59, $0x3  }
0x153: {  	v62 =	vld [tilespmem:$0xB0];
	[tilespmem:$0x470] =	vst v2;
	v2 =	vadd.s32 v1, v3;
	v3 =	vshll.u32 v59, $0x4  }
0x154: {  	[tilespmem:$0x280] =	vst v2;
	v2 =	vand.u32 $0x70, v3;
	v3 =	vshrl.u32 v60, $0x3  }
0x155: {  	v63 =	vld [tilespmem:$0xC0];
	[tilespmem:$0x480] =	vst v2;
	v2 =	vadd.s32 v1, v3;
	v3 =	vshll.u32 v60, $0x4  }
0x156: {  	[tilespmem:$0x290] =	vst v2;
	v2 =	vand.u32 $0x70, v3;
	v3 =	vshrl.u32 v61, $0x3  }
0x157: {  	v9 =	vld [tilespmem:$0xD0];
	[tilespmem:$0x490] =	vst v2;
	v2 =	vadd.s32 v1, v3;
	v3 =	vshll.u32 v61, $0x4  }
0x158: {  	[tilespmem:$0x2A0] =	vst v2;
	v2 =	vand.u32 $0x70, v3;
	v3 =	vshrl.u32 v62, $0x3  }
0x159: {  	v10 =	vld [tilespmem:$0xE0];
	[tilespmem:$0x4A0] =	vst v2;
	v2 =	vadd.s32 v1, v3;
	v3 =	vshll.u32 v62, $0x4  }
0x15a: {  	[tilespmem:$0x2B0] =	vst v2;
	v2 =	vand.u32 $0x70, v3;
	v3 =	vshrl.u32 v63, $0x3  }
0x15b: {  	v11 =	vld [tilespmem:$0xF0];
	[tilespmem:$0x4B0] =	vst v2;
	v2 =	vadd.s32 v1, v3;
	v3 =	vshll.u32 v63, $0x4  }
0x15c: {  	[tilespmem:$0x2C0] =	vst v2;
	v2 =	vand.u32 $0x70, v3;
	v3 =	vshrl.u32 v9, $0x3  }
0x15d: {  	v12 =	vld [tilespmem:$0x100];
	[tilespmem:$0x4C0] =	vst v2;
	v2 =	vadd.s32 v1, v3;
	v3 =	vshll.u32 v9, $0x4  }
0x15e: {  	[tilespmem:$0x2D0] =	vst v2;
	v2 =	vand.u32 $0x70, v3;
	v3 =	vshrl.u32 v10, $0x3  }
0x15f: {  	v13 =	vld [tilespmem:$0x110];
	[tilespmem:$0x4D0] =	vst v2;
	v2 =	vadd.s32 v1, v3;
	v3 =	vshll.u32 v10, $0x4  }
0x160: {  	[tilespmem:$0x2E0] =	vst v2;
	v2 =	vand.u32 $0x70, v3;
	v3 =	vshrl.u32 v11, $0x3  }
0x161: {  	v14 =	vld [tilespmem:$0x120];
	[tilespmem:$0x4E0] =	vst v2;
	v2 =	vadd.s32 v1, v3;
	v3 =	vshll.u32 v11, $0x4  }
0x162: {  	[tilespmem:$0x2F0] =	vst v2;
	v2 =	vand.u32 $0x70, v3;
	v3 =	vshrl.u32 v12, $0x3  }
0x163: {  	v15 =	vld [tilespmem:$0x130];
	[tilespmem:$0x4F0] =	vst v2;
	v2 =	vadd.s32 v1, v3;
	v3 =	vshll.u32 v12, $0x4  }
0x164: {  	[tilespmem:$0x300] =	vst v2;
	v2 =	vand.u32 $0x70, v3;
	v3 =	vshrl.u32 v13, $0x3  }
0x165: {  	v16 =	vld [tilespmem:$0x140];
	[tilespmem:$0x500] =	vst v2;
	v2 =	vadd.s32 v1, v3;
	v3 =	vshll.u32 v13, $0x4  }
0x166: {  	[tilespmem:$0x310] =	vst v2;
	v2 =	vand.u32 $0x70, v3;
	v3 =	vshrl.u32 v14, $0x3  }
0x167: {  	v17 =	vld [tilespmem:$0x150];
	[tilespmem:$0x510] =	vst v2;
	v2 =	vadd.s32 v1, v3;
	v3 =	vshll.u32 v14, $0x4  }
0x168: {  	[tilespmem:$0x320] =	vst v2;
	v2 =	vand.u32 $0x70, v3;
	v3 =	vshrl.u32 v15, $0x3  }
0x169: {  	v18 =	vld [tilespmem:$0x160];
	[tilespmem:$0x520] =	vst v2;
	v2 =	vadd.s32 v1, v3;
	v3 =	vshll.u32 v15, $0x4  }
0x16a: {  	[tilespmem:$0x330] =	vst v2;
	v2 =	vand.u32 $0x70, v3;
	v3 =	vshrl.u32 v16, $0x3  }
0x16b: {  	v19 =	vld [tilespmem:$0x170];
	[tilespmem:$0x530] =	vst v2;
	v2 =	vadd.s32 v1, v3;
	v3 =	vshll.u32 v16, $0x4  }
0x16c: {  	[tilespmem:$0x340] =	vst v2;
	v2 =	vand.u32 $0x70, v3;
	v3 =	vshrl.u32 v17, $0x3  }
0x16d: {  	v20 =	vld [tilespmem:$0x180];
	[tilespmem:$0x540] =	vst v2;
	v2 =	vadd.s32 v1, v3;
	v3 =	vshll.u32 v17, $0x4  }
0x16e: {  	[tilespmem:$0x350] =	vst v2;
	v2 =	vand.u32 $0x70, v3;
	v3 =	vshrl.u32 v18, $0x3  }
0x16f: {  	v21 =	vld [tilespmem:$0x190];
	[tilespmem:$0x550] =	vst v2;
	v2 =	vadd.s32 v1, v3;
	v3 =	vshll.u32 v18, $0x4  }
0x170: {  	[tilespmem:$0x360] =	vst v2;
	v2 =	vand.u32 $0x70, v3;
	v3 =	vshrl.u32 v19, $0x3  }
0x171: {  	v22 =	vld [tilespmem:$0x1A0];
	[tilespmem:$0x560] =	vst v2;
	v2 =	vadd.s32 v1, v3;
	v3 =	vshll.u32 v19, $0x4  }
0x172: {  	[tilespmem:$0x370] =	vst v2;
	v2 =	vand.u32 $0x70, v3;
	v3 =	vshrl.u32 v20, $0x3  }
0x173: {  	v23 =	vld [tilespmem:$0x1B0];
	[tilespmem:$0x570] =	vst v2;
	v2 =	vadd.s32 v1, v3;
	v3 =	vshll.u32 v20, $0x4  }
0x174: {  	[tilespmem:$0x380] =	vst v2;
	v2 =	vand.u32 $0x70, v3;
	v3 =	vshrl.u32 v21, $0x3  }
0x175: {  	v24 =	vld [tilespmem:$0x1C0];
	[tilespmem:$0x580] =	vst v2;
	v2 =	vadd.s32 v1, v3;
	v3 =	vshll.u32 v21, $0x4  }
0x176: {  	[tilespmem:$0x390] =	vst v2;
	v2 =	vand.u32 $0x70, v3;
	v3 =	vshrl.u32 v22, $0x3  }
0x177: {  	v25 =	vld [tilespmem:$0x1D0];
	[tilespmem:$0x590] =	vst v2;
	v2 =	vadd.s32 v1, v3;
	v3 =	vshll.u32 v22, $0x4  }
0x178: {  	[tilespmem:$0x3A0] =	vst v2;
	v2 =	vand.u32 $0x70, v3;
	v3 =	vshrl.u32 v23, $0x3  }
0x179: {  	v26 =	vld [tilespmem:$0x1E0];
	[tilespmem:$0x5A0] =	vst v2;
	v2 =	vadd.s32 v1, v3;
	v3 =	vshll.u32 v23, $0x4  }
0x17a: {  	[tilespmem:$0x3B0] =	vst v2;
	v2 =	vand.u32 $0x70, v3;
	v3 =	vshrl.u32 v24, $0x3  }
0x17b: {  	v27 =	vld [tilespmem:$0x1F0];
	[tilespmem:$0x5B0] =	vst v2;
	v2 =	vadd.s32 v1, v3;
	v3 =	vshll.u32 v24, $0x4  }
0x17c: {  	[tilespmem:$0x3C0] =	vst v2;
	v2 =	vand.u32 $0x70, v3;
	v3 =	vshrl.u32 v25, $0x3  }
0x17d: {  	[tilespmem:$0x5C0] =	vst v2;
	v2 =	vadd.s32 v1, v3;
	v3 =	vshll.u32 v25, $0x4  }
0x17e: {  	[tilespmem:$0x3D0] =	vst v2;
	v2 =	vand.u32 $0x70, v3;
	v3 =	vshrl.u32 v26, $0x3  }
0x17f: {  	[tilespmem:$0x5D0] =	vst v2;
	v2 =	vadd.s32 v1, v3;
	v3 =	vshll.u32 v26, $0x4  }
0x180: {  	[tilespmem:$0x3E0] =	vst v2;
	v2 =	vand.u32 $0x70, v3;
	v3 =	vshrl.u32 v27, $0x3  }
0x181: {  	[tilespmem:$0x5E0] =	vst v2;
	v1 =	vadd.s32 v1, v3;
	v2 =	vshll.u32 v27, $0x4  }
0x182: {  	[tilespmem:$0x3F0] =	vst v1;
	v1 =	vand.u32 $0x70, v2  }
0x183: {  	[tilespmem:$0x5F0] =	vst v1  }
0x184: {  	[tilespmem:s26], [sflag:$0x1] =	stream.indirect.gather [hbm4b:s5+s25], $0x80, s25, s25, $0xb8;
	[tilespmem:$0x14600] =	vst v63  }
0x185: {  	_ =	swait.ge [sflag:s28], $0x10000  }
0x186: {  	[sflag:s28] =	ssyncset.done $0x0  }
0x187: {  	s7 =	simm.s32 $0x0;
	[sflag:s28] =	ssyncadd.s32 $0xFFFF0000  }
0x188: {  	v1 =	vld [tilespmem:s7+$0x400];
	_ =	sdelay $0x2  }
0x189: {  	v2 =	vmov s0  }
0x18a: {  	v2 =	vshll.u32 v2, $0x7  }
0x18b: {  	v2 =	vor.u32 v0, v2;
	v3 =	vand.u32 $0xFFFFFF80, v1  }
0x18c: {  	v28 =	vand.u32 $0x7F, v1;
	v3 =	vadd.s32 v2, v3  }
0x18d: {  	v3 =	vor.u32 v28, v3;
	_ =	sdelay $0x2  }
0x18e: {  	v29 =	vadd.s32 $0x1, v1  }
0x18f: {  	v30 =	vand.u32 $0xFFFFFF80, v29  }
0x190: {  	v4 =	vand.u32 $0x7F, v29;
	v5 =	vadd.s32 v2, v30;
	v3 =	vld.idx.msk [tilespmem:v3+s26+$0x0], $0xffff  }
0x191: {  	v4 =	vor.u32 v4, v5  }
0x192: {  	s8 =	sand.u32 $0x600, s0  }
0x193: {  	s23 =	sand.u32 $0x70, s0;
	s1 =	sshrl.u32 s8, $0x2  }
0x194: {  	s1 =	sor.u32 s23, s1;
	v31 =	vadd.s32 $0x2, v1  }
0x195: {  	v32 =	vand.u32 $0xFFFFFF80, v31;
	[tilespmem:s1+$0x10800] =	vst v3  }
0x196: {  	v5 =	vand.u32 $0x7F, v31;
	v3 =	vadd.s32 v2, v32;
	v4 =	vld.idx.msk [tilespmem:v4+s26+$0x0], $0xffff  }
0x197: {  	v3 =	vor.u32 v5, v3;
	_ =	sdelay $0x2  }
0x198: {  	v33 =	vadd.s32 $0x3, v1  }
0x199: {  	v34 =	vand.u32 $0xFFFFFF80, v33;
	[tilespmem:s1+$0x10C00] =	vst v4  }
0x19a: {  	v35 =	vadd.s32 v2, v34;
	v5 =	vand.u32 $0x7F, v33;
	v3 =	vld.idx.msk [tilespmem:v3+s26+$0x0], $0xffff  }
0x19b: {  	v4 =	vor.u32 v5, v35;
	_ =	sdelay $0x2  }
0x19c: {  	v36 =	vadd.s32 $0x4, v1  }
0x19d: {  	v37 =	vand.u32 $0xFFFFFF80, v36;
	[tilespmem:s1+$0x11000] =	vst v3  }
0x19e: {  	v5 =	vand.u32 $0x7F, v36;
	v3 =	vadd.s32 v2, v37;
	v4 =	vld.idx.msk [tilespmem:v4+s26+$0x0], $0xffff  }
0x19f: {  	v3 =	vor.u32 v5, v3;
	_ =	sdelay $0x2  }
0x1a0: {  	v38 =	vadd.s32 $0x5, v1  }
0x1a1: {  	v39 =	vand.u32 $0xFFFFFF80, v38;
	[tilespmem:s1+$0x11400] =	vst v4  }
0x1a2: {  	v40 =	vadd.s32 v2, v39;
	v5 =	vand.u32 $0x7F, v38;
	v3 =	vld.idx.msk [tilespmem:v3+s26+$0x0], $0xffff  }
0x1a3: {  	v4 =	vor.u32 v5, v40;
	_ =	sdelay $0x2  }
0x1a4: {  	v41 =	vadd.s32 $0x6, v1  }
0x1a5: {  	v42 =	vand.u32 $0xFFFFFF80, v41;
	[tilespmem:s1+$0x11800] =	vst v3  }
0x1a6: {  	v5 =	vand.u32 $0x7F, v41;
	v3 =	vadd.s32 v2, v42;
	v4 =	vld.idx.msk [tilespmem:v4+s26+$0x0], $0xffff  }
0x1a7: {  	v3 =	vor.u32 v5, v3;
	_ =	sdelay $0x2  }
0x1a8: {  	v43 =	vadd.s32 $0x7, v1  }
0x1a9: {  	v44 =	vand.u32 $0xFFFFFF80, v43;
	[tilespmem:s1+$0x11C00] =	vst v4  }
0x1aa: {  	v45 =	vadd.s32 v2, v44;
	v5 =	vand.u32 $0x7F, v43;
	v3 =	vld.idx.msk [tilespmem:v3+s26+$0x0], $0xffff  }
0x1ab: {  	v4 =	vor.u32 v5, v45;
	_ =	sdelay $0x2  }
0x1ac: {  	v46 =	vadd.s32 $0x8, v1  }
0x1ad: {  	v47 =	vand.u32 $0xFFFFFF80, v46;
	[tilespmem:s1+$0x12000] =	vst v3  }
0x1ae: {  	v5 =	vand.u32 $0x7F, v46;
	v3 =	vadd.s32 v2, v47;
	v4 =	vld.idx.msk [tilespmem:v4+s26+$0x0], $0xffff  }
0x1af: {  	v3 =	vor.u32 v5, v3;
	_ =	sdelay $0x2  }
0x1b0: {  	v48 =	vadd.s32 $0x9, v1  }
0x1b1: {  	v49 =	vand.u32 $0xFFFFFF80, v48;
	[tilespmem:s1+$0x12400] =	vst v4  }
0x1b2: {  	v50 =	vadd.s32 v2, v49;
	v5 =	vand.u32 $0x7F, v48;
	v3 =	vld.idx.msk [tilespmem:v3+s26+$0x0], $0xffff  }
0x1b3: {  	v4 =	vor.u32 v5, v50;
	_ =	sdelay $0x2  }
0x1b4: {  	v51 =	vadd.s32 $0xA, v1  }
0x1b5: {  	v52 =	vand.u32 $0xFFFFFF80, v51;
	[tilespmem:s1+$0x12800] =	vst v3  }
0x1b6: {  	v5 =	vand.u32 $0x7F, v51;
	v3 =	vadd.s32 v2, v52;
	v4 =	vld.idx.msk [tilespmem:v4+s26+$0x0], $0xffff  }
0x1b7: {  	v3 =	vor.u32 v5, v3;
	_ =	sdelay $0x2  }
0x1b8: {  	v53 =	vadd.s32 $0xB, v1  }
0x1b9: {  	v54 =	vand.u32 $0xFFFFFF80, v53;
	[tilespmem:s1+$0x12C00] =	vst v4  }
0x1ba: {  	v55 =	vadd.s32 v2, v54;
	v5 =	vand.u32 $0x7F, v53;
	v3 =	vld.idx.msk [tilespmem:v3+s26+$0x0], $0xffff  }
0x1bb: {  	v4 =	vor.u32 v5, v55;
	_ =	sdelay $0x2  }
0x1bc: {  	v56 =	vadd.s32 $0xC, v1  }
0x1bd: {  	v57 =	vand.u32 $0xFFFFFF80, v56;
	[tilespmem:s1+$0x13000] =	vst v3  }
0x1be: {  	v5 =	vand.u32 $0x7F, v56;
	v3 =	vadd.s32 v2, v57;
	v4 =	vld.idx.msk [tilespmem:v4+s26+$0x0], $0xffff  }
0x1bf: {  	v3 =	vor.u32 v5, v3;
	_ =	sdelay $0x2  }
0x1c0: {  	v58 =	vadd.s32 $0xD, v1  }
0x1c1: {  	v59 =	vand.u32 $0xFFFFFF80, v58;
	[tilespmem:s1+$0x13400] =	vst v4  }
0x1c2: {  	v60 =	vadd.s32 v2, v59;
	v5 =	vand.u32 $0x7F, v58;
	v3 =	vld.idx.msk [tilespmem:v3+s26+$0x0], $0xffff  }
0x1c3: {  	v4 =	vor.u32 v5, v60;
	_ =	sdelay $0x2  }
0x1c4: {  	v61 =	vadd.s32 $0xE, v1  }
0x1c5: {  	v62 =	vand.u32 $0xFFFFFF80, v61;
	[tilespmem:s1+$0x13800] =	vst v3  }
0x1c6: {  	v5 =	vand.u32 $0x7F, v61;
	v3 =	vadd.s32 v2, v62;
	v4 =	vld.idx.msk [tilespmem:v4+s26+$0x0], $0xffff  }
0x1c7: {  	v3 =	vor.u32 v5, v3;
	_ =	sdelay $0x2  }
0x1c8: {  	v1 =	vadd.s32 $0xF, v1  }
0x1c9: {  	v63 =	vand.u32 $0xFFFFFF80, v1;
	[tilespmem:s1+$0x13C00] =	vst v4  }
0x1ca: {  	v1 =	vand.u32 $0x7F, v1;
	v2 =	vadd.s32 v2, v63;
	v3 =	vld.idx.msk [tilespmem:v3+s26+$0x0], $0xffff  }
0x1cb: {  	v1 =	vor.u32 v1, v2;
	_ =	sdelay $0x3  }
0x1cc: {  	[tilespmem:s1+$0x14000] =	vst v3  }
0x1cd: {  	s3 =	simm.s32 $0x40;
	s6 =	simm.s32 $0x80;
	v1 =	vld.idx.msk [tilespmem:v1+s26+$0x0], $0xffff  }
.LBB2_5:
0x1ce: {  	_ =	sdelay $0x1  }
0x1cf: {  	s7 =	sshra.s32 s3, $0x2  }
0x1d0: {  	s0 =	sadd.s32 $0x10, s0;
	s8 =	smov.u32 s6;
	s2 =	sadd.s32 $0x40, s6  }
0x1d1: {  	p0 =	sne.s32 s6, $0x7C0;
	[tilespmem:s1+$0x14400] =	vst v1  }
0x1d2: {  	v1 =	vld [tilespmem:s7+$0x400];
	_ =	sdelay $0x1  }
0x1d3: {  	v2 =	vmov s0  }
0x1d4: {  	v2 =	vshll.u32 v2, $0x7;
	_ =	sdelay $0x1  }
0x1d5: {  	v2 =	vor.u32 v0, v2;
	v3 =	vand.u32 $0xFFFFFF80, v1;
	v4 =	vand.u32 $0x7F, v1  }
0x1d6: {  	v5 =	vadd.s32 $0x1, v1;
	v6 =	vadd.s32 $0x2, v1;
	v3 =	vadd.s32 v2, v3  }
0x1d7: {  	v7 =	vand.u32 $0xFFFFFF80, v6;
	v3 =	vor.u32 v4, v3;
	v4 =	vand.u32 $0xFFFFFF80, v5  }
0x1d8: {  	v8 =	vadd.s32 $0x3, v1;
	v7 =	vadd.s32 v2, v7;
	v4 =	vadd.s32 v2, v4  }
0x1d9: {  	v10 =	vadd.s32 $0x4, v1;
	v11 =	vadd.s32 $0x5, v1;
	v9 =	vand.u32 $0xFFFFFF80, v8  }
0x1da: {  	v12 =	vand.u32 $0xFFFFFF80, v10;
	v13 =	vand.u32 $0xFFFFFF80, v11;
	v9 =	vadd.s32 v2, v9  }
0x1db: {  	v14 =	vadd.s32 $0x6, v1;
	v12 =	vadd.s32 v2, v12;
	v13 =	vadd.s32 v2, v13  }
0x1dc: {  	v16 =	vadd.s32 $0x7, v1;
	v15 =	vand.u32 $0xFFFFFF80, v14;
	v5 =	vand.u32 $0x7F, v5;
	v3 =	vld.idx.msk [tilespmem:v3+s26+$0x0], $0xffff  }
0x1dd: {  	v15 =	vadd.s32 v2, v15;
	v5 =	vor.u32 v5, v4;
	v4 =	vand.u32 $0xFFFFFF80, v16  }
0x1de: {  	s1 =	sand.u32 $0x600, s3;
	s3 =	smov.u32 s8;
	v18 =	vadd.s32 $0x8, v1;
	v19 =	vadd.s32 $0x9, v1;
	v17 =	vadd.s32 v2, v4  }
0x1df: {  	s6 =	sand.u32 $0x70, s0;
	s1 =	sshrl.u32 s1, $0x2;
	v21 =	vadd.s32 $0xA, v1;
	v20 =	vand.u32 $0xFFFFFF80, v19;
	v4 =	vand.u32 $0xFFFFFF80, v18  }
0x1e0: {  	s1 =	sor.u32 s6, s1;
	v20 =	vadd.s32 v2, v20;
	v22 =	vadd.s32 v2, v4;
	v4 =	vand.u32 $0xFFFFFF80, v21  }
0x1e1: {  	v24 =	vadd.s32 $0xB, v1;
	v25 =	vadd.s32 $0xC, v1;
	v23 =	vadd.s32 v2, v4  }
0x1e2: {  	v26 =	vand.u32 $0xFFFFFF80, v25;
	v4 =	vadd.s32 $0xD, v1;
	[tilespmem:s1+$0x10800] =	vst v3;
	v3 =	vand.u32 $0xFFFFFF80, v24  }
0x1e3: {  	v26 =	vadd.s32 v2, v26;
	v27 =	vld.idx.msk [tilespmem:v5+s26+$0x0], $0xffff;
	v5 =	vand.u32 $0x7F, v6;
	v6 =	vadd.s32 v2, v3  }
0x1e4: {  	v3 =	vadd.s32 $0xE, v1;
	v7 =	vor.u32 v5, v7;
	v5 =	vand.u32 $0xFFFFFF80, v4  }
0x1e5: {  	v1 =	vadd.s32 $0xF, v1;
	v28 =	vadd.s32 v2, v5;
	v5 =	vand.u32 $0xFFFFFF80, v3  }
0x1e6: {  	v29 =	vand.u32 $0xFFFFFF80, v1;
	v5 =	vadd.s32 v2, v5  }
0x1e7: {  	v2 =	vadd.s32 v2, v29;
	_ =	sdelay $0x1  }
0x1e8: {  	[tilespmem:s1+$0x10C00] =	vst v27  }
0x1e9: {  	v8 =	vand.u32 $0x7F, v8;
	v7 =	vld.idx.msk [tilespmem:v7+s26+$0x0], $0xffff  }
0x1ea: {  	v8 =	vor.u32 v8, v9;
	_ =	sdelay $0x4  }
0x1eb: {  	[tilespmem:s1+$0x11000] =	vst v7  }
0x1ec: {  	v7 =	vld.idx.msk [tilespmem:v8+s26+$0x0], $0xffff;
	v8 =	vand.u32 $0x7F, v10  }
0x1ed: {  	v8 =	vor.u32 v8, v12;
	_ =	sdelay $0x4  }
0x1ee: {  	[tilespmem:s1+$0x11400] =	vst v7  }
0x1ef: {  	v7 =	vld.idx.msk [tilespmem:v8+s26+$0x0], $0xffff;
	v8 =	vand.u32 $0x7F, v11  }
0x1f0: {  	v8 =	vor.u32 v8, v13;
	_ =	sdelay $0x4  }
0x1f1: {  	[tilespmem:s1+$0x11800] =	vst v7  }
0x1f2: {  	v7 =	vld.idx.msk [tilespmem:v8+s26+$0x0], $0xffff;
	v8 =	vand.u32 $0x7F, v14  }
0x1f3: {  	v8 =	vor.u32 v8, v15;
	_ =	sdelay $0x4  }
0x1f4: {  	[tilespmem:s1+$0x11C00] =	vst v7  }
0x1f5: {  	v7 =	vld.idx.msk [tilespmem:v8+s26+$0x0], $0xffff;
	v8 =	vand.u32 $0x7F, v16  }
0x1f6: {  	v8 =	vor.u32 v8, v17;
	_ =	sdelay $0x4  }
0x1f7: {  	[tilespmem:s1+$0x12000] =	vst v7  }
0x1f8: {  	v7 =	vld.idx.msk [tilespmem:v8+s26+$0x0], $0xffff;
	v8 =	vand.u32 $0x7F, v18  }
0x1f9: {  	v8 =	vor.u32 v8, v22;
	_ =	sdelay $0x4  }
0x1fa: {  	[tilespmem:s1+$0x12400] =	vst v7  }
0x1fb: {  	v7 =	vld.idx.msk [tilespmem:v8+s26+$0x0], $0xffff;
	v8 =	vand.u32 $0x7F, v19  }
0x1fc: {  	v8 =	vor.u32 v8, v20;
	_ =	sdelay $0x4  }
0x1fd: {  	[tilespmem:s1+$0x12800] =	vst v7  }
0x1fe: {  	v7 =	vld.idx.msk [tilespmem:v8+s26+$0x0], $0xffff;
	v8 =	vand.u32 $0x7F, v21  }
0x1ff: {  	v8 =	vor.u32 v8, v23;
	_ =	sdelay $0x4  }
0x200: {  	[tilespmem:s1+$0x12C00] =	vst v7  }
0x201: {  	v7 =	vld.idx.msk [tilespmem:v8+s26+$0x0], $0xffff;
	v8 =	vand.u32 $0x7F, v24  }
0x202: {  	v6 =	vor.u32 v8, v6;
	_ =	sdelay $0x4  }
0x203: {  	[tilespmem:s1+$0x13000] =	vst v7  }
0x204: {  	v7 =	vand.u32 $0x7F, v25;
	v6 =	vld.idx.msk [tilespmem:v6+s26+$0x0], $0xffff  }
0x205: {  	v7 =	vor.u32 v7, v26;
	_ =	sdelay $0x4  }
0x206: {  	[tilespmem:s1+$0x13400] =	vst v6  }
0x207: {  	v4 =	vand.u32 $0x7F, v4;
	v6 =	vld.idx.msk [tilespmem:v7+s26+$0x0], $0xffff  }
0x208: {  	v4 =	vor.u32 v4, v28;
	_ =	sdelay $0x4  }
0x209: {  	[tilespmem:s1+$0x13800] =	vst v6  }
0x20a: {  	v3 =	vand.u32 $0x7F, v3;
	v4 =	vld.idx.msk [tilespmem:v4+s26+$0x0], $0xffff  }
0x20b: {  	v3 =	vor.u32 v3, v5;
	_ =	sdelay $0x4  }
0x20c: {  	[tilespmem:s1+$0x13C00] =	vst v4  }
0x20d: {  	v1 =	vand.u32 $0x7F, v1;
	v3 =	vld.idx.msk [tilespmem:v3+s26+$0x0], $0xffff  }
0x20e: {  	v1 =	vor.u32 v1, v2;
	_ =	sdelay $0x1  }
.Ltmp1:
0x20f: {  	(pc) =	sbr.rel @p0 .LBB2_5-.Ltmp1, $3  }
0x210: {  	_ =	sdelay $0x1  }
0x211: {  	[tilespmem:s1+$0x14000] =	vst v3  }
0x212: {  	s6 =	smov.u32 s2;
	v1 =	vld.idx.msk [tilespmem:v1+s26+$0x0], $0xffff  }
0x213: {  	_ =	sdelay $0x3  }
0x214: {  	s8 =	sshra.s32 s3, $0x2;
	[tilespmem:s1+$0x14400] =	vst v1  }
0x215: {  	v1 =	vld [tilespmem:s8+$0x400];
	_ =	sdelay $0x1  }
0x216: {  	s0 =	sadd.s32 $0x10, s0  }
0x217: {  	v2 =	vmov s0  }
0x218: {  	v2 =	vshll.u32 v2, $0x7  }
0x219: {  	v2 =	vor.u32 v0, v2;
	v3 =	vand.u32 $0xFFFFFF80, v1  }
0x21a: {  	v4 =	vand.u32 $0x7F, v1;
	v3 =	vadd.s32 v2, v3  }
0x21b: {  	v3 =	vor.u32 v4, v3;
	_ =	sdelay $0x2  }
0x21c: {  	v31 =	vadd.s32 $0x1, v1  }
0x21d: {  	v5 =	vand.u32 $0xFFFFFF80, v31  }
0x21e: {  	v5 =	vadd.s32 v2, v5;
	v4 =	vand.u32 $0x7F, v31;
	v3 =	vld.idx.msk [tilespmem:v3+s26+$0x0], $0xffff  }
0x21f: {  	v4 =	vor.u32 v4, v5  }
0x220: {  	s23 =	sand.u32 $0x600, s3  }
0x221: {  	s0 =	sand.u32 $0x70, s0;
	s1 =	sshrl.u32 s23, $0x2  }
0x222: {  	s0 =	sor.u32 s0, s1;
	v32 =	vadd.s32 $0x2, v1  }
0x223: {  	v6 =	vand.u32 $0xFFFFFF80, v32;
	[tilespmem:s0+$0x10800] =	vst v3  }
0x224: {  	v5 =	vand.u32 $0x7F, v32;
	v3 =	vadd.s32 v2, v6;
	v4 =	vld.idx.msk [tilespmem:v4+s26+$0x0], $0xffff  }
0x225: {  	v3 =	vor.u32 v5, v3;
	_ =	sdelay $0x2  }
0x226: {  	v33 =	vadd.s32 $0x3, v1  }
0x227: {  	v34 =	vand.u32 $0xFFFFFF80, v33;
	[tilespmem:s0+$0x10C00] =	vst v4  }
0x228: {  	v35 =	vadd.s32 v2, v34;
	v5 =	vand.u32 $0x7F, v33;
	v3 =	vld.idx.msk [tilespmem:v3+s26+$0x0], $0xffff  }
0x229: {  	v4 =	vor.u32 v5, v35;
	_ =	sdelay $0x2  }
0x22a: {  	v36 =	vadd.s32 $0x4, v1  }
0x22b: {  	v37 =	vand.u32 $0xFFFFFF80, v36;
	[tilespmem:s0+$0x11000] =	vst v3  }
0x22c: {  	v5 =	vand.u32 $0x7F, v36;
	v3 =	vadd.s32 v2, v37;
	v4 =	vld.idx.msk [tilespmem:v4+s26+$0x0], $0xffff  }
0x22d: {  	v3 =	vor.u32 v5, v3;
	_ =	sdelay $0x2  }
0x22e: {  	v38 =	vadd.s32 $0x5, v1  }
0x22f: {  	v39 =	vand.u32 $0xFFFFFF80, v38;
	[tilespmem:s0+$0x11400] =	vst v4  }
0x230: {  	v40 =	vadd.s32 v2, v39;
	v5 =	vand.u32 $0x7F, v38;
	v3 =	vld.idx.msk [tilespmem:v3+s26+$0x0], $0xffff  }
0x231: {  	v4 =	vor.u32 v5, v40;
	_ =	sdelay $0x2  }
0x232: {  	v41 =	vadd.s32 $0x6, v1  }
0x233: {  	v42 =	vand.u32 $0xFFFFFF80, v41;
	[tilespmem:s0+$0x11800] =	vst v3  }
0x234: {  	v5 =	vand.u32 $0x7F, v41;
	v3 =	vadd.s32 v2, v42;
	v4 =	vld.idx.msk [tilespmem:v4+s26+$0x0], $0xffff  }
0x235: {  	v3 =	vor.u32 v5, v3;
	_ =	sdelay $0x2  }
0x236: {  	v43 =	vadd.s32 $0x7, v1  }
0x237: {  	v44 =	vand.u32 $0xFFFFFF80, v43;
	[tilespmem:s0+$0x11C00] =	vst v4  }
0x238: {  	v45 =	vadd.s32 v2, v44;
	v5 =	vand.u32 $0x7F, v43;
	v3 =	vld.idx.msk [tilespmem:v3+s26+$0x0], $0xffff  }
0x239: {  	v4 =	vor.u32 v5, v45;
	_ =	sdelay $0x2  }
0x23a: {  	v46 =	vadd.s32 $0x8, v1  }
0x23b: {  	v47 =	vand.u32 $0xFFFFFF80, v46;
	[tilespmem:s0+$0x12000] =	vst v3  }
0x23c: {  	v5 =	vand.u32 $0x7F, v46;
	v3 =	vadd.s32 v2, v47;
	v4 =	vld.idx.msk [tilespmem:v4+s26+$0x0], $0xffff  }
0x23d: {  	v3 =	vor.u32 v5, v3;
	_ =	sdelay $0x2  }
0x23e: {  	v48 =	vadd.s32 $0x9, v1  }
0x23f: {  	v49 =	vand.u32 $0xFFFFFF80, v48;
	[tilespmem:s0+$0x12400] =	vst v4  }
0x240: {  	v50 =	vadd.s32 v2, v49;
	v5 =	vand.u32 $0x7F, v48;
	v3 =	vld.idx.msk [tilespmem:v3+s26+$0x0], $0xffff  }
0x241: {  	v4 =	vor.u32 v5, v50;
	_ =	sdelay $0x2  }
0x242: {  	v51 =	vadd.s32 $0xA, v1  }
0x243: {  	v52 =	vand.u32 $0xFFFFFF80, v51;
	[tilespmem:s0+$0x12800] =	vst v3  }
0x244: {  	v5 =	vand.u32 $0x7F, v51;
	v3 =	vadd.s32 v2, v52;
	v4 =	vld.idx.msk [tilespmem:v4+s26+$0x0], $0xffff  }
0x245: {  	v3 =	vor.u32 v5, v3;
	_ =	sdelay $0x2  }
0x246: {  	v53 =	vadd.s32 $0xB, v1  }
0x247: {  	v54 =	vand.u32 $0xFFFFFF80, v53;
	[tilespmem:s0+$0x12C00] =	vst v4  }
0x248: {  	v55 =	vadd.s32 v2, v54;
	v5 =	vand.u32 $0x7F, v53;
	v3 =	vld.idx.msk [tilespmem:v3+s26+$0x0], $0xffff  }
0x249: {  	v4 =	vor.u32 v5, v55;
	_ =	sdelay $0x2  }
0x24a: {  	v56 =	vadd.s32 $0xC, v1  }
0x24b: {  	v57 =	vand.u32 $0xFFFFFF80, v56;
	[tilespmem:s0+$0x13000] =	vst v3  }
0x24c: {  	v5 =	vand.u32 $0x7F, v56;
	v3 =	vadd.s32 v2, v57;
	v4 =	vld.idx.msk [tilespmem:v4+s26+$0x0], $0xffff  }
0x24d: {  	v3 =	vor.u32 v5, v3;
	_ =	sdelay $0x2  }
0x24e: {  	v58 =	vadd.s32 $0xD, v1  }
0x24f: {  	v59 =	vand.u32 $0xFFFFFF80, v58;
	[tilespmem:s0+$0x13400] =	vst v4  }
0x250: {  	v60 =	vadd.s32 v2, v59;
	v5 =	vand.u32 $0x7F, v58;
	v3 =	vld.idx.msk [tilespmem:v3+s26+$0x0], $0xffff  }
0x251: {  	v4 =	vor.u32 v5, v60;
	_ =	sdelay $0x2  }
0x252: {  	v61 =	vadd.s32 $0xE, v1  }
0x253: {  	v62 =	vand.u32 $0xFFFFFF80, v61;
	[tilespmem:s0+$0x13800] =	vst v3  }
0x254: {  	v5 =	vand.u32 $0x7F, v61;
	v3 =	vadd.s32 v2, v62;
	v4 =	vld.idx.msk [tilespmem:v4+s26+$0x0], $0xffff  }
0x255: {  	v3 =	vor.u32 v5, v3;
	_ =	sdelay $0x2  }
0x256: {  	v1 =	vadd.s32 $0xF, v1  }
0x257: {  	v63 =	vand.u32 $0xFFFFFF80, v1;
	[tilespmem:s0+$0x13C00] =	vst v4  }
0x258: {  	v1 =	vand.u32 $0x7F, v1;
	v2 =	vadd.s32 v2, v63;
	v3 =	vld.idx.msk [tilespmem:v3+s26+$0x0], $0xffff  }
0x259: {  	v1 =	vor.u32 v1, v2;
	_ =	sdelay $0x3  }
0x25a: {  	[tilespmem:s0+$0x14000] =	vst v3  }
0x25b: {  	v1 =	vld.idx.msk [tilespmem:v1+s26+$0x0], $0xffff;
	_ =	sdelay $0x1  }
0x25c: {  	s2 =	sshll.u32 s30, $0x12  }
0x25d: {  	s1 =	sor.u32 s31, s2  }
0x25e: {  	s3 =	rddreg [dreg:$0x1];
	s1 =	sshrl.u32 s1, $0x3  }
0x25f: {  	s2 =	simm.s32 $0x10600;
	[tilespmem:s0+$0x14400] =	vst v1;
	s0 =	sadd.s32 s3, s1  }
0x260: {  	[hbm4b:s0+s4] =	stream.linear.scatter [tilespmem:s2], [sflag:$0x2], $0x400, $0x38;
	[tilespmem:$0x14600] =	vst v63  }
0x261: {  	_ =	swait.ge [sflag:s24], $0x400  }
0x262: {  	[sflag:s24] =	ssyncset.done $0x0;
	s6 =	rddreg [dreg:$0x5]  }
0x263: {  	s7 =	simm.s32 $0x10A00;
	[sflag:s24] =	ssyncadd.s32 $0xFFFFFC00;
	s0 =	sadd.s32 s1, s6  }
0x264: {  	[hbm4b:s0+s4] =	stream.linear.scatter [tilespmem:s7], [sflag:$0x2], $0x400, $0x38;
	[tilespmem:$0x14600] =	vst v63  }
0x265: {  	_ =	swait.ge [sflag:s24], $0x400  }
0x266: {  	[sflag:s24] =	ssyncset.done $0x0  }
0x267: {  	s23 =	simm.s32 $0x10E00;
	s8 =	sadd.s32 s1, s9;
	[sflag:s24] =	ssyncadd.s32 $0xFFFFFC00  }
0x268: {  	[hbm4b:s8+s4] =	stream.linear.scatter [tilespmem:s23], [sflag:$0x2], $0x400, $0x38;
	[tilespmem:$0x14600] =	vst v63  }
0x269: {  	_ =	swait.ge [sflag:s24], $0x400  }
0x26a: {  	[sflag:s24] =	ssyncset.done $0x0  }
0x26b: {  	s31 =	simm.s32 $0x11200;
	s30 =	sadd.s32 s1, s10;
	[sflag:s24] =	ssyncadd.s32 $0xFFFFFC00  }
0x26c: {  	[hbm4b:s30+s4] =	stream.linear.scatter [tilespmem:s31], [sflag:$0x2], $0x400, $0x38;
	[tilespmem:$0x14600] =	vst v63  }
0x26d: {  	_ =	swait.ge [sflag:s24], $0x400  }
0x26e: {  	[sflag:s24] =	ssyncset.done $0x0  }
0x26f: {  	s3 =	simm.s32 $0x11600;
	s2 =	sadd.s32 s1, s11;
	[sflag:s24] =	ssyncadd.s32 $0xFFFFFC00  }
0x270: {  	[hbm4b:s2+s4] =	stream.linear.scatter [tilespmem:s3], [sflag:$0x2], $0x400, $0x38;
	[tilespmem:$0x14600] =	vst v63  }
0x271: {  	_ =	swait.ge [sflag:s24], $0x400  }
0x272: {  	[sflag:s24] =	ssyncset.done $0x0  }
0x273: {  	s6 =	sadd.s32 s1, s12;
	s7 =	simm.s32 $0x11A00;
	[sflag:s24] =	ssyncadd.s32 $0xFFFFFC00  }
0x274: {  	[hbm4b:s6+s4] =	stream.linear.scatter [tilespmem:s7], [sflag:$0x2], $0x400, $0x38;
	[tilespmem:$0x14600] =	vst v63  }
0x275: {  	_ =	swait.ge [sflag:s24], $0x400  }
0x276: {  	[sflag:s24] =	ssyncset.done $0x0  }
0x277: {  	s8 =	sadd.s32 s1, s13;
	s23 =	simm.s32 $0x11E00;
	[sflag:s24] =	ssyncadd.s32 $0xFFFFFC00  }
0x278: {  	[hbm4b:s8+s4] =	stream.linear.scatter [tilespmem:s23], [sflag:$0x2], $0x400, $0x38;
	[tilespmem:$0x14600] =	vst v63  }
0x279: {  	_ =	swait.ge [sflag:s24], $0x400  }
0x27a: {  	[sflag:s24] =	ssyncset.done $0x0  }
0x27b: {  	s30 =	sadd.s32 s1, s14;
	s31 =	simm.s32 $0x12200;
	[sflag:s24] =	ssyncadd.s32 $0xFFFFFC00  }
0x27c: {  	[hbm4b:s30+s4] =	stream.linear.scatter [tilespmem:s31], [sflag:$0x2], $0x400, $0x38;
	[tilespmem:$0x14600] =	vst v63  }
0x27d: {  	_ =	swait.ge [sflag:s24], $0x400  }
0x27e: {  	[sflag:s24] =	ssyncset.done $0x0  }
0x27f: {  	s2 =	sadd.s32 s1, s15;
	s3 =	simm.s32 $0x12600;
	[sflag:s24] =	ssyncadd.s32 $0xFFFFFC00  }
0x280: {  	[hbm4b:s2+s4] =	stream.linear.scatter [tilespmem:s3], [sflag:$0x2], $0x400, $0x38;
	[tilespmem:$0x14600] =	vst v63  }
0x281: {  	_ =	swait.ge [sflag:s24], $0x400  }
0x282: {  	[sflag:s24] =	ssyncset.done $0x0  }
0x283: {  	s6 =	sadd.s32 s1, s16;
	s7 =	simm.s32 $0x12A00;
	[sflag:s24] =	ssyncadd.s32 $0xFFFFFC00  }
0x284: {  	[hbm4b:s6+s4] =	stream.linear.scatter [tilespmem:s7], [sflag:$0x2], $0x400, $0x38;
	[tilespmem:$0x14600] =	vst v63  }
0x285: {  	_ =	swait.ge [sflag:s24], $0x400  }
0x286: {  	[sflag:s24] =	ssyncset.done $0x0  }
0x287: {  	s8 =	sadd.s32 s1, s17;
	s23 =	simm.s32 $0x12E00;
	[sflag:s24] =	ssyncadd.s32 $0xFFFFFC00  }
0x288: {  	[hbm4b:s8+s4] =	stream.linear.scatter [tilespmem:s23], [sflag:$0x2], $0x400, $0x38;
	[tilespmem:$0x14600] =	vst v63  }
0x289: {  	_ =	swait.ge [sflag:s24], $0x400  }
0x28a: {  	[sflag:s24] =	ssyncset.done $0x0  }
0x28b: {  	s30 =	sadd.s32 s1, s18;
	s31 =	simm.s32 $0x13200;
	[sflag:s24] =	ssyncadd.s32 $0xFFFFFC00  }
0x28c: {  	[hbm4b:s30+s4] =	stream.linear.scatter [tilespmem:s31], [sflag:$0x2], $0x400, $0x38;
	[tilespmem:$0x14600] =	vst v63  }
0x28d: {  	_ =	swait.ge [sflag:s24], $0x400  }
0x28e: {  	[sflag:s24] =	ssyncset.done $0x0  }
0x28f: {  	s2 =	sadd.s32 s1, s19;
	s3 =	simm.s32 $0x13600;
	[sflag:s24] =	ssyncadd.s32 $0xFFFFFC00  }
0x290: {  	[hbm4b:s2+s4] =	stream.linear.scatter [tilespmem:s3], [sflag:$0x2], $0x400, $0x38;
	[tilespmem:$0x14600] =	vst v63  }
0x291: {  	_ =	swait.ge [sflag:s24], $0x400  }
0x292: {  	[sflag:s24] =	ssyncset.done $0x0  }
0x293: {  	s6 =	sadd.s32 s1, s20;
	s7 =	simm.s32 $0x13A00;
	[sflag:s24] =	ssyncadd.s32 $0xFFFFFC00  }
0x294: {  	[hbm4b:s6+s4] =	stream.linear.scatter [tilespmem:s7], [sflag:$0x2], $0x400, $0x38;
	[tilespmem:$0x14600] =	vst v63  }
0x295: {  	_ =	swait.ge [sflag:s24], $0x400  }
0x296: {  	[sflag:s24] =	ssyncset.done $0x0  }
0x297: {  	s8 =	sadd.s32 s1, s21;
	s23 =	simm.s32 $0x13E00;
	[sflag:s24] =	ssyncadd.s32 $0xFFFFFC00  }
0x298: {  	[hbm4b:s8+s4] =	stream.linear.scatter [tilespmem:s23], [sflag:$0x2], $0x400, $0x38;
	[tilespmem:$0x14600] =	vst v63  }
0x299: {  	s29 =	sadd.s32 $0x1, s29;
	_ =	swait.ge [sflag:s24], $0x400  }
0x29a: {  	p0 =	sne.s32 s29, $0xD;
	s30 =	sadd.s32 s1, s22;
	[sflag:s24] =	ssyncset.done $0x0  }
.Ltmp2:
0x29b: {  	s31 =	simm.s32 $0x14200;
	[sflag:s24] =	ssyncadd.s32 $0xFFFFFC00;
	(pc) =	sbr.rel @p0 .LBB2_2-.Ltmp2, $4  }
0x29c: {  	[hbm4b:s30+s4] =	stream.linear.scatter [tilespmem:s31], [sflag:$0x2], $0x400, $0x38;
	[tilespmem:$0x14600] =	vst v63  }
0x29d: {  	_ =	swait.ge [sflag:s24], $0x400  }
0x29e: {  	[sflag:s24] =	ssyncset.done $0x0  }
0x29f: {  	[sflag:s24] =	ssyncadd.s32 $0xFFFFFC00  }
0x2a0: {  	s1 =	rddreg [dreg:$0x7]  }
0x2a1: {  	s0 =	rddreg [dreg:$0x6];
	s1 =	sadd.s32 $0x1, s1  }
0x2a2: {  	p0 =	sne.s32 s1, s0  }
.Ltmp3:
0x2a3: {  	_ = 	snop;
	(pc) =	sbr.rel @p0 .LBB2_1-.Ltmp3, $1  }
0x2a4: {  	_ =	sdelay $0x3  }
0x2a5: {  	_ =	sfence.sel $0x180000  }
0x2a6: {  	[bflag:$0x0] =	sbarrier.arrive $0xFFFF  }
0x2a7: {  	_ =	strace $0x90000047  }
0x2a8: {  	s0 =	stileid.u32;
	[bflag:$0x2] =	sbarrier.arrive $0xFFFF  }
0x2a9: {  	p0 =	sne.s32 s0, $0x0;
	s0 =	rddreg [dreg:$0x2]  }
0x2aa: {  	s0 =	sadd.s32 @!p0 $0x100000, s0  }
0x2ab: {  	[sflag:s0] =	ssyncadd.tile.s32 @!p0 $0x1;
	_ =	shalt  }
.Lfunc_end2:
_tile_overlayer_lowered:
.L_overlay_start_2:
0x2ac: {  	(tag) =	ssettag $0x2  }
0x2ad: {  	s0 =	rddreg [dreg:$0x0];
	s2 =	stileid.u32  }
0x2ae: {  	s1 =	rddreg [dreg:$0x1];
	p0 =	sne.s32 s2, $0x0  }
0x2af: {  	s3 =	rddreg [dreg:$0x2];
	[bflag:$0x3] =	sbarrier.arrive $0xFFFF;
	s2 =	simm.s32 @!p0 $0x1C02  }
0x2b0: {  	[timem:s3], [sflag:s2] =	dma.local @!p0 [hbm:s0], s1  }
0x2b1: {  	s0 =	simm.s32 @!p0 $0x2  }
0x2b2: {  	_ =	swait.ge @!p0 [sflag:s0], s1  }
0x2b3: {  	s1 =	ssub.s32 @!p0 $0x0, s1;
	[sflag:s0] =	ssyncset.done @!p0 $0x0  }
0x2b4: {  	[sflag:s0] =	ssyncadd.s32 @!p0 s1  }
0x2b5: {  	[bflag:$0x3] =	sbarrier.arrive $0xFFFF  }
0x2b6: {  	_ =	shalt  }

// kernel: kernel.8.cloned.1.call-start
scs
__scs_entry_jumppad:
0x0: {  	(pc) =	sbr.rel $0x88, $3  }
0x1: {  	(tag) =	ssettag $0x0;
	lr =	simm.s32 $0x1  }
0x2: {  	[smem:$0x3F9D] =	sst lr;
	_ =	strace $0xD0000000  }
0x3: {  	_ = 	snop  }
0x4: {  	_ = 	snop  }
0x5: {  	_ = 	snop  }
0x6: {  	_ = 	snop  }
0x7: {  	_ = 	snop  }
__scs_overlays_trampoline_lowered:
0x8: {  	[smem:$0x3FAC] =	sst s0  }
0x9: {  	[smem:$0x3FAD] =	sst s1  }
0xa: {  	[smem:$0x3FAE] =	sst s2  }
0xb: {  	[smem:$0x3FAF] =	sst s3  }
0xc: {  	[smem:$0x3FB0] =	sst s4  }
0xd: {  	[smem:$0x3FB1] =	sst s5  }
0xe: {  	[smem:$0x3FB2] =	sst s6  }
0xf: {  	[smem:$0x3FB3] =	sst s7  }
0x10: {  	[smem:$0x3FB4] =	sst s8  }
0x11: {  	[smem:$0x3FB5] =	sst s9;
	s0 =	simm.s32 @!p0 $0x0  }
0x12: {  	s1 =	sld [smem:$0x3F9B];
	s0 =	simm.s32 @p0 $0x1  }
0x13: {  	[smem:$0x3FB6] =	sst s0;
	s0 =	simm.s32 @!p1 $0x0  }
0x14: {  	s2 =	sld [smem:$0x3F9A];
	s0 =	simm.s32 @p1 $0x1  }
0x15: {  	[smem:$0x3FB7] =	sst s0;
	s0 =	simm.s32 @!p2 $0x0  }
0x16: {  	s3 =	sld [smem:$0x3FDB];
	s0 =	simm.s32 @p2 $0x1  }
0x17: {  	s4 =	simm.s32 $0x1BF5;
	[smem:$0x3FB9] =	sst s0  }
0x18: {  	s0 =	sld [smem:$0x3F9C];
	_ =	swait.ge [sflag:s4], $0x0  }
0x19: {  	s7 =	sld [smem:$0x3F9D]  }
0x1a: {  	s8 =	sadd.s32 $0xFFFFE003, lr  }
0x1b: {  	s9 =	sadd.s32 $0xFFFFFEF7, lr;
	s5 =	simm.s32 $0xFFFFFFFF;
	p2 =	slt.u32 s8, $0xFFFFF086  }
0x1c: {  	p1 =	slt.u32 s9, $0xF7A;
	s5 =	simm.s32 @!p2 $0x0  }
0x1d: {  	s5 =	simm.s32 @p1 $0x1;
	p0 =	seq.s32 s7, s2  }
0x1e: {  	s7 =	smul.u32 @!p0 $0xF7A, s2;
	p2 =	seq.s32 @!p0 s5, $0x0  }
0x1f: {  	s9 =	smul.u32 $0xF7A, s1;
	s8 =	simm.s32 @!p0 $0x1BF5;
	p2 =	por !p2, p0  }
0x20: {  	[sflag:s8] =	ssyncset.s32 @!p0 $0xFFFFF086;
	s6 =	sadd.s32 @!p0 s3, s7;
	s7 =	simm.s32 @!p0 $0x108  }
0x21: {  	s3 =	sadd.s32 s3, s9;
	s6 =	sadd.s32 @!p0 $0x88, s6;
	s7 =	simm.s32 @p2 $0x1082  }
0x22: {  	[simem:s7], [sflag:s8] =	dma.local @!p0 [hbm:s6], $0xF7A  }
0x23: {  	s9 =	sor.u32 $0xD0000000, s2;
	s6 =	simm.s32 $0x108;
	_ =	swait.ge @!p0 [sflag:s8], $0x0  }
0x24: {  	s3 =	sadd.s32 $0x88, s3;
	s6 =	simm.s32 @!p1 $0x1082;
	[sflag:s4] =	ssyncset.s32 $0xFFFFF086  }
0x25: {  	[simem:s6], [sflag:s4] =	dma.local [hbm:s3], $0xF7A  }
0x26: {  	[smem:$0x3F9D] =	sst s1;
	(tag) =	ssettag s2;
	_ =	strace s9  }
0x27: {  	s1 =	sld [smem:$0x3FAD]  }
0x28: {  	s2 =	sld [smem:$0x3FAE]  }
0x29: {  	s4 =	sld [smem:$0x3FB0]  }
0x2a: {  	p0 =	seq.s32 s5, $0x0;
	s5 =	sld [smem:$0x3FB1]  }
0x2b: {  	s6 =	sld [smem:$0x3FB2]  }
0x2c: {  	s7 =	sld [smem:$0x3FB3]  }
0x2d: {  	s3 =	simm.s32 $0x108;
	s8 =	sld [smem:$0x3FB4]  }
0x2e: {  	s3 =	simm.s32 @!p0 $0x1082;
	s9 =	sld [smem:$0x3FB5]  }
0x2f: {  	lr =	sadd.s32 s0, s3;
	s0 =	sld [smem:$0x3FAC]  }
0x30: {  	s3 =	sld [smem:$0x3FAF]  }
0x31: {  	[smem:$0x3FB8] =	sst s10  }
0x32: {  	s10 =	sld [smem:$0x3FB6];
	_ =	sdelay $0x3  }
0x33: {  	p0 =	seq.s32 s10, $0x1;
	s10 =	sld [smem:$0x3FB8];
	_ =	sdelay $0x3  }
0x34: {  	[smem:$0x3FB8] =	sst s10  }
0x35: {  	s10 =	sld [smem:$0x3FB7];
	_ =	sdelay $0x3  }
0x36: {  	p1 =	seq.s32 s10, $0x1;
	s10 =	sld [smem:$0x3FB8];
	_ =	sdelay $0x3  }
0x37: {  	[smem:$0x3FB8] =	sst s10  }
0x38: {  	s10 =	sld [smem:$0x3FB9]  }
0x39: {  	_ = 	snop;
	(pc) =	sbr.ind lr, $3  }
0x3a: {  	_ = 	snop  }
0x3b: {  	_ = 	snop  }
0x3c: {  	p2 =	seq.s32 s10, $0x1;
	s10 =	sld [smem:$0x3FB8]  }
0x3d: {  	_ =	shalt  }
0x3e: {  	_ =	shalt  }
0x3f: {  	_ =	shalt  }
0x40: {  	_ =	shalt  }
0x41: {  	_ =	shalt  }
0x42: {  	_ =	shalt  }
0x43: {  	_ =	shalt  }
0x44: {  	_ =	shalt  }
0x45: {  	_ =	shalt  }
0x46: {  	_ =	shalt  }
0x47: {  	_ =	shalt  }
0x48: {  	_ =	shalt  }
0x49: {  	_ =	shalt  }
0x4a: {  	_ =	shalt  }
0x4b: {  	_ =	shalt  }
0x4c: {  	_ =	shalt  }
0x4d: {  	_ =	shalt  }
0x4e: {  	_ =	shalt  }
0x4f: {  	_ =	shalt  }
0x50: {  	_ =	shalt  }
0x51: {  	_ =	shalt  }
0x52: {  	_ =	shalt  }
0x53: {  	_ =	shalt  }
0x54: {  	_ =	shalt  }
0x55: {  	_ =	shalt  }
0x56: {  	_ =	shalt  }
0x57: {  	_ =	shalt  }
0x58: {  	_ =	shalt  }
0x59: {  	_ =	shalt  }
0x5a: {  	_ =	shalt  }
0x5b: {  	_ =	shalt  }
0x5c: {  	_ =	shalt  }
0x5d: {  	_ =	shalt  }
0x5e: {  	_ =	shalt  }
0x5f: {  	_ =	shalt  }
0x60: {  	_ =	shalt  }
0x61: {  	_ =	shalt  }
0x62: {  	_ =	shalt  }
0x63: {  	_ =	shalt  }
0x64: {  	_ =	shalt  }
0x65: {  	_ =	shalt  }
0x66: {  	_ =	shalt  }
0x67: {  	_ =	shalt  }
0x68: {  	_ =	shalt  }
0x69: {  	_ =	shalt  }
0x6a: {  	_ =	shalt  }
0x6b: {  	_ =	shalt  }
0x6c: {  	_ =	shalt  }
0x6d: {  	_ =	shalt  }
0x6e: {  	_ =	shalt  }
0x6f: {  	_ =	shalt  }
0x70: {  	_ =	shalt  }
0x71: {  	_ =	shalt  }
0x72: {  	_ =	shalt  }
0x73: {  	_ =	shalt  }
0x74: {  	_ =	shalt  }
0x75: {  	_ =	shalt  }
0x76: {  	_ =	shalt  }
0x77: {  	_ =	shalt  }
0x78: {  	_ =	shalt  }
0x79: {  	_ =	shalt  }
0x7a: {  	_ =	shalt  }
0x7b: {  	_ =	shalt  }
0x7c: {  	_ =	shalt  }
0x7d: {  	_ =	shalt  }
0x7e: {  	_ =	shalt  }
0x7f: {  	_ =	shalt  }
0x80: {  	_ =	shalt  }
0x81: {  	_ =	shalt  }
0x82: {  	_ =	shalt  }
0x83: {  	_ =	shalt  }
0x84: {  	_ =	shalt  }
0x85: {  	_ =	shalt  }
0x86: {  	_ =	shalt  }
0x87: {  	_ =	shalt  }
.Lfunc_end0:
.L_simem_size_0:
called_computation.1_lowered:
.L_overlay_start_0:
0x88: {  	s2 =	sld [smem:$0x3FD9]  }
0x89: {  	s3 =	sld [smem:$0x3FFE];
	_ =	sdelay $0x1  }
0x8a: {  	s1 =	srdreg.scid  }
0x8b: {  	s0 =	sand.u32 $0x1, s1  }
0x8c: {  	s16 =	sshll.u32 s0, $0xA;
	s2 =	sadd.s32 s3, s2  }
0x8d: {  	s2 =	sadd.s32 s2, s16  }
0x8e: {  	[smem:$0x3FC4] =	sst s2  }
0x8f: {  	_ = 	snop  }
0x90: {  	(tm) =	ssettm $0x1  }
0x91: {  	s17 =	sld [smem:$0x3FFB];
	_ =	sdelay $0x3  }
0x92: {  	_ =	strace s17  }
0x93: {  	s2 =	sld [smem:$0x3FFC];
	_ =	sdelay $0x3  }
0x94: {  	_ =	strace s2  }
0x95: {  	s2 =	sld [smem:$0x3FFD];
	_ =	sdelay $0x3  }
0x96: {  	_ =	strace s2  }
0x97: {  	_ =	strace $0x8FFFFFFF  }
0x98: {  	s18 =	sld [smem:$0x3FDB];
	_ =	sdelay $0x1  }
0x99: {  	s19 =	simm.s32 $_scs_section_size  }
0x9a: {  	s4 =	simm.s32 $_size__tile_overlayer_lowered;
	s5 =	simm.s32 $_tile_overlayer_lowered  }
0x9b: {  	s22 =	simm.s32 $0x1BFF;
	s21 =	sshll.u32 s5, $0x1;
	s2 =	sadd.s32 s19, s18  }
0x9c: {  	s6 =	simm.s32 $0x0;
	s20 =	sshll.u32 s4, $0x1;
	s4 =	sadd.s32 s21, s2  }
0x9d: {  	[timem:s6], [sflag:s22] =	dma.local [hbm:s4], s20  }
0x9e: {  	_ =	swait.ge [sflag:s22], s20  }
0x9f: {  	s3 =	ssub.s32 $0x0, s20;
	[sflag:s22] =	ssyncset.done $0x0  }
0xa0: {  	[sflag:s22] =	ssyncadd.s32 s3;
	_ =	sdelay $0x1  }
0xa1: {  	s23 =	simm.s32 $0x1B8B  }
0xa2: {  	_ =	swait.ge [sflag:s23], $0x1  }
0xa3: {  	[sflag:s23] =	ssyncset.done $0x0  }
0xa4: {  	s25 =	simm.s32 $0x1B8E;
	s24 =	sld [smem:$0x3FFE];
	[sflag:s23] =	ssyncadd.s32 $0xFFFFFFFF  }
0xa5: {  	s26 =	simm.s32 $execute0_lowered;
	[smem:$0x3FD2] =	sst s25  }
0xa6: {  	s4 =	sshll.u32 s26, $0x1;
	_ =	strace $0x80000049;
	[dreg:$0x1] =	wrdreg $0xFFFFFFFF  }
0xa7: {  	s28 =	simm.s32 $_size_execute0_lowered;
	s2 =	sadd.s32 s2, s4;
	[dreg:$0x0] =	wrdreg $0x0  }
0xa8: {  	s4 =	sshll.u32 s28, $0x1;
	[dreg:$0x2] =	wrdreg s2  }
0xa9: {  	[dreg:$0x3] =	wrdreg s4  }
0xaa: {  	[dreg:$0x4] =	wrdreg $0xC0  }
0xab: {  	_ =	task [dreg:s6], $0x5FFFF  }
0xac: {  	[dreg:$0x1] =	wrdreg $0xFFFFFFFF  }
0xad: {  	[dreg:$0x0] =	wrdreg $0x60  }
0xae: {  	[dreg:$0x2] =	wrdreg s24  }
0xaf: {  	[dreg:$0x3] =	wrdreg $0x9  }
0xb0: {  	_ =	task.clear_ibuf [dreg:s6], $0x4FFFF;
	_ =	strace $0x90000049  }
0xb1: {  	s29 =	simm.s32 $0x9;
	_ =	strace $0x8000004B  }
0xb2: {  	_ =	swait.ge [sflag:s29], $0x1  }
0xb3: {  	[sflag:s29] =	ssyncadd.s32 $0xFFFFFFFF  }
0xb4: {  	_ =	strace $0x9000004B  }
0xb5: {  	_ =	sfence  }
0xb6: {  	s30 =	sld [smem:$0x0];
	_ =	sdelay $0x2  }
0xb7: {  	s31 =	sshll.u32 s1, $0xD;
	s1 =	sshrl.u32 s1, $0x2  }
0xb8: {  	s3 =	sand.u32 $0x4000, s31;
	s1 =	sadd.s32 s1, s30  }
0xb9: {  	s0 =	sor.u32 s3, s0;
	s1 =	sshll.u32 s1, $0x11  }
0xba: {  	s0 =	sor.u32 s1, s0  }
0xbb: {  	s0 =	sadd.s32 $0x8F2B, s0  }
0xbc: {  	[sflag:s0] =	ssyncadd.remote.s32 $0x1  }
0xbd: {  	_ =	sfence.sel $0xFFFF  }
0xbe: {  	[dreg:$0x0] =	wrdreg $0xFFFFFFFF;
	(pc) =	sbr.abs _section_cstart, $3  }
0xbf: {  	[dreg:$0x1] =	wrdreg $0xFFFFFFFF  }
0xc0: {  	_ =	task.clear_ibuf [dreg:s6], $0x2FFFF;
	_ =	strace $0x9FFFFFFF  }
0xc1: {  	(tm) =	ssettm $0x7FFFFFFF  }
tec
execute0_lowered:
.L_overlay_start_1:
0x0: {  	(tag) =	ssettag $0x1  }
0x1: {  	s1 =	rddreg [dreg:$0x0]  }
0x2: {  	s0 =	rddreg [dreg:$0x1];
	s2 =	simm.s32 $0x0;
	s3 =	srdreg.scid  }
0x3: {  	s11 =	simm.s32 $0x4000;
	s12 =	simm.s32 $0x1;
	s13 =	simm.s32 $0x2  }
0x4: {  	s14 =	simm.s32 $0x8000;
	s15 =	simm.s32 $0x0;
	[smem:$0x7FF] =	sst s2  }
0x5: {  	s7 =	sand.u32 $0x1, s3;
	s4 =	sadd.s32 $0x1A0000, s1;
	s3 =	stileid.u32  }
0x6: {  	s5 =	sadd.s32 $0xD0000, s1;
	s6 =	sadd.s32 $0x270000, s1;
	s8 =	ssub.s32 $0x2, s7  }
0x7: {  	_ =	strace $0x8000004A;
	s10 =	sshll.u32 s3, $0x1;
	s9 =	sshrl.u32 s8, $0x1  }
0x8: {  	s7 =	sor.u32 s7, s10;
	s10 =	simm.s32 $0x3;
	s8 =	ssub.s32 s8, s9  }
0x9: {  	s7 =	smul.u32 $0xD, s7;
	s9 =	simm.s32 $0xC000;
	s8 =	smax.u32 s8, $0x1  }
.LBB2_1:
0xa: {  	[tilespmem:s9], [sflag:$0x3] =	stream.linear.gather [hbm4b:s5+s2], $0x200, $0x38;
	[tilespmem:$0xC200] =	vst v63  }
0xb: {  	_ =	swait.ge [sflag:s10], $0x200  }
0xc: {  	[sflag:s10] =	ssyncset.done $0x0  }
0xd: {  	s16 =	simm.s32 $0x0;
	[sflag:s10] =	ssyncadd.s32 $0xFFFFFE00  }
.LBB2_2:
0xe: {  	s18 =	sadd.s32 s7, s16  }
0xf: {  	s17 =	sshll.u32 s18, $0xB  }
0x10: {  	s20 =	simm.s32 $0x0;
	s19 =	sadd.s32 s1, s17  }
0x11: {  	[tilespmem:s20], [sflag:$0x1] =	stream.linear.gather [hbm4b:s19+s20], $0x4000, $0x38;
	[tilespmem:$0xC200] =	vst v63  }
0x12: {  	s31 =	sadd.s32 s4, s17  }
0x13: {  	[tilespmem:s11], [sflag:$0x2] =	stream.linear.gather [hbm4b:s31+s20], $0x4000, $0x38;
	[tilespmem:$0xC200] =	vst v63  }
0x14: {  	_ =	swait.ge [sflag:s12], $0x4000  }
0x15: {  	v0 =	vmov s18;
	[sflag:s12] =	ssyncset.done $0x0  }
0x16: {  	[sflag:s12] =	ssyncadd.s32 $0xFFFFC000  }
0x17: {  	_ =	swait.ge [sflag:s13], $0x4000  }
0x18: {  	[sflag:s13] =	ssyncset.done $0x0  }
0x19: {  	[sflag:s13] =	ssyncadd.s32 $0xFFFFC000  }
0x1a: {  	v0 =	vld.idx.msk [tilespmem:v0+s9+$0x0], $0xffff;
	_ =	sdelay $0x4  }
0x1b: {  	v0 =	vmul.f32 $-5.000000000e+00, v0;
	_ =	sdelay $0x1  }
0x1c: {  	v0 =	vmul.f32 $1.442695020e+00, v0;
	_ =	sdelay $0x1  }
0x1d: {  	(erf) = vpow2.f32 v0;
	_ =	sdelay $0x4  }
0x1e: {  	s18 =	simm.s32 $0x0  }
0x1f: {  	v0 =	vld [tilespmem:s18+$0x4000];
	_ =	sdelay $0x2  }
0x20: {  	v1 =	vpop (erf)  }
0x21: {  	v1 =	vadd.f32 $1.000000000e+00, v1;
	_ =	sdelay $0x1  }
0x22: {  	(erf) = vrcp.f32 v1;
	_ =	sdelay $0x1  }
0x23: {  	v1 =	vld.idx.msk [tilespmem:v0+s2+$0x0], $0xffff  }
0x24: {  	v0 =	vld [tilespmem:s18+$0x0];
	_ =	sdelay $0x3  }
0x25: {  	v2 =	vld [tilespmem:s18+$0x4010]  }
0x26: {  	v3 =	vsub.f32 v0, v1  }
0x27: {  	v0 =	vpop (erf)  }
0x28: {  	v3 =	vmul.f32 v3, v0;
	_ =	sdelay $0x1  }
0x29: {  	v1 =	vadd.f32 v3, v1;
	_ =	sdelay $0x1  }
0x2a: {  	[tilespmem:s18+$0x8000] =	vst v1  }
0x2b: {  	v1 =	vld.idx.msk [tilespmem:v2+s2+$0x0], $0xffff  }
0x2c: {  	v2 =	vld [tilespmem:s18+$0x10];
	_ =	sdelay $0x3  }
0x2d: {  	v3 =	vld [tilespmem:s18+$0x4020]  }
0x2e: {  	v2 =	vsub.f32 v2, v1;
	_ =	sdelay $0x1  }
0x2f: {  	v2 =	vmul.f32 v2, v0;
	_ =	sdelay $0x1  }
0x30: {  	v1 =	vadd.f32 v2, v1;
	_ =	sdelay $0x1  }
0x31: {  	v2 =	vld [tilespmem:s18+$0x20];
	[tilespmem:s18+$0x8010] =	vst v1  }
0x32: {  	v1 =	vld.idx.msk [tilespmem:v3+s2+$0x0], $0xffff;
	_ =	sdelay $0x3  }
0x33: {  	v3 =	vld [tilespmem:s18+$0x4030]  }
0x34: {  	v2 =	vsub.f32 v2, v1;
	_ =	sdelay $0x1  }
0x35: {  	v2 =	vmul.f32 v2, v0;
	_ =	sdelay $0x1  }
0x36: {  	v1 =	vadd.f32 v2, v1;
	_ =	sdelay $0x1  }
0x37: {  	v2 =	vld [tilespmem:s18+$0x30];
	[tilespmem:s18+$0x8020] =	vst v1  }
0x38: {  	v1 =	vld.idx.msk [tilespmem:v3+s2+$0x0], $0xffff;
	_ =	sdelay $0x3  }
0x39: {  	v3 =	vld [tilespmem:s18+$0x4040]  }
0x3a: {  	v2 =	vsub.f32 v2, v1;
	_ =	sdelay $0x1  }
0x3b: {  	v2 =	vmul.f32 v2, v0;
	_ =	sdelay $0x1  }
0x3c: {  	v1 =	vadd.f32 v2, v1;
	_ =	sdelay $0x1  }
0x3d: {  	v2 =	vld [tilespmem:s18+$0x40];
	[tilespmem:s18+$0x8030] =	vst v1  }
0x3e: {  	v1 =	vld.idx.msk [tilespmem:v3+s2+$0x0], $0xffff;
	_ =	sdelay $0x3  }
0x3f: {  	v3 =	vld [tilespmem:s18+$0x4050]  }
0x40: {  	v2 =	vsub.f32 v2, v1;
	_ =	sdelay $0x1  }
0x41: {  	v2 =	vmul.f32 v2, v0;
	_ =	sdelay $0x1  }
0x42: {  	v1 =	vadd.f32 v2, v1;
	_ =	sdelay $0x1  }
0x43: {  	v2 =	vld [tilespmem:s18+$0x50];
	[tilespmem:s18+$0x8040] =	vst v1  }
0x44: {  	v1 =	vld.idx.msk [tilespmem:v3+s2+$0x0], $0xffff;
	_ =	sdelay $0x3  }
0x45: {  	v3 =	vld [tilespmem:s18+$0x4060]  }
0x46: {  	v2 =	vsub.f32 v2, v1;
	_ =	sdelay $0x1  }
0x47: {  	v2 =	vmul.f32 v2, v0;
	_ =	sdelay $0x1  }
0x48: {  	v1 =	vadd.f32 v2, v1;
	_ =	sdelay $0x1  }
0x49: {  	v2 =	vld [tilespmem:s18+$0x60];
	[tilespmem:s18+$0x8050] =	vst v1  }
0x4a: {  	v1 =	vld.idx.msk [tilespmem:v3+s2+$0x0], $0xffff;
	_ =	sdelay $0x3  }
0x4b: {  	v3 =	vld [tilespmem:s18+$0x4070]  }
0x4c: {  	v2 =	vsub.f32 v2, v1;
	_ =	sdelay $0x1  }
0x4d: {  	v2 =	vmul.f32 v2, v0;
	_ =	sdelay $0x1  }
0x4e: {  	v1 =	vadd.f32 v2, v1;
	_ =	sdelay $0x1  }
0x4f: {  	v2 =	vld [tilespmem:s18+$0x70];
	[tilespmem:s18+$0x8060] =	vst v1  }
0x50: {  	v1 =	vld.idx.msk [tilespmem:v3+s2+$0x0], $0xffff;
	_ =	sdelay $0x2  }
0x51: {  	s19 =	simm.s32 $0x400;
	s20 =	simm.s32 $0x80  }
.LBB2_3:
0x52: {  	p0 =	sne.s32 s19, $0xFE00;
	v3 =	vld [tilespmem:s20+$0x4000]  }
0x53: {  	v2 =	vsub.f32 v2, v1;
	_ =	sdelay $0x1  }
0x54: {  	v2 =	vmul.f32 v2, v0;
	_ =	sdelay $0x1  }
0x55: {  	v1 =	vadd.f32 v2, v1;
	_ =	sdelay $0x1  }
0x56: {  	[tilespmem:s18+$0x8070] =	vst v1;
	s18 =	smov.u32 s20  }
0x57: {  	v1 =	vld.idx.msk [tilespmem:v3+s2+$0x0], $0xffff  }
0x58: {  	v2 =	vld [tilespmem:s18+$0x0];
	_ =	sdelay $0x3  }
0x59: {  	v3 =	vld [tilespmem:s18+$0x4010]  }
0x5a: {  	v2 =	vsub.f32 v2, v1;
	_ =	sdelay $0x1  }
0x5b: {  	v2 =	vmul.f32 v2, v0;
	_ =	sdelay $0x1  }
0x5c: {  	v1 =	vadd.f32 v2, v1;
	_ =	sdelay $0x1  }
0x5d: {  	[tilespmem:s18+$0x8000] =	vst v1  }
0x5e: {  	v1 =	vld.idx.msk [tilespmem:v3+s2+$0x0], $0xffff  }
0x5f: {  	v2 =	vld [tilespmem:s18+$0x10];
	_ =	sdelay $0x3  }
0x60: {  	v3 =	vld [tilespmem:s18+$0x4020]  }
0x61: {  	v2 =	vsub.f32 v2, v1;
	_ =	sdelay $0x1  }
0x62: {  	v2 =	vmul.f32 v2, v0;
	_ =	sdelay $0x1  }
0x63: {  	v1 =	vadd.f32 v2, v1;
	_ =	sdelay $0x1  }
0x64: {  	[tilespmem:s18+$0x8010] =	vst v1  }
0x65: {  	v1 =	vld.idx.msk [tilespmem:v3+s2+$0x0], $0xffff  }
0x66: {  	v2 =	vld [tilespmem:s18+$0x20];
	_ =	sdelay $0x3  }
0x67: {  	v3 =	vld [tilespmem:s18+$0x4030]  }
0x68: {  	v2 =	vsub.f32 v2, v1;
	_ =	sdelay $0x1  }
0x69: {  	v2 =	vmul.f32 v2, v0;
	_ =	sdelay $0x1  }
0x6a: {  	v1 =	vadd.f32 v2, v1;
	_ =	sdelay $0x1  }
0x6b: {  	[tilespmem:s18+$0x8020] =	vst v1  }
0x6c: {  	v1 =	vld.idx.msk [tilespmem:v3+s2+$0x0], $0xffff  }
0x6d: {  	v2 =	vld [tilespmem:s18+$0x30];
	_ =	sdelay $0x3  }
0x6e: {  	v3 =	vld [tilespmem:s18+$0x4040]  }
0x6f: {  	v2 =	vsub.f32 v2, v1;
	_ =	sdelay $0x1  }
0x70: {  	v2 =	vmul.f32 v2, v0;
	_ =	sdelay $0x1  }
0x71: {  	v1 =	vadd.f32 v2, v1;
	_ =	sdelay $0x1  }
0x72: {  	[tilespmem:s18+$0x8030] =	vst v1  }
0x73: {  	v1 =	vld.idx.msk [tilespmem:v3+s2+$0x0], $0xffff  }
0x74: {  	v2 =	vld [tilespmem:s18+$0x40];
	_ =	sdelay $0x3  }
0x75: {  	v3 =	vld [tilespmem:s18+$0x4050]  }
0x76: {  	v2 =	vsub.f32 v2, v1;
	_ =	sdelay $0x1  }
0x77: {  	v2 =	vmul.f32 v2, v0;
	_ =	sdelay $0x1  }
0x78: {  	v1 =	vadd.f32 v2, v1;
	_ =	sdelay $0x1  }
0x79: {  	[tilespmem:s18+$0x8040] =	vst v1  }
0x7a: {  	v1 =	vld.idx.msk [tilespmem:v3+s2+$0x0], $0xffff  }
0x7b: {  	v2 =	vld [tilespmem:s18+$0x50];
	_ =	sdelay $0x3  }
0x7c: {  	v3 =	vld [tilespmem:s18+$0x4060]  }
0x7d: {  	v2 =	vsub.f32 v2, v1;
	_ =	sdelay $0x1  }
0x7e: {  	v2 =	vmul.f32 v2, v0;
	_ =	sdelay $0x1  }
0x7f: {  	v1 =	vadd.f32 v2, v1;
	_ =	sdelay $0x1  }
0x80: {  	[tilespmem:s18+$0x8050] =	vst v1  }
0x81: {  	v1 =	vld.idx.msk [tilespmem:v3+s2+$0x0], $0xffff  }
0x82: {  	v2 =	vld [tilespmem:s18+$0x60];
	_ =	sdelay $0x3  }
0x83: {  	v3 =	vld [tilespmem:s18+$0x4070]  }
0x84: {  	v2 =	vsub.f32 v2, v1;
	_ =	sdelay $0x1  }
0x85: {  	v2 =	vmul.f32 v2, v0;
	_ =	sdelay $0x1  }
0x86: {  	v1 =	vadd.f32 v2, v1;
	_ =	sdelay $0x1  }
0x87: {  	[tilespmem:s18+$0x8060] =	vst v1  }
.Ltmp0:
0x88: {  	v1 =	vld.idx.msk [tilespmem:v3+s2+$0x0], $0xffff;
	(pc) =	sbr.rel @p0 .LBB2_3-.Ltmp0, $2  }
0x89: {  	v2 =	vld [tilespmem:s18+$0x70];
	_ =	sdelay $0x2  }
0x8a: {  	s20 =	sshra.s32 s19, $0x2;
	s19 =	sadd.s32 $0x200, s19  }
0x8b: {  	v3 =	vld [tilespmem:s20+$0x4000]  }
0x8c: {  	v2 =	vsub.f32 v2, v1;
	_ =	sdelay $0x1  }
0x8d: {  	v2 =	vmul.f32 v2, v0;
	_ =	sdelay $0x1  }
0x8e: {  	v47 =	vadd.f32 v2, v1;
	_ =	sdelay $0x1  }
0x8f: {  	[tilespmem:s18+$0x8070] =	vst v47  }
0x90: {  	v1 =	vld.idx.msk [tilespmem:v3+s2+$0x0], $0xffff  }
0x91: {  	v48 =	vld [tilespmem:s20+$0x0];
	_ =	sdelay $0x3  }
0x92: {  	v49 =	vld [tilespmem:s20+$0x4010]  }
0x93: {  	v2 =	vsub.f32 v48, v1;
	_ =	sdelay $0x1  }
0x94: {  	v2 =	vmul.f32 v2, v0;
	_ =	sdelay $0x1  }
0x95: {  	v1 =	vadd.f32 v2, v1;
	_ =	sdelay $0x1  }
0x96: {  	v50 =	vld [tilespmem:s20+$0x10];
	[tilespmem:s20+$0x8000] =	vst v1  }
0x97: {  	v1 =	vld.idx.msk [tilespmem:v49+s2+$0x0], $0xffff;
	_ =	sdelay $0x3  }
0x98: {  	v51 =	vld [tilespmem:s20+$0x4020]  }
0x99: {  	v2 =	vsub.f32 v50, v1;
	_ =	sdelay $0x1  }
0x9a: {  	v2 =	vmul.f32 v2, v0;
	_ =	sdelay $0x1  }
0x9b: {  	v1 =	vadd.f32 v2, v1;
	_ =	sdelay $0x1  }
0x9c: {  	v52 =	vld [tilespmem:s20+$0x20];
	[tilespmem:s20+$0x8010] =	vst v1  }
0x9d: {  	v1 =	vld.idx.msk [tilespmem:v51+s2+$0x0], $0xffff;
	_ =	sdelay $0x3  }
0x9e: {  	v53 =	vld [tilespmem:s20+$0x4030]  }
0x9f: {  	v2 =	vsub.f32 v52, v1;
	_ =	sdelay $0x1  }
0xa0: {  	v2 =	vmul.f32 v2, v0;
	_ =	sdelay $0x1  }
0xa1: {  	v1 =	vadd.f32 v2, v1;
	_ =	sdelay $0x1  }
0xa2: {  	v54 =	vld [tilespmem:s20+$0x30];
	[tilespmem:s20+$0x8020] =	vst v1  }
0xa3: {  	v1 =	vld.idx.msk [tilespmem:v53+s2+$0x0], $0xffff;
	_ =	sdelay $0x3  }
0xa4: {  	v55 =	vld [tilespmem:s20+$0x4040]  }
0xa5: {  	v2 =	vsub.f32 v54, v1;
	_ =	sdelay $0x1  }
0xa6: {  	v2 =	vmul.f32 v2, v0;
	_ =	sdelay $0x1  }
0xa7: {  	v1 =	vadd.f32 v2, v1;
	_ =	sdelay $0x1  }
0xa8: {  	v56 =	vld [tilespmem:s20+$0x40];
	[tilespmem:s20+$0x8030] =	vst v1  }
0xa9: {  	v1 =	vld.idx.msk [tilespmem:v55+s2+$0x0], $0xffff;
	_ =	sdelay $0x3  }
0xaa: {  	v57 =	vld [tilespmem:s20+$0x4050]  }
0xab: {  	v2 =	vsub.f32 v56, v1;
	_ =	sdelay $0x1  }
0xac: {  	v2 =	vmul.f32 v2, v0;
	_ =	sdelay $0x1  }
0xad: {  	v1 =	vadd.f32 v2, v1;
	_ =	sdelay $0x1  }
0xae: {  	v58 =	vld [tilespmem:s20+$0x50];
	[tilespmem:s20+$0x8040] =	vst v1  }
0xaf: {  	v1 =	vld.idx.msk [tilespmem:v57+s2+$0x0], $0xffff;
	_ =	sdelay $0x3  }
0xb0: {  	v59 =	vld [tilespmem:s20+$0x4060]  }
0xb1: {  	v2 =	vsub.f32 v58, v1;
	_ =	sdelay $0x1  }
0xb2: {  	v2 =	vmul.f32 v2, v0;
	_ =	sdelay $0x1  }
0xb3: {  	v1 =	vadd.f32 v2, v1;
	_ =	sdelay $0x1  }
0xb4: {  	v60 =	vld [tilespmem:s20+$0x60];
	[tilespmem:s20+$0x8050] =	vst v1  }
0xb5: {  	v1 =	vld.idx.msk [tilespmem:v59+s2+$0x0], $0xffff;
	_ =	sdelay $0x3  }
0xb6: {  	v61 =	vld [tilespmem:s20+$0x4070]  }
0xb7: {  	v2 =	vsub.f32 v60, v1;
	_ =	sdelay $0x1  }
0xb8: {  	v2 =	vmul.f32 v2, v0;
	_ =	sdelay $0x1  }
0xb9: {  	v1 =	vadd.f32 v2, v1;
	_ =	sdelay $0x1  }
0xba: {  	v62 =	vld [tilespmem:s20+$0x70];
	[tilespmem:s20+$0x8060] =	vst v1  }
0xbb: {  	v1 =	vld.idx.msk [tilespmem:v61+s2+$0x0], $0xffff;
	_ =	sdelay $0x4  }
0xbc: {  	v2 =	vsub.f32 v62, v1;
	_ =	sdelay $0x1  }
0xbd: {  	v63 =	vmul.f32 v2, v0;
	_ =	sdelay $0x1  }
0xbe: {  	s16 =	sadd.s32 $0x1, s16;
	v0 =	vadd.f32 v63, v1  }
0xbf: {  	p0 =	sne.s32 s16, $0xD  }
.Ltmp1:
0xc0: {  	s17 =	sadd.s32 s6, s17;
	[tilespmem:s20+$0x8070] =	vst v0;
	(pc) =	sbr.rel @p0 .LBB2_2-.Ltmp1, $4  }
0xc1: {  	[hbm4b:s17+s2] =	stream.linear.scatter [tilespmem:s14], [sflag:$0x3], $0x4000, $0x38;
	[tilespmem:$0xC200] =	vst v63  }
0xc2: {  	_ =	swait.ge [sflag:s10], $0x4000  }
0xc3: {  	[sflag:s10] =	ssyncset.done $0x0  }
0xc4: {  	[sflag:s10] =	ssyncadd.s32 $0xFFFFC000  }
0xc5: {  	s15 =	sadd.s32 $0x1, s15  }
0xc6: {  	p0 =	sne.s32 s15, s8  }
.Ltmp2:
0xc7: {  	_ = 	snop;
	(pc) =	sbr.rel @p0 .LBB2_1-.Ltmp2, $1  }
0xc8: {  	_ =	sdelay $0x3  }
0xc9: {  	_ =	sfence.sel $0x180000  }
0xca: {  	[bflag:$0x0] =	sbarrier.arrive $0xFFFF  }
0xcb: {  	p0 =	sne.s32 s3, $0x0;
	_ =	strace $0x9000004A  }
0xcc: {  	s0 =	sadd.s32 @!p0 $0x100000, s0;
	[bflag:$0x2] =	sbarrier.arrive $0xFFFF  }
0xcd: {  	[sflag:s0] =	ssyncadd.tile.s32 @!p0 $0x1;
	_ =	shalt  }
.Lfunc_end2:
_tile_overlayer_lowered:
.L_overlay_start_2:
0xce: {  	(tag) =	ssettag $0x2  }
0xcf: {  	s0 =	rddreg [dreg:$0x0];
	s2 =	stileid.u32  }
0xd0: {  	s1 =	rddreg [dreg:$0x1];
	p0 =	sne.s32 s2, $0x0  }
0xd1: {  	s3 =	rddreg [dreg:$0x2];
	[bflag:$0x3] =	sbarrier.arrive $0xFFFF;
	s2 =	simm.s32 @!p0 $0x1C03  }
0xd2: {  	[timem:s3], [sflag:s2] =	dma.local @!p0 [hbm:s0], s1  }
0xd3: {  	s0 =	simm.s32 @!p0 $0x3  }
0xd4: {  	_ =	swait.ge @!p0 [sflag:s0], s1  }
0xd5: {  	s1 =	ssub.s32 @!p0 $0x0, s1;
	[sflag:s0] =	ssyncset.done @!p0 $0x0  }
0xd6: {  	[sflag:s0] =	ssyncadd.s32 @!p0 s1  }
0xd7: {  	[bflag:$0x3] =	sbarrier.arrive $0xFFFF  }
0xd8: {  	_ =	shalt  }

</sc_bundles>
